<compile_context>
chip_gen: v7x
topology: tpu7x:2x2x1
jax: 0.10.2.dev20260603
libtpu: 0.0.44.dev20260713+nightly
codegen_flags: <defaults>
</compile_context>

<pallas_src>
import functools
import jax
import jax.numpy as jnp
from jax import lax
from jax.experimental import pallas as pl
from jax.experimental.pallas import tpu as pltpu
from jax.experimental.pallas import tpu_sc as plsc

_GLOBAL_WEIGHT = 1.0
_LOCAL_WEIGHT = 2.0

_COLS = 128
_NBLK = 512
_NW = 32
_WBLK = _NBLK // _NW
_R4 = 16
_RJ = 4


def _sc_body(p_hbm, o_hbm, g_hbm, l_hbm, out_hbm,
             p_buf, o_buf, g_buf, l_buf, stage,
             p_sem, o_sem, g_sem, l_sem):
    wid = lax.axis_index("s") * 2 + lax.axis_index("c")
    bbase = wid * _WBLK

    one = jnp.int32(1)
    ff = jnp.int32(0xFF)

    g_hbm32 = g_hbm.bitcast(jnp.int32)
    l_hbm32 = l_hbm.bitcast(jnp.int32)

    def copies(c, s):
        b = bbase + c
        return (
            pltpu.make_async_copy(p_hbm.at[b], p_buf.at[s], p_sem),
            pltpu.make_async_copy(o_hbm.at[b], o_buf.at[s], o_sem),
            pltpu.make_async_copy(g_hbm32.at[b], g_buf.at[s], g_sem),
            pltpu.make_async_copy(l_hbm32.at[b], l_buf.at[s], l_sem),
        )

    def start(c, s):
        for cp in copies(c, s):
            cp.start()

    start(0, 0)
    start(1, 1)

    def chunk_body(c, accs):
        acc_g, acc_l, acc_cg, acc_cl = accs
        s = c % 2
        for cp in copies(c, s):
            cp.wait()

        zi = jnp.zeros((16,), jnp.int32)

        @plsc.parallel_loop(0, _R4, carry=(acc_g, acc_l, zi, zi), unroll=2)
        def _rows(r4, carry):
            a_g, a_l, cw_g, cw_l = carry
            for k in range(8):
                wgk = g_buf[s, r4, 0, pl.ds(16 * k, 16)]
                wlk = l_buf[s, r4, 0, pl.ds(16 * k, 16)]
                gok = wgk & (~wlk)
                cw_g = cw_g + gok
                cw_l = cw_l + wlk
                for j in range(_RJ):
                    gb = ((gok >> (8 * j)) & one).astype(jnp.float32)
                    lb = ((wlk >> (8 * j)) & one).astype(jnp.float32)
                    pv = p_buf[s, r4, j, pl.ds(16 * k, 16)]
                    ov = o_buf[s, r4, j, pl.ds(16 * k, 16)]
                    d = pv - ov
                    d2 = d * d
                    a_g = a_g + d2 * gb
                    a_l = a_l + d2 * lb
            return (a_g, a_l, cw_g, cw_l)

        a_g, a_l, cw_g, cw_l = _rows

        def bytesum(w):
            return ((w & ff)
                    + (lax.shift_right_logical(w, 8) & ff)
                    + (lax.shift_right_logical(w, 16) & ff)
                    + (lax.shift_right_logical(w, 24) & ff))

        acc_cg = acc_cg + bytesum(cw_g).astype(jnp.float32)
        acc_cl = acc_cl + bytesum(cw_l).astype(jnp.float32)

        @pl.when(c + 2 < _WBLK)
        def _next():
            start(c + 2, s)

        return (a_g, a_l, acc_cg, acc_cl)

    zf = jnp.zeros((16,), jnp.float32)
    acc_g, acc_l, acc_cg, acc_cl = lax.fori_loop(
        0, _WBLK, chunk_body, (zf, zf, zf, zf))

    stage[0, :] = acc_g
    stage[1, :] = acc_cg
    stage[2, :] = acc_l
    stage[3, :] = acc_cl
    pltpu.sync_copy(stage, out_hbm.at[wid])


def _make_sc_call():
    mesh = plsc.VectorSubcoreMesh(core_axis_name="c", subcore_axis_name="s")
    return functools.partial(
        pl.kernel,
        mesh=mesh,
        out_type=jax.ShapeDtypeStruct((_NW, 4, 16), jnp.float32),
        scratch_types=[
            pltpu.VMEM((2, _R4, _RJ, _COLS), jnp.float32),
            pltpu.VMEM((2, _R4, _RJ, _COLS), jnp.float32),
            pltpu.VMEM((2, _R4, 1, _COLS), jnp.int32),
            pltpu.VMEM((2, _R4, 1, _COLS), jnp.int32),
            pltpu.VMEM((4, 16), jnp.float32),
            pltpu.SemaphoreType.DMA,
            pltpu.SemaphoreType.DMA,
            pltpu.SemaphoreType.DMA,
            pltpu.SemaphoreType.DMA,
        ],
    )(_sc_body)


_sc_call = _make_sc_call()


def kernel(predicted_image, original_image, global_mask, local_mask):
    p = predicted_image.reshape(_NBLK, _R4, _RJ, _COLS)
    o = original_image.reshape(_NBLK, _R4, _RJ, _COLS)
    gm = global_mask.view(jnp.int8).reshape(_NBLK, _R4, _RJ, _COLS)
    lm = local_mask.view(jnp.int8).reshape(_NBLK, _R4, _RJ, _COLS)

    parts = _sc_call(p, o, gm, lm)
    sums = parts.sum(axis=(0, 2))

    global_loss = sums[0] / (sums[1] + 1e-08)
    local_loss = sums[2] / (sums[3] + 1e-08)
    total_loss = _GLOBAL_WEIGHT * global_loss + _LOCAL_WEIGHT * local_loss
    return (total_loss, global_loss, local_loss)

# --- scband reference (transcript-rebuilt; emitter-appended) ---
"""Pipeline reference for scband-mi-mcontroller-83236466196608 (READ-ONLY COPY).

The authoritative reference and input builder live on the scoring server;
editing this copy changes nothing except your own understanding.
"""

import jax, jax.numpy as jnp
import numpy as np

GLOBAL_WEIGHT = 1.0
LOCAL_WEIGHT = 2.0


def setup_inputs(seed: int = 0) -> dict:
    key = jax.random.key(seed)
    k1, k2, k3, k4 = jax.random.split(key, 4)
    B, C, D, H, W = 2, 1, 128, 128, 128
    predicted_image = jax.random.normal(k1, (B, C, D, H, W), dtype=jnp.float32)
    original_image = jax.random.normal(k2, (B, C, D, H, W), dtype=jnp.float32)
    global_mask = jax.random.randint(k3, (B, D, H, W), 0, 2).astype(jnp.bool_)
    local_mask = jax.random.randint(k4, (B, D, H, W), 0, 2).astype(jnp.bool_)
    return {
        'predicted_image': predicted_image,
        'original_image': original_image,
        'global_mask': global_mask,
        'local_mask': local_mask,
    }


def reference(predicted_image, original_image, global_mask, local_mask):
    # Expand [B, D, H, W] masks to [B, C, D, H, W]
    gm = jnp.broadcast_to(global_mask[:, None, :, :, :], original_image.shape)
    lm = jnp.broadcast_to(local_mask[:, None, :, :, :], original_image.shape)
    global_only_mask = gm & (~lm)
    loss_per_voxel = (predicted_image - original_image) ** 2
    global_loss = (loss_per_voxel * global_only_mask.astype(jnp.float32)).sum() / (
        global_only_mask.sum().astype(jnp.float32) + 1e-08)
    local_loss = (loss_per_voxel * lm.astype(jnp.float32)).sum() / (
        lm.sum().astype(jnp.float32) + 1e-08)
    total_loss = GLOBAL_WEIGHT * global_loss + LOCAL_WEIGHT * local_loss
    return (total_loss, global_loss, local_loss)

if __name__ == "__main__":
    import jax
    _d = setup_inputs()
    print(jax.jit(kernel)(*tuple(_d.values())))

</pallas_src>

<mosaic_0001>
#map = affine_map<(d0, d1) -> (0, 0, 0, 0)>
#map1 = affine_map<(d0, d1) -> (0, 0, 0)>
module attributes {stable_mosaic.version = 14 : i64} {
  func.func @_sc_body(%arg0: i32, %arg1: i32, %arg2: memref<512x16x4x128xf32, #tpu.memory_space<hbm>>, %arg3: memref<512x16x4x128xf32, #tpu.memory_space<hbm>>, %arg4: memref<512x16x4x128xi8, #tpu.memory_space<hbm>>, %arg5: memref<512x16x4x128xi8, #tpu.memory_space<hbm>>, %arg6: memref<32x4x16xf32, #tpu.memory_space<hbm>>, %arg7: memref<2x16x4x128xf32, #tpu.memory_space<vmem>>, %arg8: memref<2x16x4x128xf32, #tpu.memory_space<vmem>>, %arg9: memref<2x16x1x128xi32, #tpu.memory_space<vmem>>, %arg10: memref<2x16x1x128xi32, #tpu.memory_space<vmem>>, %arg11: memref<4x16xf32, #tpu.memory_space<vmem>>, %arg12: memref<!tpu.dma_semaphore, #tpu.memory_space<semaphore_mem>>, %arg13: memref<!tpu.dma_semaphore, #tpu.memory_space<semaphore_mem>>, %arg14: memref<!tpu.dma_semaphore, #tpu.memory_space<semaphore_mem>>, %arg15: memref<!tpu.dma_semaphore, #tpu.memory_space<semaphore_mem>>) attributes {dimension_semantics = [#tpu.dimension_semantics<core_parallel>, #tpu.dimension_semantics<subcore_parallel>], iteration_bounds = array<i64: 2, 16>, scalar_prefetch = 0 : i64, scratch_operands = 9 : i64, tpu.core_type = #tpu.core_type<sc_vector_subcore>, window_params = [{transform_indices = #map}, {transform_indices = #map}, {transform_indices = #map}, {transform_indices = #map}, {transform_indices = #map1}]} {
    %mul3A = arith.constant 2 : i32
    %mul3A_0 = arith.muli %arg1, %mul3A : i32
    %add3A = arith.addi %mul3A_0, %arg0 : i32
    %mul3A_1 = arith.constant 16 : i32
    %mul3A_2 = arith.muli %add3A, %mul3A_1 : i32
    %add3A_3 = arith.constant 0 : i32
    %add3A_4 = arith.addi %mul3A_2, %add3A_3 : i32
    %dma_start3A = arith.constant 0 : i32
    %dma_start3A_5 = arith.constant 0 : i32
    %dma_start3A_6 = arith.constant 0 : i32
    %dma_start3A_7 = arith.constant 0 : i32
    %dma_start3A_8 = tpu.memref_slice %arg7[%dma_start3A, %dma_start3A_5, %dma_start3A_6, %dma_start3A_7] : memref<2x16x4x128xf32, #tpu.memory_space<vmem>> -> memref<1x16x4x128xf32, #tpu.memory_space<vmem>>
    %dma_start3A_9 = tpu.memref_squeeze %dma_start3A_8 : memref<1x16x4x128xf32, #tpu.memory_space<vmem>> -> memref<16x4x128xf32, #tpu.memory_space<vmem>>
    %dma_start3A_10 = arith.constant 0 : i32
    %dma_start3A_11 = arith.constant 0 : i32
    %dma_start3A_12 = arith.constant 0 : i32
    %dma_start3A_13 = tpu.memref_slice %arg2[%add3A_4, %dma_start3A_10, %dma_start3A_11, %dma_start3A_12] : memref<512x16x4x128xf32, #tpu.memory_space<hbm>> -> memref<1x16x4x128xf32, #tpu.memory_space<hbm>>
    %dma_start3A_14 = tpu.memref_squeeze %dma_start3A_13 : memref<1x16x4x128xf32, #tpu.memory_space<hbm>> -> memref<16x4x128xf32, #tpu.memory_space<hbm>>
    %dma_start3A_15 = arith.constant 0 : i32
    %dma_start3A_16 = arith.constant 0 : i32
    %dma_start3A_17 = arith.constant 0 : i32
    %dma_start3A_18 = tpu.memref_slice %arg7[%dma_start3A, %dma_start3A_15, %dma_start3A_16, %dma_start3A_17] : memref<2x16x4x128xf32, #tpu.memory_space<vmem>> -> memref<1x16x4x128xf32, #tpu.memory_space<vmem>>
    %dma_start3A_19 = tpu.memref_squeeze %dma_start3A_18 : memref<1x16x4x128xf32, #tpu.memory_space<vmem>> -> memref<16x4x128xf32, #tpu.memory_space<vmem>>
    %dma_start3A_20 = arith.constant 0 : i32
    %dma_start3A_21 = arith.constant 0 : i32
    %dma_start3A_22 = arith.constant 0 : i32
    %dma_start3A_23 = tpu.memref_slice %arg2[%add3A_4, %dma_start3A_20, %dma_start3A_21, %dma_start3A_22] : memref<512x16x4x128xf32, #tpu.memory_space<hbm>> -> memref<1x16x4x128xf32, #tpu.memory_space<hbm>>
    %dma_start3A_24 = tpu.memref_squeeze %dma_start3A_23 : memref<1x16x4x128xf32, #tpu.memory_space<hbm>> -> memref<16x4x128xf32, #tpu.memory_space<hbm>>
    tpu.enqueue_dma source(%dma_start3A_24 : memref<16x4x128xf32, #tpu.memory_space<hbm>>) target(%dma_start3A_19 : memref<16x4x128xf32, #tpu.memory_space<vmem>>) target_semaphore(%arg12 : memref<!tpu.dma_semaphore, #tpu.memory_space<semaphore_mem>>)
    %dma_start3A_25 = arith.constant 0 : i32
    %dma_start3A_26 = arith.constant 0 : i32
    %dma_start3A_27 = arith.constant 0 : i32
    %dma_start3A_28 = arith.constant 0 : i32
    %dma_start3A_29 = tpu.memref_slice %arg8[%dma_start3A_25, %dma_start3A_26, %dma_start3A_27, %dma_start3A_28] : memref<2x16x4x128xf32, #tpu.memory_space<vmem>> -> memref<1x16x4x128xf32, #tpu.memory_space<vmem>>
    %dma_start3A_30 = tpu.memref_squeeze %dma_start3A_29 : memref<1x16x4x128xf32, #tpu.memory_space<vmem>> -> memref<16x4x128xf32, #tpu.memory_space<vmem>>
    %dma_start3A_31 = arith.constant 0 : i32
    %dma_start3A_32 = arith.constant 0 : i32
    %dma_start3A_33 = arith.constant 0 : i32
    %dma_start3A_34 = tpu.memref_slice %arg3[%add3A_4, %dma_start3A_31, %dma_start3A_32, %dma_start3A_33] : memref<512x16x4x128xf32, #tpu.memory_space<hbm>> -> memref<1x16x4x128xf32, #tpu.memory_space<hbm>>
    %dma_start3A_35 = tpu.memref_squeeze %dma_start3A_34 : memref<1x16x4x128xf32, #tpu.memory_space<hbm>> -> memref<16x4x128xf32, #tpu.memory_space<hbm>>
    %dma_start3A_36 = arith.constant 0 : i32
    %dma_start3A_37 = arith.constant 0 : i32
    %dma_start3A_38 = arith.constant 0 : i32
    %dma_start3A_39 = tpu.memref_slice %arg8[%dma_start3A_25, %dma_start3A_36, %dma_start3A_37, %dma_start3A_38] : memref<2x16x4x128xf32, #tpu.memory_space<vmem>> -> memref<1x16x4x128xf32, #tpu.memory_space<vmem>>
    %dma_start3A_40 = tpu.memref_squeeze %dma_start3A_39 : memref<1x16x4x128xf32, #tpu.memory_space<vmem>> -> memref<16x4x128xf32, #tpu.memory_space<vmem>>
    %dma_start3A_41 = arith.constant 0 : i32
    %dma_start3A_42 = arith.constant 0 : i32
    %dma_start3A_43 = arith.constant 0 : i32
    %dma_start3A_44 = tpu.memref_slice %arg3[%add3A_4, %dma_start3A_41, %dma_start3A_42, %dma_start3A_43] : memref<512x16x4x128xf32, #tpu.memory_space<hbm>> -> memref<1x16x4x128xf32, #tpu.memory_space<hbm>>
    %dma_start3A_45 = tpu.memref_squeeze %dma_start3A_44 : memref<1x16x4x128xf32, #tpu.memory_space<hbm>> -> memref<16x4x128xf32, #tpu.memory_space<hbm>>
    tpu.enqueue_dma source(%dma_start3A_45 : memref<16x4x128xf32, #tpu.memory_space<hbm>>) target(%dma_start3A_40 : memref<16x4x128xf32, #tpu.memory_space<vmem>>) target_semaphore(%arg13 : memref<!tpu.dma_semaphore, #tpu.memory_space<semaphore_mem>>)
    %dma_start3A_46 = arith.constant 0 : i32
    %dma_start3A_47 = arith.constant 0 : i32
    %dma_start3A_48 = arith.constant 0 : i32
    %dma_start3A_49 = arith.constant 0 : i32
    %dma_start3A_50 = tpu.memref_slice %arg9[%dma_start3A_46, %dma_start3A_47, %dma_start3A_48, %dma_start3A_49] : memref<2x16x1x128xi32, #tpu.memory_space<vmem>> -> memref<1x16x1x128xi32, #tpu.memory_space<vmem>>
    %dma_start3A_51 = tpu.memref_squeeze %dma_start3A_50 : memref<1x16x1x128xi32, #tpu.memory_space<vmem>> -> memref<16x1x128xi32, #tpu.memory_space<vmem>>
    %dma_start3A_52 = tpu.memref_bitcast %arg4 : memref<512x16x4x128xi8, #tpu.memory_space<hbm>> -> memref<512x16x1x128xi32, #tpu.memory_space<hbm>>
    %dma_start3A_53 = arith.constant 0 : i32
    %dma_start3A_54 = arith.constant 0 : i32
    %dma_start3A_55 = arith.constant 0 : i32
    %dma_start3A_56 = tpu.memref_slice %dma_start3A_52[%add3A_4, %dma_start3A_53, %dma_start3A_54, %dma_start3A_55] : memref<512x16x1x128xi32, #tpu.memory_space<hbm>> -> memref<1x16x1x128xi32, #tpu.memory_space<hbm>>
    %dma_start3A_57 = tpu.memref_squeeze %dma_start3A_56 : memref<1x16x1x128xi32, #tpu.memory_space<hbm>> -> memref<16x1x128xi32, #tpu.memory_space<hbm>>
    %dma_start3A_58 = arith.constant 0 : i32
    %dma_start3A_59 = arith.constant 0 : i32
    %dma_start3A_60 = arith.constant 0 : i32
    %dma_start3A_61 = tpu.memref_slice %arg9[%dma_start3A_46, %dma_start3A_58, %dma_start3A_59, %dma_start3A_60] : memref<2x16x1x128xi32, #tpu.memory_space<vmem>> -> memref<1x16x1x128xi32, #tpu.memory_space<vmem>>
    %dma_start3A_62 = tpu.memref_squeeze %dma_start3A_61 : memref<1x16x1x128xi32, #tpu.memory_space<vmem>> -> memref<16x1x128xi32, #tpu.memory_space<vmem>>
    %dma_start3A_63 = tpu.memref_bitcast %arg4 : memref<512x16x4x128xi8, #tpu.memory_space<hbm>> -> memref<512x16x1x128xi32, #tpu.memory_space<hbm>>
    %dma_start3A_64 = arith.constant 0 : i32
    %dma_start3A_65 = arith.constant 0 : i32
    %dma_start3A_66 = arith.constant 0 : i32
    %dma_start3A_67 = tpu.memref_slice %dma_start3A_63[%add3A_4, %dma_start3A_64, %dma_start3A_65, %dma_start3A_66] : memref<512x16x1x128xi32, #tpu.memory_space<hbm>> -> memref<1x16x1x128xi32, #tpu.memory_space<hbm>>
    %dma_start3A_68 = tpu.memref_squeeze %dma_start3A_67 : memref<1x16x1x128xi32, #tpu.memory_space<hbm>> -> memref<16x1x128xi32, #tpu.memory_space<hbm>>
    tpu.enqueue_dma source(%dma_start3A_68 : memref<16x1x128xi32, #tpu.memory_space<hbm>>) target(%dma_start3A_62 : memref<16x1x128xi32, #tpu.memory_space<vmem>>) target_semaphore(%arg14 : memref<!tpu.dma_semaphore, #tpu.memory_space<semaphore_mem>>)
    %dma_start3A_69 = arith.constant 0 : i32
    %dma_start3A_70 = arith.constant 0 : i32
    %dma_start3A_71 = arith.constant 0 : i32
    %dma_start3A_72 = arith.constant 0 : i32
    %dma_start3A_73 = tpu.memref_slice %arg10[%dma_start3A_69, %dma_start3A_70, %dma_start3A_71, %dma_start3A_72] : memref<2x16x1x128xi32, #tpu.memory_space<vmem>> -> memref<1x16x1x128xi32, #tpu.memory_space<vmem>>
    %dma_start3A_74 = tpu.memref_squeeze %dma_start3A_73 : memref<1x16x1x128xi32, #tpu.memory_space<vmem>> -> memref<16x1x128xi32, #tpu.memory_space<vmem>>
    %dma_start3A_75 = tpu.memref_bitcast %arg5 : memref<512x16x4x128xi8, #tpu.memory_space<hbm>> -> memref<512x16x1x128xi32, #tpu.memory_space<hbm>>
    %dma_start3A_76 = arith.constant 0 : i32
    %dma_start3A_77 = arith.constant 0 : i32
    %dma_start3A_78 = arith.constant 0 : i32
    %dma_start3A_79 = tpu.memref_slice %dma_start3A_75[%add3A_4, %dma_start3A_76, %dma_start3A_77, %dma_start3A_78] : memref<512x16x1x128xi32, #tpu.memory_space<hbm>> -> memref<1x16x1x128xi32, #tpu.memory_space<hbm>>
    %dma_start3A_80 = tpu.memref_squeeze %dma_start3A_79 : memref<1x16x1x128xi32, #tpu.memory_space<hbm>> -> memref<16x1x128xi32, #tpu.memory_space<hbm>>
    %dma_start3A_81 = arith.constant 0 : i32
    %dma_start3A_82 = arith.constant 0 : i32
    %dma_start3A_83 = arith.constant 0 : i32
    %dma_start3A_84 = tpu.memref_slice %arg10[%dma_start3A_69, %dma_start3A_81, %dma_start3A_82, %dma_start3A_83] : memref<2x16x1x128xi32, #tpu.memory_space<vmem>> -> memref<1x16x1x128xi32, #tpu.memory_space<vmem>>
    %dma_start3A_85 = tpu.memref_squeeze %dma_start3A_84 : memref<1x16x1x128xi32, #tpu.memory_space<vmem>> -> memref<16x1x128xi32, #tpu.memory_space<vmem>>
    %dma_start3A_86 = tpu.memref_bitcast %arg5 : memref<512x16x4x128xi8, #tpu.memory_space<hbm>> -> memref<512x16x1x128xi32, #tpu.memory_space<hbm>>
    %dma_start3A_87 = arith.constant 0 : i32
    %dma_start3A_88 = arith.constant 0 : i32
    %dma_start3A_89 = arith.constant 0 : i32
    %dma_start3A_90 = tpu.memref_slice %dma_start3A_86[%add3A_4, %dma_start3A_87, %dma_start3A_88, %dma_start3A_89] : memref<512x16x1x128xi32, #tpu.memory_space<hbm>> -> memref<1x16x1x128xi32, #tpu.memory_space<hbm>>
    %dma_start3A_91 = tpu.memref_squeeze %dma_start3A_90 : memref<1x16x1x128xi32, #tpu.memory_space<hbm>> -> memref<16x1x128xi32, #tpu.memory_space<hbm>>
    tpu.enqueue_dma source(%dma_start3A_91 : memref<16x1x128xi32, #tpu.memory_space<hbm>>) target(%dma_start3A_85 : memref<16x1x128xi32, #tpu.memory_space<vmem>>) target_semaphore(%arg15 : memref<!tpu.dma_semaphore, #tpu.memory_space<semaphore_mem>>)
    %add3A_92 = arith.constant 1 : i32
    %add3A_93 = arith.addi %mul3A_2, %add3A_92 : i32
    %dma_start3A_94 = arith.constant 1 : i32
    %dma_start3A_95 = arith.constant 0 : i32
    %dma_start3A_96 = arith.constant 0 : i32
    %dma_start3A_97 = arith.constant 0 : i32
    %dma_start3A_98 = tpu.memref_slice %arg7[%dma_start3A_94, %dma_start3A_95, %dma_start3A_96, %dma_start3A_97] : memref<2x16x4x128xf32, #tpu.memory_space<vmem>> -> memref<1x16x4x128xf32, #tpu.memory_space<vmem>>
    %dma_start3A_99 = tpu.memref_squeeze %dma_start3A_98 : memref<1x16x4x128xf32, #tpu.memory_space<vmem>> -> memref<16x4x128xf32, #tpu.memory_space<vmem>>
    %dma_start3A_100 = arith.constant 0 : i32
    %dma_start3A_101 = arith.constant 0 : i32
    %dma_start3A_102 = arith.constant 0 : i32
    %dma_start3A_103 = tpu.memref_slice %arg2[%add3A_93, %dma_start3A_100, %dma_start3A_101, %dma_start3A_102] : memref<512x16x4x128xf32, #tpu.memory_space<hbm>> -> memref<1x16x4x128xf32, #tpu.memory_space<hbm>>
    %dma_start3A_104 = tpu.memref_squeeze %dma_start3A_103 : memref<1x16x4x128xf32, #tpu.memory_space<hbm>> -> memref<16x4x128xf32, #tpu.memory_space<hbm>>
    %dma_start3A_105 = arith.constant 0 : i32
    %dma_start3A_106 = arith.constant 0 : i32
    %dma_start3A_107 = arith.constant 0 : i32
    %dma_start3A_108 = tpu.memref_slice %arg7[%dma_start3A_94, %dma_start3A_105, %dma_start3A_106, %dma_start3A_107] : memref<2x16x4x128xf32, #tpu.memory_space<vmem>> -> memref<1x16x4x128xf32, #tpu.memory_space<vmem>>
    %dma_start3A_109 = tpu.memref_squeeze %dma_start3A_108 : memref<1x16x4x128xf32, #tpu.memory_space<vmem>> -> memref<16x4x128xf32, #tpu.memory_space<vmem>>
    %dma_start3A_110 = arith.constant 0 : i32
    %dma_start3A_111 = arith.constant 0 : i32
    %dma_start3A_112 = arith.constant 0 : i32
    %dma_start3A_113 = tpu.memref_slice %arg2[%add3A_93, %dma_start3A_110, %dma_start3A_111, %dma_start3A_112] : memref<512x16x4x128xf32, #tpu.memory_space<hbm>> -> memref<1x16x4x128xf32, #tpu.memory_space<hbm>>
    %dma_start3A_114 = tpu.memref_squeeze %dma_start3A_113 : memref<1x16x4x128xf32, #tpu.memory_space<hbm>> -> memref<16x4x128xf32, #tpu.memory_space<hbm>>
    tpu.enqueue_dma source(%dma_start3A_114 : memref<16x4x128xf32, #tpu.memory_space<hbm>>) target(%dma_start3A_109 : memref<16x4x128xf32, #tpu.memory_space<vmem>>) target_semaphore(%arg12 : memref<!tpu.dma_semaphore, #tpu.memory_space<semaphore_mem>>)
    %dma_start3A_115 = arith.constant 1 : i32
    %dma_start3A_116 = arith.constant 0 : i32
    %dma_start3A_117 = arith.constant 0 : i32
    %dma_start3A_118 = arith.constant 0 : i32
    %dma_start3A_119 = tpu.memref_slice %arg8[%dma_start3A_115, %dma_start3A_116, %dma_start3A_117, %dma_start3A_118] : memref<2x16x4x128xf32, #tpu.memory_space<vmem>> -> memref<1x16x4x128xf32, #tpu.memory_space<vmem>>
    %dma_start3A_120 = tpu.memref_squeeze %dma_start3A_119 : memref<1x16x4x128xf32, #tpu.memory_space<vmem>> -> memref<16x4x128xf32, #tpu.memory_space<vmem>>
    %dma_start3A_121 = arith.constant 0 : i32
    %dma_start3A_122 = arith.constant 0 : i32
    %dma_start3A_123 = arith.constant 0 : i32
    %dma_start3A_124 = tpu.memref_slice %arg3[%add3A_93, %dma_start3A_121, %dma_start3A_122, %dma_start3A_123] : memref<512x16x4x128xf32, #tpu.memory_space<hbm>> -> memref<1x16x4x128xf32, #tpu.memory_space<hbm>>
    %dma_start3A_125 = tpu.memref_squeeze %dma_start3A_124 : memref<1x16x4x128xf32, #tpu.memory_space<hbm>> -> memref<16x4x128xf32, #tpu.memory_space<hbm>>
    %dma_start3A_126 = arith.constant 0 : i32
    %dma_start3A_127 = arith.constant 0 : i32
    %dma_start3A_128 = arith.constant 0 : i32
    %dma_start3A_129 = tpu.memref_slice %arg8[%dma_start3A_115, %dma_start3A_126, %dma_start3A_127, %dma_start3A_128] : memref<2x16x4x128xf32, #tpu.memory_space<vmem>> -> memref<1x16x4x128xf32, #tpu.memory_space<vmem>>
    %dma_start3A_130 = tpu.memref_squeeze %dma_start3A_129 : memref<1x16x4x128xf32, #tpu.memory_space<vmem>> -> memref<16x4x128xf32, #tpu.memory_space<vmem>>
    %dma_start3A_131 = arith.constant 0 : i32
    %dma_start3A_132 = arith.constant 0 : i32
    %dma_start3A_133 = arith.constant 0 : i32
    %dma_start3A_134 = tpu.memref_slice %arg3[%add3A_93, %dma_start3A_131, %dma_start3A_132, %dma_start3A_133] : memref<512x16x4x128xf32, #tpu.memory_space<hbm>> -> memref<1x16x4x128xf32, #tpu.memory_space<hbm>>
    %dma_start3A_135 = tpu.memref_squeeze %dma_start3A_134 : memref<1x16x4x128xf32, #tpu.memory_space<hbm>> -> memref<16x4x128xf32, #tpu.memory_space<hbm>>
    tpu.enqueue_dma source(%dma_start3A_135 : memref<16x4x128xf32, #tpu.memory_space<hbm>>) target(%dma_start3A_130 : memref<16x4x128xf32, #tpu.memory_space<vmem>>) target_semaphore(%arg13 : memref<!tpu.dma_semaphore, #tpu.memory_space<semaphore_mem>>)
    %dma_start3A_136 = arith.constant 1 : i32
    %dma_start3A_137 = arith.constant 0 : i32
    %dma_start3A_138 = arith.constant 0 : i32
    %dma_start3A_139 = arith.constant 0 : i32
    %dma_start3A_140 = tpu.memref_slice %arg9[%dma_start3A_136, %dma_start3A_137, %dma_start3A_138, %dma_start3A_139] : memref<2x16x1x128xi32, #tpu.memory_space<vmem>> -> memref<1x16x1x128xi32, #tpu.memory_space<vmem>>
    %dma_start3A_141 = tpu.memref_squeeze %dma_start3A_140 : memref<1x16x1x128xi32, #tpu.memory_space<vmem>> -> memref<16x1x128xi32, #tpu.memory_space<vmem>>
    %dma_start3A_142 = tpu.memref_bitcast %arg4 : memref<512x16x4x128xi8, #tpu.memory_space<hbm>> -> memref<512x16x1x128xi32, #tpu.memory_space<hbm>>
    %dma_start3A_143 = arith.constant 0 : i32
    %dma_start3A_144 = arith.constant 0 : i32
    %dma_start3A_145 = arith.constant 0 : i32
    %dma_start3A_146 = tpu.memref_slice %dma_start3A_142[%add3A_93, %dma_start3A_143, %dma_start3A_144, %dma_start3A_145] : memref<512x16x1x128xi32, #tpu.memory_space<hbm>> -> memref<1x16x1x128xi32, #tpu.memory_space<hbm>>
    %dma_start3A_147 = tpu.memref_squeeze %dma_start3A_146 : memref<1x16x1x128xi32, #tpu.memory_space<hbm>> -> memref<16x1x128xi32, #tpu.memory_space<hbm>>
    %dma_start3A_148 = arith.constant 0 : i32
    %dma_start3A_149 = arith.constant 0 : i32
    %dma_start3A_150 = arith.constant 0 : i32
    %dma_start3A_151 = tpu.memref_slice %arg9[%dma_start3A_136, %dma_start3A_148, %dma_start3A_149, %dma_start3A_150] : memref<2x16x1x128xi32, #tpu.memory_space<vmem>> -> memref<1x16x1x128xi32, #tpu.memory_space<vmem>>
    %dma_start3A_152 = tpu.memref_squeeze %dma_start3A_151 : memref<1x16x1x128xi32, #tpu.memory_space<vmem>> -> memref<16x1x128xi32, #tpu.memory_space<vmem>>
    %dma_start3A_153 = tpu.memref_bitcast %arg4 : memref<512x16x4x128xi8, #tpu.memory_space<hbm>> -> memref<512x16x1x128xi32, #tpu.memory_space<hbm>>
    %dma_start3A_154 = arith.constant 0 : i32
    %dma_start3A_155 = arith.constant 0 : i32
    %dma_start3A_156 = arith.constant 0 : i32
    %dma_start3A_157 = tpu.memref_slice %dma_start3A_153[%add3A_93, %dma_start3A_154, %dma_start3A_155, %dma_start3A_156] : memref<512x16x1x128xi32, #tpu.memory_space<hbm>> -> memref<1x16x1x128xi32, #tpu.memory_space<hbm>>
    %dma_start3A_158 = tpu.memref_squeeze %dma_start3A_157 : memref<1x16x1x128xi32, #tpu.memory_space<hbm>> -> memref<16x1x128xi32, #tpu.memory_space<hbm>>
    tpu.enqueue_dma source(%dma_start3A_158 : memref<16x1x128xi32, #tpu.memory_space<hbm>>) target(%dma_start3A_152 : memref<16x1x128xi32, #tpu.memory_space<vmem>>) target_semaphore(%arg14 : memref<!tpu.dma_semaphore, #tpu.memory_space<semaphore_mem>>)
    %dma_start3A_159 = arith.constant 1 : i32
    %dma_start3A_160 = arith.constant 0 : i32
    %dma_start3A_161 = arith.constant 0 : i32
    %dma_start3A_162 = arith.constant 0 : i32
    %dma_start3A_163 = tpu.memref_slice %arg10[%dma_start3A_159, %dma_start3A_160, %dma_start3A_161, %dma_start3A_162] : memref<2x16x1x128xi32, #tpu.memory_space<vmem>> -> memref<1x16x1x128xi32, #tpu.memory_space<vmem>>
    %dma_start3A_164 = tpu.memref_squeeze %dma_start3A_163 : memref<1x16x1x128xi32, #tpu.memory_space<vmem>> -> memref<16x1x128xi32, #tpu.memory_space<vmem>>
    %dma_start3A_165 = tpu.memref_bitcast %arg5 : memref<512x16x4x128xi8, #tpu.memory_space<hbm>> -> memref<512x16x1x128xi32, #tpu.memory_space<hbm>>
    %dma_start3A_166 = arith.constant 0 : i32
    %dma_start3A_167 = arith.constant 0 : i32
    %dma_start3A_168 = arith.constant 0 : i32
    %dma_start3A_169 = tpu.memref_slice %dma_start3A_165[%add3A_93, %dma_start3A_166, %dma_start3A_167, %dma_start3A_168] : memref<512x16x1x128xi32, #tpu.memory_space<hbm>> -> memref<1x16x1x128xi32, #tpu.memory_space<hbm>>
    %dma_start3A_170 = tpu.memref_squeeze %dma_start3A_169 : memref<1x16x1x128xi32, #tpu.memory_space<hbm>> -> memref<16x1x128xi32, #tpu.memory_space<hbm>>
    %dma_start3A_171 = arith.constant 0 : i32
    %dma_start3A_172 = arith.constant 0 : i32
    %dma_start3A_173 = arith.constant 0 : i32
    %dma_start3A_174 = tpu.memref_slice %arg10[%dma_start3A_159, %dma_start3A_171, %dma_start3A_172, %dma_start3A_173] : memref<2x16x1x128xi32, #tpu.memory_space<vmem>> -> memref<1x16x1x128xi32, #tpu.memory_space<vmem>>
    %dma_start3A_175 = tpu.memref_squeeze %dma_start3A_174 : memref<1x16x1x128xi32, #tpu.memory_space<vmem>> -> memref<16x1x128xi32, #tpu.memory_space<vmem>>
    %dma_start3A_176 = tpu.memref_bitcast %arg5 : memref<512x16x4x128xi8, #tpu.memory_space<hbm>> -> memref<512x16x1x128xi32, #tpu.memory_space<hbm>>
    %dma_start3A_177 = arith.constant 0 : i32
    %dma_start3A_178 = arith.constant 0 : i32
    %dma_start3A_179 = arith.constant 0 : i32
    %dma_start3A_180 = tpu.memref_slice %dma_start3A_176[%add3A_93, %dma_start3A_177, %dma_start3A_178, %dma_start3A_179] : memref<512x16x1x128xi32, #tpu.memory_space<hbm>> -> memref<1x16x1x128xi32, #tpu.memory_space<hbm>>
    %dma_start3A_181 = tpu.memref_squeeze %dma_start3A_180 : memref<1x16x1x128xi32, #tpu.memory_space<hbm>> -> memref<16x1x128xi32, #tpu.memory_space<hbm>>
    tpu.enqueue_dma source(%dma_start3A_181 : memref<16x1x128xi32, #tpu.memory_space<hbm>>) target(%dma_start3A_175 : memref<16x1x128xi32, #tpu.memory_space<vmem>>) target_semaphore(%arg15 : memref<!tpu.dma_semaphore, #tpu.memory_space<semaphore_mem>>)
    %broadcast_in_dim3A = arith.constant 0.000000e+00 : f32
    %broadcast_in_dim3A_182 = vector.broadcast %broadcast_in_dim3A : f32 to vector<16xf32>
    %scan3A = arith.constant 1 : i32
    %scan3A_183 = arith.constant 255 : i32
    %scan3A_184 = arith.constant 0 : i32
    %scan3A_185 = arith.constant 16 : i32
    %scan3A_186 = arith.addi %scan3A_184, %scan3A_185 : i32
    %scan3A_187 = arith.constant 1 : i32
    %scan3A_188:4 = scf.for %scan3A_213 = %scan3A_184 to %scan3A_186 step %scan3A_187 iter_args(%scan3A_214 = %broadcast_in_dim3A_182, %scan3A_215 = %broadcast_in_dim3A_182, %scan3A_216 = %broadcast_in_dim3A_182, %scan3A_217 = %broadcast_in_dim3A_182) -> (vector<16xf32>, vector<16xf32>, vector<16xf32>, vector<16xf32>)  : i32 {
      %jit3A = arith.constant 2 : i32
      %eq3A = arith.constant 0 : i32
      %eq3A_218 = arith.cmpi eq, %jit3A, %eq3A : i32
      %jit3A_219 = arith.constant 1 : i32
      %select_n3A = arith.select %eq3A_218, %jit3A_219, %jit3A : i32
      %rem3A = arith.remsi %scan3A_213, %select_n3A : i32
      %ne3A = arith.constant 0 : i32
      %ne3A_220 = arith.cmpi ne, %rem3A, %ne3A : i32
      %lt3A = arith.constant 0 : i32
      %lt3A_221 = arith.cmpi slt, %rem3A, %lt3A : i32
      %lt3A_222 = arith.constant 0 : i32
      %lt3A_223 = arith.cmpi slt, %select_n3A, %lt3A_222 : i32
      %ne3A_224 = arith.xori %lt3A_221, %lt3A_223 : i1
      %and3A = arith.andi %ne3A_224, %ne3A_220 : i1
      %add3A_225 = arith.addi %rem3A, %select_n3A : i32
      %select_n3A_226 = arith.select %and3A, %add3A_225, %rem3A : i32
      %add3A_227 = arith.addi %mul3A_2, %scan3A_213 : i32
      %dma_wait3A = arith.constant 0 : i32
      %dma_wait3A_228 = arith.constant 0 : i32
      %dma_wait3A_229 = arith.constant 0 : i32
      %dma_wait3A_230 = tpu.memref_slice %arg7[%select_n3A_226, %dma_wait3A, %dma_wait3A_228, %dma_wait3A_229] : memref<2x16x4x128xf32, #tpu.memory_space<vmem>> -> memref<1x16x4x128xf32, #tpu.memory_space<vmem>>
      %dma_wait3A_231 = tpu.memref_squeeze %dma_wait3A_230 : memref<1x16x4x128xf32, #tpu.memory_space<vmem>> -> memref<16x4x128xf32, #tpu.memory_space<vmem>>
      %dma_wait3A_232 = arith.constant 0 : i32
      %dma_wait3A_233 = arith.constant 0 : i32
      %dma_wait3A_234 = arith.constant 0 : i32
      %dma_wait3A_235 = tpu.memref_slice %arg2[%add3A_227, %dma_wait3A_232, %dma_wait3A_233, %dma_wait3A_234] : memref<512x16x4x128xf32, #tpu.memory_space<hbm>> -> memref<1x16x4x128xf32, #tpu.memory_space<hbm>>
      %dma_wait3A_236 = tpu.memref_squeeze %dma_wait3A_235 : memref<1x16x4x128xf32, #tpu.memory_space<hbm>> -> memref<16x4x128xf32, #tpu.memory_space<hbm>>
      %dma_wait3A_237 = arith.constant 0 : i32
      %dma_wait3A_238 = arith.constant 0 : i32
      %dma_wait3A_239 = arith.constant 0 : i32
      %dma_wait3A_240 = tpu.memref_slice %arg7[%select_n3A_226, %dma_wait3A_237, %dma_wait3A_238, %dma_wait3A_239] : memref<2x16x4x128xf32, #tpu.memory_space<vmem>> -> memref<1x16x4x128xf32, #tpu.memory_space<vmem>>
      %dma_wait3A_241 = tpu.memref_squeeze %dma_wait3A_240 : memref<1x16x4x128xf32, #tpu.memory_space<vmem>> -> memref<16x4x128xf32, #tpu.memory_space<vmem>>
      %dma_wait3A_242 = arith.constant 0 : i32
      %dma_wait3A_243 = arith.constant 0 : i32
      %dma_wait3A_244 = arith.constant 0 : i32
      %dma_wait3A_245 = tpu.memref_slice %arg2[%add3A_227, %dma_wait3A_242, %dma_wait3A_243, %dma_wait3A_244] : memref<512x16x4x128xf32, #tpu.memory_space<hbm>> -> memref<1x16x4x128xf32, #tpu.memory_space<hbm>>
      %dma_wait3A_246 = tpu.memref_squeeze %dma_wait3A_245 : memref<1x16x4x128xf32, #tpu.memory_space<hbm>> -> memref<16x4x128xf32, #tpu.memory_space<hbm>>
      tpu.wait_dma2 semaphore(%arg12 : memref<!tpu.dma_semaphore, #tpu.memory_space<semaphore_mem>>) src(%dma_wait3A_246 : memref<16x4x128xf32, #tpu.memory_space<hbm>>) dst(%dma_wait3A_241 : memref<16x4x128xf32, #tpu.memory_space<vmem>>)
      %dma_wait3A_247 = arith.constant 0 : i32
      %dma_wait3A_248 = arith.constant 0 : i32
      %dma_wait3A_249 = arith.constant 0 : i32
      %dma_wait3A_250 = tpu.memref_slice %arg8[%select_n3A_226, %dma_wait3A_247, %dma_wait3A_248, %dma_wait3A_249] : memref<2x16x4x128xf32, #tpu.memory_space<vmem>> -> memref<1x16x4x128xf32, #tpu.memory_space<vmem>>
      %dma_wait3A_251 = tpu.memref_squeeze %dma_wait3A_250 : memref<1x16x4x128xf32, #tpu.memory_space<vmem>> -> memref<16x4x128xf32, #tpu.memory_space<vmem>>
      %dma_wait3A_252 = arith.constant 0 : i32
      %dma_wait3A_253 = arith.constant 0 : i32
      %dma_wait3A_254 = arith.constant 0 : i32
      %dma_wait3A_255 = tpu.memref_slice %arg3[%add3A_227, %dma_wait3A_252, %dma_wait3A_253, %dma_wait3A_254] : memref<512x16x4x128xf32, #tpu.memory_space<hbm>> -> memref<1x16x4x128xf32, #tpu.memory_space<hbm>>
      %dma_wait3A_256 = tpu.memref_squeeze %dma_wait3A_255 : memref<1x16x4x128xf32, #tpu.memory_space<hbm>> -> memref<16x4x128xf32, #tpu.memory_space<hbm>>
      %dma_wait3A_257 = arith.constant 0 : i32
      %dma_wait3A_258 = arith.constant 0 : i32
      %dma_wait3A_259 = arith.constant 0 : i32
      %dma_wait3A_260 = tpu.memref_slice %arg8[%select_n3A_226, %dma_wait3A_257, %dma_wait3A_258, %dma_wait3A_259] : memref<2x16x4x128xf32, #tpu.memory_space<vmem>> -> memref<1x16x4x128xf32, #tpu.memory_space<vmem>>
      %dma_wait3A_261 = tpu.memref_squeeze %dma_wait3A_260 : memref<1x16x4x128xf32, #tpu.memory_space<vmem>> -> memref<16x4x128xf32, #tpu.memory_space<vmem>>
      %dma_wait3A_262 = arith.constant 0 : i32
      %dma_wait3A_263 = arith.constant 0 : i32
      %dma_wait3A_264 = arith.constant 0 : i32
      %dma_wait3A_265 = tpu.memref_slice %arg3[%add3A_227, %dma_wait3A_262, %dma_wait3A_263, %dma_wait3A_264] : memref<512x16x4x128xf32, #tpu.memory_space<hbm>> -> memref<1x16x4x128xf32, #tpu.memory_space<hbm>>
      %dma_wait3A_266 = tpu.memref_squeeze %dma_wait3A_265 : memref<1x16x4x128xf32, #tpu.memory_space<hbm>> -> memref<16x4x128xf32, #tpu.memory_space<hbm>>
      tpu.wait_dma2 semaphore(%arg13 : memref<!tpu.dma_semaphore, #tpu.memory_space<semaphore_mem>>) src(%dma_wait3A_266 : memref<16x4x128xf32, #tpu.memory_space<hbm>>) dst(%dma_wait3A_261 : memref<16x4x128xf32, #tpu.memory_space<vmem>>)
      %dma_wait3A_267 = arith.constant 0 : i32
      %dma_wait3A_268 = arith.constant 0 : i32
      %dma_wait3A_269 = arith.constant 0 : i32
      %dma_wait3A_270 = tpu.memref_slice %arg9[%select_n3A_226, %dma_wait3A_267, %dma_wait3A_268, %dma_wait3A_269] : memref<2x16x1x128xi32, #tpu.memory_space<vmem>> -> memref<1x16x1x128xi32, #tpu.memory_space<vmem>>
      %dma_wait3A_271 = tpu.memref_squeeze %dma_wait3A_270 : memref<1x16x1x128xi32, #tpu.memory_space<vmem>> -> memref<16x1x128xi32, #tpu.memory_space<vmem>>
      %dma_wait3A_272 = tpu.memref_bitcast %arg4 : memref<512x16x4x128xi8, #tpu.memory_space<hbm>> -> memref<512x16x1x128xi32, #tpu.memory_space<hbm>>
      %dma_wait3A_273 = arith.constant 0 : i32
      %dma_wait3A_274 = arith.constant 0 : i32
      %dma_wait3A_275 = arith.constant 0 : i32
      %dma_wait3A_276 = tpu.memref_slice %dma_wait3A_272[%add3A_227, %dma_wait3A_273, %dma_wait3A_274, %dma_wait3A_275] : memref<512x16x1x128xi32, #tpu.memory_space<hbm>> -> memref<1x16x1x128xi32, #tpu.memory_space<hbm>>
      %dma_wait3A_277 = tpu.memref_squeeze %dma_wait3A_276 : memref<1x16x1x128xi32, #tpu.memory_space<hbm>> -> memref<16x1x128xi32, #tpu.memory_space<hbm>>
      %dma_wait3A_278 = arith.constant 0 : i32
      %dma_wait3A_279 = arith.constant 0 : i32
      %dma_wait3A_280 = arith.constant 0 : i32
      %dma_wait3A_281 = tpu.memref_slice %arg9[%select_n3A_226, %dma_wait3A_278, %dma_wait3A_279, %dma_wait3A_280] : memref<2x16x1x128xi32, #tpu.memory_space<vmem>> -> memref<1x16x1x128xi32, #tpu.memory_space<vmem>>
      %dma_wait3A_282 = tpu.memref_squeeze %dma_wait3A_281 : memref<1x16x1x128xi32, #tpu.memory_space<vmem>> -> memref<16x1x128xi32, #tpu.memory_space<vmem>>
      %dma_wait3A_283 = tpu.memref_bitcast %arg4 : memref<512x16x4x128xi8, #tpu.memory_space<hbm>> -> memref<512x16x1x128xi32, #tpu.memory_space<hbm>>
      %dma_wait3A_284 = arith.constant 0 : i32
      %dma_wait3A_285 = arith.constant 0 : i32
      %dma_wait3A_286 = arith.constant 0 : i32
      %dma_wait3A_287 = tpu.memref_slice %dma_wait3A_283[%add3A_227, %dma_wait3A_284, %dma_wait3A_285, %dma_wait3A_286] : memref<512x16x1x128xi32, #tpu.memory_space<hbm>> -> memref<1x16x1x128xi32, #tpu.memory_space<hbm>>
      %dma_wait3A_288 = tpu.memref_squeeze %dma_wait3A_287 : memref<1x16x1x128xi32, #tpu.memory_space<hbm>> -> memref<16x1x128xi32, #tpu.memory_space<hbm>>
      tpu.wait_dma2 semaphore(%arg14 : memref<!tpu.dma_semaphore, #tpu.memory_space<semaphore_mem>>) src(%dma_wait3A_288 : memref<16x1x128xi32, #tpu.memory_space<hbm>>) dst(%dma_wait3A_282 : memref<16x1x128xi32, #tpu.memory_space<vmem>>)
      %dma_wait3A_289 = arith.constant 0 : i32
      %dma_wait3A_290 = arith.constant 0 : i32
      %dma_wait3A_291 = arith.constant 0 : i32
      %dma_wait3A_292 = tpu.memref_slice %arg10[%select_n3A_226, %dma_wait3A_289, %dma_wait3A_290, %dma_wait3A_291] : memref<2x16x1x128xi32, #tpu.memory_space<vmem>> -> memref<1x16x1x128xi32, #tpu.memory_space<vmem>>
      %dma_wait3A_293 = tpu.memref_squeeze %dma_wait3A_292 : memref<1x16x1x128xi32, #tpu.memory_space<vmem>> -> memref<16x1x128xi32, #tpu.memory_space<vmem>>
      %dma_wait3A_294 = tpu.memref_bitcast %arg5 : memref<512x16x4x128xi8, #tpu.memory_space<hbm>> -> memref<512x16x1x128xi32, #tpu.memory_space<hbm>>
      %dma_wait3A_295 = arith.constant 0 : i32
      %dma_wait3A_296 = arith.constant 0 : i32
      %dma_wait3A_297 = arith.constant 0 : i32
      %dma_wait3A_298 = tpu.memref_slice %dma_wait3A_294[%add3A_227, %dma_wait3A_295, %dma_wait3A_296, %dma_wait3A_297] : memref<512x16x1x128xi32, #tpu.memory_space<hbm>> -> memref<1x16x1x128xi32, #tpu.memory_space<hbm>>
      %dma_wait3A_299 = tpu.memref_squeeze %dma_wait3A_298 : memref<1x16x1x128xi32, #tpu.memory_space<hbm>> -> memref<16x1x128xi32, #tpu.memory_space<hbm>>
      %dma_wait3A_300 = arith.constant 0 : i32
      %dma_wait3A_301 = arith.constant 0 : i32
      %dma_wait3A_302 = arith.constant 0 : i32
      %dma_wait3A_303 = tpu.memref_slice %arg10[%select_n3A_226, %dma_wait3A_300, %dma_wait3A_301, %dma_wait3A_302] : memref<2x16x1x128xi32, #tpu.memory_space<vmem>> -> memref<1x16x1x128xi32, #tpu.memory_space<vmem>>
      %dma_wait3A_304 = tpu.memref_squeeze %dma_wait3A_303 : memref<1x16x1x128xi32, #tpu.memory_space<vmem>> -> memref<16x1x128xi32, #tpu.memory_space<vmem>>
      %dma_wait3A_305 = tpu.memref_bitcast %arg5 : memref<512x16x4x128xi8, #tpu.memory_space<hbm>> -> memref<512x16x1x128xi32, #tpu.memory_space<hbm>>
      %dma_wait3A_306 = arith.constant 0 : i32
      %dma_wait3A_307 = arith.constant 0 : i32
      %dma_wait3A_308 = arith.constant 0 : i32
      %dma_wait3A_309 = tpu.memref_slice %dma_wait3A_305[%add3A_227, %dma_wait3A_306, %dma_wait3A_307, %dma_wait3A_308] : memref<512x16x1x128xi32, #tpu.memory_space<hbm>> -> memref<1x16x1x128xi32, #tpu.memory_space<hbm>>
      %dma_wait3A_310 = tpu.memref_squeeze %dma_wait3A_309 : memref<1x16x1x128xi32, #tpu.memory_space<hbm>> -> memref<16x1x128xi32, #tpu.memory_space<hbm>>
      tpu.wait_dma2 semaphore(%arg15 : memref<!tpu.dma_semaphore, #tpu.memory_space<semaphore_mem>>) src(%dma_wait3A_310 : memref<16x1x128xi32, #tpu.memory_space<hbm>>) dst(%dma_wait3A_304 : memref<16x1x128xi32, #tpu.memory_space<vmem>>)
      %broadcast_in_dim3A_311 = arith.constant 0 : i32
      %broadcast_in_dim3A_312 = vector.broadcast %broadcast_in_dim3A_311 : i32 to vector<16xi32>
      %parallel_loop3A = arith.constant 0 : i32
      %parallel_loop3A_313 = arith.constant 16 : i32
      %parallel_loop3A_314 = arith.constant 1 : i32
      %parallel_loop3A_315:4 = scf.for %parallel_loop3A_364 = %parallel_loop3A to %parallel_loop3A_313 step %parallel_loop3A_314 iter_args(%parallel_loop3A_365 = %scan3A_214, %parallel_loop3A_366 = %scan3A_215, %parallel_loop3A_367 = %broadcast_in_dim3A_312, %parallel_loop3A_368 = %broadcast_in_dim3A_312) -> (vector<16xf32>, vector<16xf32>, vector<16xi32>, vector<16xi32>)  : i32 {
        %parallel_loop3A_369 = arith.constant 0 : i32
        %parallel_loop3A_370 = arith.index_cast %select_n3A_226 : i32 to index
        %parallel_loop3A_371 = arith.index_cast %parallel_loop3A_364 : i32 to index
        %parallel_loop3A_372 = arith.index_cast %parallel_loop3A_369 : i32 to index
        %parallel_loop3A_373 = arith.constant 0 : index
        %parallel_loop3A_374 = tpu.vector_load %arg9[%parallel_loop3A_370, %parallel_loop3A_371, %parallel_loop3A_372, %parallel_loop3A_373] {strides = array<i32>} : memref<2x16x1x128xi32, #tpu.memory_space<vmem>>, vector<1x1x1x16xi32>,
        %parallel_loop3A_375 = vector.shape_cast %parallel_loop3A_374 : vector<1x1x1x16xi32> to vector<16xi32>
        %parallel_loop3A_376 = arith.constant 0 : i32
        %parallel_loop3A_377 = arith.index_cast %select_n3A_226 : i32 to index
        %parallel_loop3A_378 = arith.index_cast %parallel_loop3A_364 : i32 to index
        %parallel_loop3A_379 = arith.index_cast %parallel_loop3A_376 : i32 to index
        %parallel_loop3A_380 = arith.constant 0 : index
        %parallel_loop3A_381 = tpu.vector_load %arg10[%parallel_loop3A_377, %parallel_loop3A_378, %parallel_loop3A_379, %parallel_loop3A_380] {strides = array<i32>} : memref<2x16x1x128xi32, #tpu.memory_space<vmem>>, vector<1x1x1x16xi32>,
        %parallel_loop3A_382 = vector.shape_cast %parallel_loop3A_381 : vector<1x1x1x16xi32> to vector<16xi32>
        %parallel_loop3A_383 = arith.constant dense<-1> : vector<16xi32>
        %parallel_loop3A_384 = arith.xori %parallel_loop3A_382, %parallel_loop3A_383 : vector<16xi32>
        %parallel_loop3A_385 = arith.andi %parallel_loop3A_375, %parallel_loop3A_384 : vector<16xi32>
        %parallel_loop3A_386 = arith.addi %parallel_loop3A_367, %parallel_loop3A_385 : vector<16xi32>
        %parallel_loop3A_387 = arith.addi %parallel_loop3A_368, %parallel_loop3A_382 : vector<16xi32>
        %parallel_loop3A_388 = arith.constant 0 : i32
        %parallel_loop3A_389 = vector.broadcast %parallel_loop3A_388 : i32 to vector<16xi32>
        %parallel_loop3A_390 = arith.shrsi %parallel_loop3A_385, %parallel_loop3A_389 : vector<16xi32>
        %parallel_loop3A_391 = vector.broadcast %scan3A : i32 to vector<16xi32>
        %parallel_loop3A_392 = arith.andi %parallel_loop3A_390, %parallel_loop3A_391 : vector<16xi32>
        %parallel_loop3A_393 = arith.sitofp %parallel_loop3A_392 : vector<16xi32> to vector<16xf32>
        %parallel_loop3A_394 = arith.constant 0 : i32
        %parallel_loop3A_395 = vector.broadcast %parallel_loop3A_394 : i32 to vector<16xi32>
        %parallel_loop3A_396 = arith.shrsi %parallel_loop3A_382, %parallel_loop3A_395 : vector<16xi32>
        %parallel_loop3A_397 = vector.broadcast %scan3A : i32 to vector<16xi32>
        %parallel_loop3A_398 = arith.andi %parallel_loop3A_396, %parallel_loop3A_397 : vector<16xi32>
        %parallel_loop3A_399 = arith.sitofp %parallel_loop3A_398 : vector<16xi32> to vector<16xf32>
        %parallel_loop3A_400 = arith.constant 0 : i32
        %parallel_loop3A_401 = arith.index_cast %select_n3A_226 : i32 to index
        %parallel_loop3A_402 = arith.index_cast %parallel_loop3A_364 : i32 to index
        %parallel_loop3A_403 = arith.index_cast %parallel_loop3A_400 : i32 to index
        %parallel_loop3A_404 = arith.constant 0 : index
        %parallel_loop3A_405 = tpu.vector_load %arg7[%parallel_loop3A_401, %parallel_loop3A_402, %parallel_loop3A_403, %parallel_loop3A_404] {strides = array<i32>} : memref<2x16x4x128xf32, #tpu.memory_space<vmem>>, vector<1x1x1x16xf32>,
        %parallel_loop3A_406 = vector.shape_cast %parallel_loop3A_405 : vector<1x1x1x16xf32> to vector<16xf32>
        %parallel_loop3A_407 = arith.constant 0 : i32
        %parallel_loop3A_408 = arith.index_cast %select_n3A_226 : i32 to index
        %parallel_loop3A_409 = arith.index_cast %parallel_loop3A_364 : i32 to index
        %parallel_loop3A_410 = arith.index_cast %parallel_loop3A_407 : i32 to index
        %parallel_loop3A_411 = arith.constant 0 : index
        %parallel_loop3A_412 = tpu.vector_load %arg8[%parallel_loop3A_408, %parallel_loop3A_409, %parallel_loop3A_410, %parallel_loop3A_411] {strides = array<i32>} : memref<2x16x4x128xf32, #tpu.memory_space<vmem>>, vector<1x1x1x16xf32>,
        %parallel_loop3A_413 = vector.shape_cast %parallel_loop3A_412 : vector<1x1x1x16xf32> to vector<16xf32>
        %parallel_loop3A_414 = arith.subf %parallel_loop3A_406, %parallel_loop3A_413 : vector<16xf32>
        %parallel_loop3A_415 = arith.mulf %parallel_loop3A_414, %parallel_loop3A_414 : vector<16xf32>
        %parallel_loop3A_416 = arith.mulf %parallel_loop3A_415, %parallel_loop3A_393 : vector<16xf32>
        %parallel_loop3A_417 = arith.addf %parallel_loop3A_365, %parallel_loop3A_416 : vector<16xf32>
        %parallel_loop3A_418 = arith.mulf %parallel_loop3A_415, %parallel_loop3A_399 : vector<16xf32>
        %parallel_loop3A_419 = arith.addf %parallel_loop3A_366, %parallel_loop3A_418 : vector<16xf32>
        %parallel_loop3A_420 = arith.constant 8 : i32
        %parallel_loop3A_421 = vector.broadcast %parallel_loop3A_420 : i32 to vector<16xi32>
        %parallel_loop3A_422 = arith.shrsi %parallel_loop3A_385, %parallel_loop3A_421 : vector<16xi32>
        %parallel_loop3A_423 = vector.broadcast %scan3A : i32 to vector<16xi32>
        %parallel_loop3A_424 = arith.andi %parallel_loop3A_422, %parallel_loop3A_423 : vector<16xi32>
        %parallel_loop3A_425 = arith.sitofp %parallel_loop3A_424 : vector<16xi32> to vector<16xf32>
        %parallel_loop3A_426 = arith.constant 8 : i32
        %parallel_loop3A_427 = vector.broadcast %parallel_loop3A_426 : i32 to vector<16xi32>
        %parallel_loop3A_428 = arith.shrsi %parallel_loop3A_382, %parallel_loop3A_427 : vector<16xi32>
        %parallel_loop3A_429 = vector.broadcast %scan3A : i32 to vector<16xi32>
        %parallel_loop3A_430 = arith.andi %parallel_loop3A_428, %parallel_loop3A_429 : vector<16xi32>
        %parallel_loop3A_431 = arith.sitofp %parallel_loop3A_430 : vector<16xi32> to vector<16xf32>
        %parallel_loop3A_432 = arith.constant 1 : i32
        %parallel_loop3A_433 = arith.index_cast %select_n3A_226 : i32 to index
        %parallel_loop3A_434 = arith.index_cast %parallel_loop3A_364 : i32 to index
        %parallel_loop3A_435 = arith.index_cast %parallel_loop3A_432 : i32 to index
        %parallel_loop3A_436 = arith.constant 0 : index
        %parallel_loop3A_437 = tpu.vector_load %arg7[%parallel_loop3A_433, %parallel_loop3A_434, %parallel_loop3A_435, %parallel_loop3A_436] {strides = array<i32>} : memref<2x16x4x128xf32, #tpu.memory_space<vmem>>, vector<1x1x1x16xf32>,
        %parallel_loop3A_438 = vector.shape_cast %parallel_loop3A_437 : vector<1x1x1x16xf32> to vector<16xf32>
        %parallel_loop3A_439 = arith.constant 1 : i32
        %parallel_loop3A_440 = arith.index_cast %select_n3A_226 : i32 to index
        %parallel_loop3A_441 = arith.index_cast %parallel_loop3A_364 : i32 to index
        %parallel_loop3A_442 = arith.index_cast %parallel_loop3A_439 : i32 to index
        %parallel_loop3A_443 = arith.constant 0 : index
        %parallel_loop3A_444 = tpu.vector_load %arg8[%parallel_loop3A_440, %parallel_loop3A_441, %parallel_loop3A_442, %parallel_loop3A_443] {strides = array<i32>} : memref<2x16x4x128xf32, #tpu.memory_space<vmem>>, vector<1x1x1x16xf32>,
        %parallel_loop3A_445 = vector.shape_cast %parallel_loop3A_444 : vector<1x1x1x16xf32> to vector<16xf32>
        %parallel_loop3A_446 = arith.subf %parallel_loop3A_438, %parallel_loop3A_445 : vector<16xf32>
        %parallel_loop3A_447 = arith.mulf %parallel_loop3A_446, %parallel_loop3A_446 : vector<16xf32>
        %parallel_loop3A_448 = arith.mulf %parallel_loop3A_447, %parallel_loop3A_425 : vector<16xf32>
        %parallel_loop3A_449 = arith.addf %parallel_loop3A_417, %parallel_loop3A_448 : vector<16xf32>
        %parallel_loop3A_450 = arith.mulf %parallel_loop3A_447, %parallel_loop3A_431 : vector<16xf32>
        %parallel_loop3A_451 = arith.addf %parallel_loop3A_419, %parallel_loop3A_450 : vector<16xf32>
        %parallel_loop3A_452 = arith.constant 16 : i32
        %parallel_loop3A_453 = vector.broadcast %parallel_loop3A_452 : i32 to vector<16xi32>
        %parallel_loop3A_454 = arith.shrsi %parallel_loop3A_385, %parallel_loop3A_453 : vector<16xi32>
        %parallel_loop3A_455 = vector.broadcast %scan3A : i32 to vector<16xi32>
        %parallel_loop3A_456 = arith.andi %parallel_loop3A_454, %parallel_loop3A_455 : vector<16xi32>
        %parallel_loop3A_457 = arith.sitofp %parallel_loop3A_456 : vector<16xi32> to vector<16xf32>
        %parallel_loop3A_458 = arith.constant 16 : i32
        %parallel_loop3A_459 = vector.broadcast %parallel_loop3A_458 : i32 to vector<16xi32>
        %parallel_loop3A_460 = arith.shrsi %parallel_loop3A_382, %parallel_loop3A_459 : vector<16xi32>
        %parallel_loop3A_461 = vector.broadcast %scan3A : i32 to vector<16xi32>
        %parallel_loop3A_462 = arith.andi %parallel_loop3A_460, %parallel_loop3A_461 : vector<16xi32>
        %parallel_loop3A_463 = arith.sitofp %parallel_loop3A_462 : vector<16xi32> to vector<16xf32>
        %parallel_loop3A_464 = arith.constant 2 : i32
        %parallel_loop3A_465 = arith.index_cast %select_n3A_226 : i32 to index
        %parallel_loop3A_466 = arith.index_cast %parallel_loop3A_364 : i32 to index
        %parallel_loop3A_467 = arith.index_cast %parallel_loop3A_464 : i32 to index
        %parallel_loop3A_468 = arith.constant 0 : index
        %parallel_loop3A_469 = tpu.vector_load %arg7[%parallel_loop3A_465, %parallel_loop3A_466, %parallel_loop3A_467, %parallel_loop3A_468] {strides = array<i32>} : memref<2x16x4x128xf32, #tpu.memory_space<vmem>>, vector<1x1x1x16xf32>,
        %parallel_loop3A_470 = vector.shape_cast %parallel_loop3A_469 : vector<1x1x1x16xf32> to vector<16xf32>
        %parallel_loop3A_471 = arith.constant 2 : i32
        %parallel_loop3A_472 = arith.index_cast %select_n3A_226 : i32 to index
        %parallel_loop3A_473 = arith.index_cast %parallel_loop3A_364 : i32 to index
        %parallel_loop3A_474 = arith.index_cast %parallel_loop3A_471 : i32 to index
        %parallel_loop3A_475 = arith.constant 0 : index
        %parallel_loop3A_476 = tpu.vector_load %arg8[%parallel_loop3A_472, %parallel_loop3A_473, %parallel_loop3A_474, %parallel_loop3A_475] {strides = array<i32>} : memref<2x16x4x128xf32, #tpu.memory_space<vmem>>, vector<1x1x1x16xf32>,
        %parallel_loop3A_477 = vector.shape_cast %parallel_loop3A_476 : vector<1x1x1x16xf32> to vector<16xf32>
        %parallel_loop3A_478 = arith.subf %parallel_loop3A_470, %parallel_loop3A_477 : vector<16xf32>
        %parallel_loop3A_479 = arith.mulf %parallel_loop3A_478, %parallel_loop3A_478 : vector<16xf32>
        %parallel_loop3A_480 = arith.mulf %parallel_loop3A_479, %parallel_loop3A_457 : vector<16xf32>
        %parallel_loop3A_481 = arith.addf %parallel_loop3A_449, %parallel_loop3A_480 : vector<16xf32>
        %parallel_loop3A_482 = arith.mulf %parallel_loop3A_479, %parallel_loop3A_463 : vector<16xf32>
        %parallel_loop3A_483 = arith.addf %parallel_loop3A_451, %parallel_loop3A_482 : vector<16xf32>
        %parallel_loop3A_484 = arith.constant 24 : i32
        %parallel_loop3A_485 = vector.broadcast %parallel_loop3A_484 : i32 to vector<16xi32>
        %parallel_loop3A_486 = arith.shrsi %parallel_loop3A_385, %parallel_loop3A_485 : vector<16xi32>
        %parallel_loop3A_487 = vector.broadcast %scan3A : i32 to vector<16xi32>
        %parallel_loop3A_488 = arith.andi %parallel_loop3A_486, %parallel_loop3A_487 : vector<16xi32>
        %parallel_loop3A_489 = arith.sitofp %parallel_loop3A_488 : vector<16xi32> to vector<16xf32>
        %parallel_loop3A_490 = arith.constant 24 : i32
        %parallel_loop3A_491 = vector.broadcast %parallel_loop3A_490 : i32 to vector<16xi32>
        %parallel_loop3A_492 = arith.shrsi %parallel_loop3A_382, %parallel_loop3A_491 : vector<16xi32>
        %parallel_loop3A_493 = vector.broadcast %scan3A : i32 to vector<16xi32>
        %parallel_loop3A_494 = arith.andi %parallel_loop3A_492, %parallel_loop3A_493 : vector<16xi32>
        %parallel_loop3A_495 = arith.sitofp %parallel_loop3A_494 : vector<16xi32> to vector<16xf32>
        %parallel_loop3A_496 = arith.constant 3 : i32
        %parallel_loop3A_497 = arith.index_cast %select_n3A_226 : i32 to index
        %parallel_loop3A_498 = arith.index_cast %parallel_loop3A_364 : i32 to index
        %parallel_loop3A_499 = arith.index_cast %parallel_loop3A_496 : i32 to index
        %parallel_loop3A_500 = arith.constant 0 : index
        %parallel_loop3A_501 = tpu.vector_load %arg7[%parallel_loop3A_497, %parallel_loop3A_498, %parallel_loop3A_499, %parallel_loop3A_500] {strides = array<i32>} : memref<2x16x4x128xf32, #tpu.memory_space<vmem>>, vector<1x1x1x16xf32>,
        %parallel_loop3A_502 = vector.shape_cast %parallel_loop3A_501 : vector<1x1x1x16xf32> to vector<16xf32>
        %parallel_loop3A_503 = arith.constant 3 : i32
        %parallel_loop3A_504 = arith.index_cast %select_n3A_226 : i32 to index
        %parallel_loop3A_505 = arith.index_cast %parallel_loop3A_364 : i32 to index
        %parallel_loop3A_506 = arith.index_cast %parallel_loop3A_503 : i32 to index
        %parallel_loop3A_507 = arith.constant 0 : index
        %parallel_loop3A_508 = tpu.vector_load %arg8[%parallel_loop3A_504, %parallel_loop3A_505, %parallel_loop3A_506, %parallel_loop3A_507] {strides = array<i32>} : memref<2x16x4x128xf32, #tpu.memory_space<vmem>>, vector<1x1x1x16xf32>,
        %parallel_loop3A_509 = vector.shape_cast %parallel_loop3A_508 : vector<1x1x1x16xf32> to vector<16xf32>
        %parallel_loop3A_510 = arith.subf %parallel_loop3A_502, %parallel_loop3A_509 : vector<16xf32>
        %parallel_loop3A_511 = arith.mulf %parallel_loop3A_510, %parallel_loop3A_510 : vector<16xf32>
        %parallel_loop3A_512 = arith.mulf %parallel_loop3A_511, %parallel_loop3A_489 : vector<16xf32>
        %parallel_loop3A_513 = arith.addf %parallel_loop3A_481, %parallel_loop3A_512 : vector<16xf32>
        %parallel_loop3A_514 = arith.mulf %parallel_loop3A_511, %parallel_loop3A_495 : vector<16xf32>
        %parallel_loop3A_515 = arith.addf %parallel_loop3A_483, %parallel_loop3A_514 : vector<16xf32>
        %parallel_loop3A_516 = arith.constant 0 : i32
        %parallel_loop3A_517 = arith.index_cast %select_n3A_226 : i32 to index
        %parallel_loop3A_518 = arith.index_cast %parallel_loop3A_364 : i32 to index
        %parallel_loop3A_519 = arith.index_cast %parallel_loop3A_516 : i32 to index
        %parallel_loop3A_520 = arith.constant 16 : index
        %parallel_loop3A_521 = tpu.vector_load %arg9[%parallel_loop3A_517, %parallel_loop3A_518, %parallel_loop3A_519, %parallel_loop3A_520] {strides = array<i32>} : memref<2x16x1x128xi32, #tpu.memory_space<vmem>>, vector<1x1x1x16xi32>,
        %parallel_loop3A_522 = vector.shape_cast %parallel_loop3A_521 : vector<1x1x1x16xi32> to vector<16xi32>
        %parallel_loop3A_523 = arith.constant 0 : i32
        %parallel_loop3A_524 = arith.index_cast %select_n3A_226 : i32 to index
        %parallel_loop3A_525 = arith.index_cast %parallel_loop3A_364 : i32 to index
        %parallel_loop3A_526 = arith.index_cast %parallel_loop3A_523 : i32 to index
        %parallel_loop3A_527 = arith.constant 16 : index
        %parallel_loop3A_528 = tpu.vector_load %arg10[%parallel_loop3A_524, %parallel_loop3A_525, %parallel_loop3A_526, %parallel_loop3A_527] {strides = array<i32>} : memref<2x16x1x128xi32, #tpu.memory_space<vmem>>, vector<1x1x1x16xi32>,
        %parallel_loop3A_529 = vector.shape_cast %parallel_loop3A_528 : vector<1x1x1x16xi32> to vector<16xi32>
        %parallel_loop3A_530 = arith.constant dense<-1> : vector<16xi32>
        %parallel_loop3A_531 = arith.xori %parallel_loop3A_529, %parallel_loop3A_530 : vector<16xi32>
        %parallel_loop3A_532 = arith.andi %parallel_loop3A_522, %parallel_loop3A_531 : vector<16xi32>
        %parallel_loop3A_533 = arith.addi %parallel_loop3A_386, %parallel_loop3A_532 : vector<16xi32>
        %parallel_loop3A_534 = arith.addi %parallel_loop3A_387, %parallel_loop3A_529 : vector<16xi32>
        %parallel_loop3A_535 = arith.constant 0 : i32
        %parallel_loop3A_536 = vector.broadcast %parallel_loop3A_535 : i32 to vector<16xi32>
        %parallel_loop3A_537 = arith.shrsi %parallel_loop3A_532, %parallel_loop3A_536 : vector<16xi32>
        %parallel_loop3A_538 = vector.broadcast %scan3A : i32 to vector<16xi32>
        %parallel_loop3A_539 = arith.andi %parallel_loop3A_537, %parallel_loop3A_538 : vector<16xi32>
        %parallel_loop3A_540 = arith.sitofp %parallel_loop3A_539 : vector<16xi32> to vector<16xf32>
        %parallel_loop3A_541 = arith.constant 0 : i32
        %parallel_loop3A_542 = vector.broadcast %parallel_loop3A_541 : i32 to vector<16xi32>
        %parallel_loop3A_543 = arith.shrsi %parallel_loop3A_529, %parallel_loop3A_542 : vector<16xi32>
        %parallel_loop3A_544 = vector.broadcast %scan3A : i32 to vector<16xi32>
        %parallel_loop3A_545 = arith.andi %parallel_loop3A_543, %parallel_loop3A_544 : vector<16xi32>
        %parallel_loop3A_546 = arith.sitofp %parallel_loop3A_545 : vector<16xi32> to vector<16xf32>
        %parallel_loop3A_547 = arith.constant 0 : i32
        %parallel_loop3A_548 = arith.index_cast %select_n3A_226 : i32 to index
        %parallel_loop3A_549 = arith.index_cast %parallel_loop3A_364 : i32 to index
        %parallel_loop3A_550 = arith.index_cast %parallel_loop3A_547 : i32 to index
        %parallel_loop3A_551 = arith.constant 16 : index
        %parallel_loop3A_552 = tpu.vector_load %arg7[%parallel_loop3A_548, %parallel_loop3A_549, %parallel_loop3A_550, %parallel_loop3A_551] {strides = array<i32>} : memref<2x16x4x128xf32, #tpu.memory_space<vmem>>, vector<1x1x1x16xf32>,
        %parallel_loop3A_553 = vector.shape_cast %parallel_loop3A_552 : vector<1x1x1x16xf32> to vector<16xf32>
        %parallel_loop3A_554 = arith.constant 0 : i32
        %parallel_loop3A_555 = arith.index_cast %select_n3A_226 : i32 to index
        %parallel_loop3A_556 = arith.index_cast %parallel_loop3A_364 : i32 to index
        %parallel_loop3A_557 = arith.index_cast %parallel_loop3A_554 : i32 to index
        %parallel_loop3A_558 = arith.constant 16 : index
        %parallel_loop3A_559 = tpu.vector_load %arg8[%parallel_loop3A_555, %parallel_loop3A_556, %parallel_loop3A_557, %parallel_loop3A_558] {strides = array<i32>} : memref<2x16x4x128xf32, #tpu.memory_space<vmem>>, vector<1x1x1x16xf32>,
        %parallel_loop3A_560 = vector.shape_cast %parallel_loop3A_559 : vector<1x1x1x16xf32> to vector<16xf32>
        %parallel_loop3A_561 = arith.subf %parallel_loop3A_553, %parallel_loop3A_560 : vector<16xf32>
        %parallel_loop3A_562 = arith.mulf %parallel_loop3A_561, %parallel_loop3A_561 : vector<16xf32>
        %parallel_loop3A_563 = arith.mulf %parallel_loop3A_562, %parallel_loop3A_540 : vector<16xf32>
        %parallel_loop3A_564 = arith.addf %parallel_loop3A_513, %parallel_loop3A_563 : vector<16xf32>
        %parallel_loop3A_565 = arith.mulf %parallel_loop3A_562, %parallel_loop3A_546 : vector<16xf32>
        %parallel_loop3A_566 = arith.addf %parallel_loop3A_515, %parallel_loop3A_565 : vector<16xf32>
        %parallel_loop3A_567 = arith.constant 8 : i32
        %parallel_loop3A_568 = vector.broadcast %parallel_loop3A_567 : i32 to vector<16xi32>
        %parallel_loop3A_569 = arith.shrsi %parallel_loop3A_532, %parallel_loop3A_568 : vector<16xi32>
        %parallel_loop3A_570 = vector.broadcast %scan3A : i32 to vector<16xi32>
        %parallel_loop3A_571 = arith.andi %parallel_loop3A_569, %parallel_loop3A_570 : vector<16xi32>
        %parallel_loop3A_572 = arith.sitofp %parallel_loop3A_571 : vector<16xi32> to vector<16xf32>
        %parallel_loop3A_573 = arith.constant 8 : i32
        %parallel_loop3A_574 = vector.broadcast %parallel_loop3A_573 : i32 to vector<16xi32>
        %parallel_loop3A_575 = arith.shrsi %parallel_loop3A_529, %parallel_loop3A_574 : vector<16xi32>
        %parallel_loop3A_576 = vector.broadcast %scan3A : i32 to vector<16xi32>
        %parallel_loop3A_577 = arith.andi %parallel_loop3A_575, %parallel_loop3A_576 : vector<16xi32>
        %parallel_loop3A_578 = arith.sitofp %parallel_loop3A_577 : vector<16xi32> to vector<16xf32>
        %parallel_loop3A_579 = arith.constant 1 : i32
        %parallel_loop3A_580 = arith.index_cast %select_n3A_226 : i32 to index
        %parallel_loop3A_581 = arith.index_cast %parallel_loop3A_364 : i32 to index
        %parallel_loop3A_582 = arith.index_cast %parallel_loop3A_579 : i32 to index
        %parallel_loop3A_583 = arith.constant 16 : index
        %parallel_loop3A_584 = tpu.vector_load %arg7[%parallel_loop3A_580, %parallel_loop3A_581, %parallel_loop3A_582, %parallel_loop3A_583] {strides = array<i32>} : memref<2x16x4x128xf32, #tpu.memory_space<vmem>>, vector<1x1x1x16xf32>,
        %parallel_loop3A_585 = vector.shape_cast %parallel_loop3A_584 : vector<1x1x1x16xf32> to vector<16xf32>
        %parallel_loop3A_586 = arith.constant 1 : i32
        %parallel_loop3A_587 = arith.index_cast %select_n3A_226 : i32 to index
        %parallel_loop3A_588 = arith.index_cast %parallel_loop3A_364 : i32 to index
        %parallel_loop3A_589 = arith.index_cast %parallel_loop3A_586 : i32 to index
        %parallel_loop3A_590 = arith.constant 16 : index
        %parallel_loop3A_591 = tpu.vector_load %arg8[%parallel_loop3A_587, %parallel_loop3A_588, %parallel_loop3A_589, %parallel_loop3A_590] {strides = array<i32>} : memref<2x16x4x128xf32, #tpu.memory_space<vmem>>, vector<1x1x1x16xf32>,
        %parallel_loop3A_592 = vector.shape_cast %parallel_loop3A_591 : vector<1x1x1x16xf32> to vector<16xf32>
        %parallel_loop3A_593 = arith.subf %parallel_loop3A_585, %parallel_loop3A_592 : vector<16xf32>
        %parallel_loop3A_594 = arith.mulf %parallel_loop3A_593, %parallel_loop3A_593 : vector<16xf32>
        %parallel_loop3A_595 = arith.mulf %parallel_loop3A_594, %parallel_loop3A_572 : vector<16xf32>
        %parallel_loop3A_596 = arith.addf %parallel_loop3A_564, %parallel_loop3A_595 : vector<16xf32>
        %parallel_loop3A_597 = arith.mulf %parallel_loop3A_594, %parallel_loop3A_578 : vector<16xf32>
        %parallel_loop3A_598 = arith.addf %parallel_loop3A_566, %parallel_loop3A_597 : vector<16xf32>
        %parallel_loop3A_599 = arith.constant 16 : i32
        %parallel_loop3A_600 = vector.broadcast %parallel_loop3A_599 : i32 to vector<16xi32>
        %parallel_loop3A_601 = arith.shrsi %parallel_loop3A_532, %parallel_loop3A_600 : vector<16xi32>
        %parallel_loop3A_602 = vector.broadcast %scan3A : i32 to vector<16xi32>
        %parallel_loop3A_603 = arith.andi %parallel_loop3A_601, %parallel_loop3A_602 : vector<16xi32>
        %parallel_loop3A_604 = arith.sitofp %parallel_loop3A_603 : vector<16xi32> to vector<16xf32>
        %parallel_loop3A_605 = arith.constant 16 : i32
        %parallel_loop3A_606 = vector.broadcast %parallel_loop3A_605 : i32 to vector<16xi32>
        %parallel_loop3A_607 = arith.shrsi %parallel_loop3A_529, %parallel_loop3A_606 : vector<16xi32>
        %parallel_loop3A_608 = vector.broadcast %scan3A : i32 to vector<16xi32>
        %parallel_loop3A_609 = arith.andi %parallel_loop3A_607, %parallel_loop3A_608 : vector<16xi32>
        %parallel_loop3A_610 = arith.sitofp %parallel_loop3A_609 : vector<16xi32> to vector<16xf32>
        %parallel_loop3A_611 = arith.constant 2 : i32
        %parallel_loop3A_612 = arith.index_cast %select_n3A_226 : i32 to index
        %parallel_loop3A_613 = arith.index_cast %parallel_loop3A_364 : i32 to index
        %parallel_loop3A_614 = arith.index_cast %parallel_loop3A_611 : i32 to index
        %parallel_loop3A_615 = arith.constant 16 : index
        %parallel_loop3A_616 = tpu.vector_load %arg7[%parallel_loop3A_612, %parallel_loop3A_613, %parallel_loop3A_614, %parallel_loop3A_615] {strides = array<i32>} : memref<2x16x4x128xf32, #tpu.memory_space<vmem>>, vector<1x1x1x16xf32>,
        %parallel_loop3A_617 = vector.shape_cast %parallel_loop3A_616 : vector<1x1x1x16xf32> to vector<16xf32>
        %parallel_loop3A_618 = arith.constant 2 : i32
        %parallel_loop3A_619 = arith.index_cast %select_n3A_226 : i32 to index
        %parallel_loop3A_620 = arith.index_cast %parallel_loop3A_364 : i32 to index
        %parallel_loop3A_621 = arith.index_cast %parallel_loop3A_618 : i32 to index
        %parallel_loop3A_622 = arith.constant 16 : index
        %parallel_loop3A_623 = tpu.vector_load %arg8[%parallel_loop3A_619, %parallel_loop3A_620, %parallel_loop3A_621, %parallel_loop3A_622] {strides = array<i32>} : memref<2x16x4x128xf32, #tpu.memory_space<vmem>>, vector<1x1x1x16xf32>,
        %parallel_loop3A_624 = vector.shape_cast %parallel_loop3A_623 : vector<1x1x1x16xf32> to vector<16xf32>
        %parallel_loop3A_625 = arith.subf %parallel_loop3A_617, %parallel_loop3A_624 : vector<16xf32>
        %parallel_loop3A_626 = arith.mulf %parallel_loop3A_625, %parallel_loop3A_625 : vector<16xf32>
        %parallel_loop3A_627 = arith.mulf %parallel_loop3A_626, %parallel_loop3A_604 : vector<16xf32>
        %parallel_loop3A_628 = arith.addf %parallel_loop3A_596, %parallel_loop3A_627 : vector<16xf32>
        %parallel_loop3A_629 = arith.mulf %parallel_loop3A_626, %parallel_loop3A_610 : vector<16xf32>
        %parallel_loop3A_630 = arith.addf %parallel_loop3A_598, %parallel_loop3A_629 : vector<16xf32>
        %parallel_loop3A_631 = arith.constant 24 : i32
        %parallel_loop3A_632 = vector.broadcast %parallel_loop3A_631 : i32 to vector<16xi32>
        %parallel_loop3A_633 = arith.shrsi %parallel_loop3A_532, %parallel_loop3A_632 : vector<16xi32>
        %parallel_loop3A_634 = vector.broadcast %scan3A : i32 to vector<16xi32>
        %parallel_loop3A_635 = arith.andi %parallel_loop3A_633, %parallel_loop3A_634 : vector<16xi32>
        %parallel_loop3A_636 = arith.sitofp %parallel_loop3A_635 : vector<16xi32> to vector<16xf32>
        %parallel_loop3A_637 = arith.constant 24 : i32
        %parallel_loop3A_638 = vector.broadcast %parallel_loop3A_637 : i32 to vector<16xi32>
        %parallel_loop3A_639 = arith.shrsi %parallel_loop3A_529, %parallel_loop3A_638 : vector<16xi32>
        %parallel_loop3A_640 = vector.broadcast %scan3A : i32 to vector<16xi32>
        %parallel_loop3A_641 = arith.andi %parallel_loop3A_639, %parallel_loop3A_640 : vector<16xi32>
        %parallel_loop3A_642 = arith.sitofp %parallel_loop3A_641 : vector<16xi32> to vector<16xf32>
        %parallel_loop3A_643 = arith.constant 3 : i32
        %parallel_loop3A_644 = arith.index_cast %select_n3A_226 : i32 to index
        %parallel_loop3A_645 = arith.index_cast %parallel_loop3A_364 : i32 to index
        %parallel_loop3A_646 = arith.index_cast %parallel_loop3A_643 : i32 to index
        %parallel_loop3A_647 = arith.constant 16 : index
        %parallel_loop3A_648 = tpu.vector_load %arg7[%parallel_loop3A_644, %parallel_loop3A_645, %parallel_loop3A_646, %parallel_loop3A_647] {strides = array<i32>} : memref<2x16x4x128xf32, #tpu.memory_space<vmem>>, vector<1x1x1x16xf32>,
        %parallel_loop3A_649 = vector.shape_cast %parallel_loop3A_648 : vector<1x1x1x16xf32> to vector<16xf32>
        %parallel_loop3A_650 = arith.constant 3 : i32
        %parallel_loop3A_651 = arith.index_cast %select_n3A_226 : i32 to index
        %parallel_loop3A_652 = arith.index_cast %parallel_loop3A_364 : i32 to index
        %parallel_loop3A_653 = arith.index_cast %parallel_loop3A_650 : i32 to index
        %parallel_loop3A_654 = arith.constant 16 : index
        %parallel_loop3A_655 = tpu.vector_load %arg8[%parallel_loop3A_651, %parallel_loop3A_652, %parallel_loop3A_653, %parallel_loop3A_654] {strides = array<i32>} : memref<2x16x4x128xf32, #tpu.memory_space<vmem>>, vector<1x1x1x16xf32>,
        %parallel_loop3A_656 = vector.shape_cast %parallel_loop3A_655 : vector<1x1x1x16xf32> to vector<16xf32>
        %parallel_loop3A_657 = arith.subf %parallel_loop3A_649, %parallel_loop3A_656 : vector<16xf32>
        %parallel_loop3A_658 = arith.mulf %parallel_loop3A_657, %parallel_loop3A_657 : vector<16xf32>
        %parallel_loop3A_659 = arith.mulf %parallel_loop3A_658, %parallel_loop3A_636 : vector<16xf32>
        %parallel_loop3A_660 = arith.addf %parallel_loop3A_628, %parallel_loop3A_659 : vector<16xf32>
        %parallel_loop3A_661 = arith.mulf %parallel_loop3A_658, %parallel_loop3A_642 : vector<16xf32>
        %parallel_loop3A_662 = arith.addf %parallel_loop3A_630, %parallel_loop3A_661 : vector<16xf32>
        %parallel_loop3A_663 = arith.constant 0 : i32
        %parallel_loop3A_664 = arith.index_cast %select_n3A_226 : i32 to index
        %parallel_loop3A_665 = arith.index_cast %parallel_loop3A_364 : i32 to index
        %parallel_loop3A_666 = arith.index_cast %parallel_loop3A_663 : i32 to index
        %parallel_loop3A_667 = arith.constant 32 : index
        %parallel_loop3A_668 = tpu.vector_load %arg9[%parallel_loop3A_664, %parallel_loop3A_665, %parallel_loop3A_666, %parallel_loop3A_667] {strides = array<i32>} : memref<2x16x1x128xi32, #tpu.memory_space<vmem>>, vector<1x1x1x16xi32>,
        %parallel_loop3A_669 = vector.shape_cast %parallel_loop3A_668 : vector<1x1x1x16xi32> to vector<16xi32>
        %parallel_loop3A_670 = arith.constant 0 : i32
        %parallel_loop3A_671 = arith.index_cast %select_n3A_226 : i32 to index
        %parallel_loop3A_672 = arith.index_cast %parallel_loop3A_364 : i32 to index
        %parallel_loop3A_673 = arith.index_cast %parallel_loop3A_670 : i32 to index
        %parallel_loop3A_674 = arith.constant 32 : index
        %parallel_loop3A_675 = tpu.vector_load %arg10[%parallel_loop3A_671, %parallel_loop3A_672, %parallel_loop3A_673, %parallel_loop3A_674] {strides = array<i32>} : memref<2x16x1x128xi32, #tpu.memory_space<vmem>>, vector<1x1x1x16xi32>,
        %parallel_loop3A_676 = vector.shape_cast %parallel_loop3A_675 : vector<1x1x1x16xi32> to vector<16xi32>
        %parallel_loop3A_677 = arith.constant dense<-1> : vector<16xi32>
        %parallel_loop3A_678 = arith.xori %parallel_loop3A_676, %parallel_loop3A_677 : vector<16xi32>
        %parallel_loop3A_679 = arith.andi %parallel_loop3A_669, %parallel_loop3A_678 : vector<16xi32>
        %parallel_loop3A_680 = arith.addi %parallel_loop3A_533, %parallel_loop3A_679 : vector<16xi32>
        %parallel_loop3A_681 = arith.addi %parallel_loop3A_534, %parallel_loop3A_676 : vector<16xi32>
        %parallel_loop3A_682 = arith.constant 0 : i32
        %parallel_loop3A_683 = vector.broadcast %parallel_loop3A_682 : i32 to vector<16xi32>
        %parallel_loop3A_684 = arith.shrsi %parallel_loop3A_679, %parallel_loop3A_683 : vector<16xi32>
        %parallel_loop3A_685 = vector.broadcast %scan3A : i32 to vector<16xi32>
        %parallel_loop3A_686 = arith.andi %parallel_loop3A_684, %parallel_loop3A_685 : vector<16xi32>
        %parallel_loop3A_687 = arith.sitofp %parallel_loop3A_686 : vector<16xi32> to vector<16xf32>
        %parallel_loop3A_688 = arith.constant 0 : i32
        %parallel_loop3A_689 = vector.broadcast %parallel_loop3A_688 : i32 to vector<16xi32>
        %parallel_loop3A_690 = arith.shrsi %parallel_loop3A_676, %parallel_loop3A_689 : vector<16xi32>
        %parallel_loop3A_691 = vector.broadcast %scan3A : i32 to vector<16xi32>
        %parallel_loop3A_692 = arith.andi %parallel_loop3A_690, %parallel_loop3A_691 : vector<16xi32>
        %parallel_loop3A_693 = arith.sitofp %parallel_loop3A_692 : vector<16xi32> to vector<16xf32>
        %parallel_loop3A_694 = arith.constant 0 : i32
        %parallel_loop3A_695 = arith.index_cast %select_n3A_226 : i32 to index
        %parallel_loop3A_696 = arith.index_cast %parallel_loop3A_364 : i32 to index
        %parallel_loop3A_697 = arith.index_cast %parallel_loop3A_694 : i32 to index
        %parallel_loop3A_698 = arith.constant 32 : index
        %parallel_loop3A_699 = tpu.vector_load %arg7[%parallel_loop3A_695, %parallel_loop3A_696, %parallel_loop3A_697, %parallel_loop3A_698] {strides = array<i32>} : memref<2x16x4x128xf32, #tpu.memory_space<vmem>>, vector<1x1x1x16xf32>,
        %parallel_loop3A_700 = vector.shape_cast %parallel_loop3A_699 : vector<1x1x1x16xf32> to vector<16xf32>
        %parallel_loop3A_701 = arith.constant 0 : i32
        %parallel_loop3A_702 = arith.index_cast %select_n3A_226 : i32 to index
        %parallel_loop3A_703 = arith.index_cast %parallel_loop3A_364 : i32 to index
        %parallel_loop3A_704 = arith.index_cast %parallel_loop3A_701 : i32 to index
        %parallel_loop3A_705 = arith.constant 32 : index
        %parallel_loop3A_706 = tpu.vector_load %arg8[%parallel_loop3A_702, %parallel_loop3A_703, %parallel_loop3A_704, %parallel_loop3A_705] {strides = array<i32>} : memref<2x16x4x128xf32, #tpu.memory_space<vmem>>, vector<1x1x1x16xf32>,
        %parallel_loop3A_707 = vector.shape_cast %parallel_loop3A_706 : vector<1x1x1x16xf32> to vector<16xf32>
        %parallel_loop3A_708 = arith.subf %parallel_loop3A_700, %parallel_loop3A_707 : vector<16xf32>
        %parallel_loop3A_709 = arith.mulf %parallel_loop3A_708, %parallel_loop3A_708 : vector<16xf32>
        %parallel_loop3A_710 = arith.mulf %parallel_loop3A_709, %parallel_loop3A_687 : vector<16xf32>
        %parallel_loop3A_711 = arith.addf %parallel_loop3A_660, %parallel_loop3A_710 : vector<16xf32>
        %parallel_loop3A_712 = arith.mulf %parallel_loop3A_709, %parallel_loop3A_693 : vector<16xf32>
        %parallel_loop3A_713 = arith.addf %parallel_loop3A_662, %parallel_loop3A_712 : vector<16xf32>
        %parallel_loop3A_714 = arith.constant 8 : i32
        %parallel_loop3A_715 = vector.broadcast %parallel_loop3A_714 : i32 to vector<16xi32>
        %parallel_loop3A_716 = arith.shrsi %parallel_loop3A_679, %parallel_loop3A_715 : vector<16xi32>
        %parallel_loop3A_717 = vector.broadcast %scan3A : i32 to vector<16xi32>
        %parallel_loop3A_718 = arith.andi %parallel_loop3A_716, %parallel_loop3A_717 : vector<16xi32>
        %parallel_loop3A_719 = arith.sitofp %parallel_loop3A_718 : vector<16xi32> to vector<16xf32>
        %parallel_loop3A_720 = arith.constant 8 : i32
        %parallel_loop3A_721 = vector.broadcast %parallel_loop3A_720 : i32 to vector<16xi32>
        %parallel_loop3A_722 = arith.shrsi %parallel_loop3A_676, %parallel_loop3A_721 : vector<16xi32>
        %parallel_loop3A_723 = vector.broadcast %scan3A : i32 to vector<16xi32>
        %parallel_loop3A_724 = arith.andi %parallel_loop3A_722, %parallel_loop3A_723 : vector<16xi32>
        %parallel_loop3A_725 = arith.sitofp %parallel_loop3A_724 : vector<16xi32> to vector<16xf32>
        %parallel_loop3A_726 = arith.constant 1 : i32
        %parallel_loop3A_727 = arith.index_cast %select_n3A_226 : i32 to index
        %parallel_loop3A_728 = arith.index_cast %parallel_loop3A_364 : i32 to index
        %parallel_loop3A_729 = arith.index_cast %parallel_loop3A_726 : i32 to index
        %parallel_loop3A_730 = arith.constant 32 : index
        %parallel_loop3A_731 = tpu.vector_load %arg7[%parallel_loop3A_727, %parallel_loop3A_728, %parallel_loop3A_729, %parallel_loop3A_730] {strides = array<i32>} : memref<2x16x4x128xf32, #tpu.memory_space<vmem>>, vector<1x1x1x16xf32>,
        %parallel_loop3A_732 = vector.shape_cast %parallel_loop3A_731 : vector<1x1x1x16xf32> to vector<16xf32>
        %parallel_loop3A_733 = arith.constant 1 : i32
        %parallel_loop3A_734 = arith.index_cast %select_n3A_226 : i32 to index
        %parallel_loop3A_735 = arith.index_cast %parallel_loop3A_364 : i32 to index
        %parallel_loop3A_736 = arith.index_cast %parallel_loop3A_733 : i32 to index
        %parallel_loop3A_737 = arith.constant 32 : index
        %parallel_loop3A_738 = tpu.vector_load %arg8[%parallel_loop3A_734, %parallel_loop3A_735, %parallel_loop3A_736, %parallel_loop3A_737] {strides = array<i32>} : memref<2x16x4x128xf32, #tpu.memory_space<vmem>>, vector<1x1x1x16xf32>,
        %parallel_loop3A_739 = vector.shape_cast %parallel_loop3A_738 : vector<1x1x1x16xf32> to vector<16xf32>
        %parallel_loop3A_740 = arith.subf %parallel_loop3A_732, %parallel_loop3A_739 : vector<16xf32>
        %parallel_loop3A_741 = arith.mulf %parallel_loop3A_740, %parallel_loop3A_740 : vector<16xf32>
        %parallel_loop3A_742 = arith.mulf %parallel_loop3A_741, %parallel_loop3A_719 : vector<16xf32>
        %parallel_loop3A_743 = arith.addf %parallel_loop3A_711, %parallel_loop3A_742 : vector<16xf32>
        %parallel_loop3A_744 = arith.mulf %parallel_loop3A_741, %parallel_loop3A_725 : vector<16xf32>
        %parallel_loop3A_745 = arith.addf %parallel_loop3A_713, %parallel_loop3A_744 : vector<16xf32>
        %parallel_loop3A_746 = arith.constant 16 : i32
        %parallel_loop3A_747 = vector.broadcast %parallel_loop3A_746 : i32 to vector<16xi32>
        %parallel_loop3A_748 = arith.shrsi %parallel_loop3A_679, %parallel_loop3A_747 : vector<16xi32>
        %parallel_loop3A_749 = vector.broadcast %scan3A : i32 to vector<16xi32>
        %parallel_loop3A_750 = arith.andi %parallel_loop3A_748, %parallel_loop3A_749 : vector<16xi32>
        %parallel_loop3A_751 = arith.sitofp %parallel_loop3A_750 : vector<16xi32> to vector<16xf32>
        %parallel_loop3A_752 = arith.constant 16 : i32
        %parallel_loop3A_753 = vector.broadcast %parallel_loop3A_752 : i32 to vector<16xi32>
        %parallel_loop3A_754 = arith.shrsi %parallel_loop3A_676, %parallel_loop3A_753 : vector<16xi32>
        %parallel_loop3A_755 = vector.broadcast %scan3A : i32 to vector<16xi32>
        %parallel_loop3A_756 = arith.andi %parallel_loop3A_754, %parallel_loop3A_755 : vector<16xi32>
        %parallel_loop3A_757 = arith.sitofp %parallel_loop3A_756 : vector<16xi32> to vector<16xf32>
        %parallel_loop3A_758 = arith.constant 2 : i32
        %parallel_loop3A_759 = arith.index_cast %select_n3A_226 : i32 to index
        %parallel_loop3A_760 = arith.index_cast %parallel_loop3A_364 : i32 to index
        %parallel_loop3A_761 = arith.index_cast %parallel_loop3A_758 : i32 to index
        %parallel_loop3A_762 = arith.constant 32 : index
        %parallel_loop3A_763 = tpu.vector_load %arg7[%parallel_loop3A_759, %parallel_loop3A_760, %parallel_loop3A_761, %parallel_loop3A_762] {strides = array<i32>} : memref<2x16x4x128xf32, #tpu.memory_space<vmem>>, vector<1x1x1x16xf32>,
        %parallel_loop3A_764 = vector.shape_cast %parallel_loop3A_763 : vector<1x1x1x16xf32> to vector<16xf32>
        %parallel_loop3A_765 = arith.constant 2 : i32
        %parallel_loop3A_766 = arith.index_cast %select_n3A_226 : i32 to index
        %parallel_loop3A_767 = arith.index_cast %parallel_loop3A_364 : i32 to index
        %parallel_loop3A_768 = arith.index_cast %parallel_loop3A_765 : i32 to index
        %parallel_loop3A_769 = arith.constant 32 : index
        %parallel_loop3A_770 = tpu.vector_load %arg8[%parallel_loop3A_766, %parallel_loop3A_767, %parallel_loop3A_768, %parallel_loop3A_769] {strides = array<i32>} : memref<2x16x4x128xf32, #tpu.memory_space<vmem>>, vector<1x1x1x16xf32>,
        %parallel_loop3A_771 = vector.shape_cast %parallel_loop3A_770 : vector<1x1x1x16xf32> to vector<16xf32>
        %parallel_loop3A_772 = arith.subf %parallel_loop3A_764, %parallel_loop3A_771 : vector<16xf32>
        %parallel_loop3A_773 = arith.mulf %parallel_loop3A_772, %parallel_loop3A_772 : vector<16xf32>
        %parallel_loop3A_774 = arith.mulf %parallel_loop3A_773, %parallel_loop3A_751 : vector<16xf32>
        %parallel_loop3A_775 = arith.addf %parallel_loop3A_743, %parallel_loop3A_774 : vector<16xf32>
        %parallel_loop3A_776 = arith.mulf %parallel_loop3A_773, %parallel_loop3A_757 : vector<16xf32>
        %parallel_loop3A_777 = arith.addf %parallel_loop3A_745, %parallel_loop3A_776 : vector<16xf32>
        %parallel_loop3A_778 = arith.constant 24 : i32
        %parallel_loop3A_779 = vector.broadcast %parallel_loop3A_778 : i32 to vector<16xi32>
        %parallel_loop3A_780 = arith.shrsi %parallel_loop3A_679, %parallel_loop3A_779 : vector<16xi32>
        %parallel_loop3A_781 = vector.broadcast %scan3A : i32 to vector<16xi32>
        %parallel_loop3A_782 = arith.andi %parallel_loop3A_780, %parallel_loop3A_781 : vector<16xi32>
        %parallel_loop3A_783 = arith.sitofp %parallel_loop3A_782 : vector<16xi32> to vector<16xf32>
        %parallel_loop3A_784 = arith.constant 24 : i32
        %parallel_loop3A_785 = vector.broadcast %parallel_loop3A_784 : i32 to vector<16xi32>
        %parallel_loop3A_786 = arith.shrsi %parallel_loop3A_676, %parallel_loop3A_785 : vector<16xi32>
        %parallel_loop3A_787 = vector.broadcast %scan3A : i32 to vector<16xi32>
        %parallel_loop3A_788 = arith.andi %parallel_loop3A_786, %parallel_loop3A_787 : vector<16xi32>
        %parallel_loop3A_789 = arith.sitofp %parallel_loop3A_788 : vector<16xi32> to vector<16xf32>
        %parallel_loop3A_790 = arith.constant 3 : i32
        %parallel_loop3A_791 = arith.index_cast %select_n3A_226 : i32 to index
        %parallel_loop3A_792 = arith.index_cast %parallel_loop3A_364 : i32 to index
        %parallel_loop3A_793 = arith.index_cast %parallel_loop3A_790 : i32 to index
        %parallel_loop3A_794 = arith.constant 32 : index
        %parallel_loop3A_795 = tpu.vector_load %arg7[%parallel_loop3A_791, %parallel_loop3A_792, %parallel_loop3A_793, %parallel_loop3A_794] {strides = array<i32>} : memref<2x16x4x128xf32, #tpu.memory_space<vmem>>, vector<1x1x1x16xf32>,
        %parallel_loop3A_796 = vector.shape_cast %parallel_loop3A_795 : vector<1x1x1x16xf32> to vector<16xf32>
        %parallel_loop3A_797 = arith.constant 3 : i32
        %parallel_loop3A_798 = arith.index_cast %select_n3A_226 : i32 to index
        %parallel_loop3A_799 = arith.index_cast %parallel_loop3A_364 : i32 to index
        %parallel_loop3A_800 = arith.index_cast %parallel_loop3A_797 : i32 to index
        %parallel_loop3A_801 = arith.constant 32 : index
        %parallel_loop3A_802 = tpu.vector_load %arg8[%parallel_loop3A_798, %parallel_loop3A_799, %parallel_loop3A_800, %parallel_loop3A_801] {strides = array<i32>} : memref<2x16x4x128xf32, #tpu.memory_space<vmem>>, vector<1x1x1x16xf32>,
        %parallel_loop3A_803 = vector.shape_cast %parallel_loop3A_802 : vector<1x1x1x16xf32> to vector<16xf32>
        %parallel_loop3A_804 = arith.subf %parallel_loop3A_796, %parallel_loop3A_803 : vector<16xf32>
        %parallel_loop3A_805 = arith.mulf %parallel_loop3A_804, %parallel_loop3A_804 : vector<16xf32>
        %parallel_loop3A_806 = arith.mulf %parallel_loop3A_805, %parallel_loop3A_783 : vector<16xf32>
        %parallel_loop3A_807 = arith.addf %parallel_loop3A_775, %parallel_loop3A_806 : vector<16xf32>
        %parallel_loop3A_808 = arith.mulf %parallel_loop3A_805, %parallel_loop3A_789 : vector<16xf32>
        %parallel_loop3A_809 = arith.addf %parallel_loop3A_777, %parallel_loop3A_808 : vector<16xf32>
        %parallel_loop3A_810 = arith.constant 0 : i32
        %parallel_loop3A_811 = arith.index_cast %select_n3A_226 : i32 to index
        %parallel_loop3A_812 = arith.index_cast %parallel_loop3A_364 : i32 to index
        %parallel_loop3A_813 = arith.index_cast %parallel_loop3A_810 : i32 to index
        %parallel_loop3A_814 = arith.constant 48 : index
        %parallel_loop3A_815 = tpu.vector_load %arg9[%parallel_loop3A_811, %parallel_loop3A_812, %parallel_loop3A_813, %parallel_loop3A_814] {strides = array<i32>} : memref<2x16x1x128xi32, #tpu.memory_space<vmem>>, vector<1x1x1x16xi32>,
        %parallel_loop3A_816 = vector.shape_cast %parallel_loop3A_815 : vector<1x1x1x16xi32> to vector<16xi32>
        %parallel_loop3A_817 = arith.constant 0 : i32
        %parallel_loop3A_818 = arith.index_cast %select_n3A_226 : i32 to index
        %parallel_loop3A_819 = arith.index_cast %parallel_loop3A_364 : i32 to index
        %parallel_loop3A_820 = arith.index_cast %parallel_loop3A_817 : i32 to index
        %parallel_loop3A_821 = arith.constant 48 : index
        %parallel_loop3A_822 = tpu.vector_load %arg10[%parallel_loop3A_818, %parallel_loop3A_819, %parallel_loop3A_820, %parallel_loop3A_821] {strides = array<i32>} : memref<2x16x1x128xi32, #tpu.memory_space<vmem>>, vector<1x1x1x16xi32>,
        %parallel_loop3A_823 = vector.shape_cast %parallel_loop3A_822 : vector<1x1x1x16xi32> to vector<16xi32>
        %parallel_loop3A_824 = arith.constant dense<-1> : vector<16xi32>
        %parallel_loop3A_825 = arith.xori %parallel_loop3A_823, %parallel_loop3A_824 : vector<16xi32>
        %parallel_loop3A_826 = arith.andi %parallel_loop3A_816, %parallel_loop3A_825 : vector<16xi32>
        %parallel_loop3A_827 = arith.addi %parallel_loop3A_680, %parallel_loop3A_826 : vector<16xi32>
        %parallel_loop3A_828 = arith.addi %parallel_loop3A_681, %parallel_loop3A_823 : vector<16xi32>
        %parallel_loop3A_829 = arith.constant 0 : i32
        %parallel_loop3A_830 = vector.broadcast %parallel_loop3A_829 : i32 to vector<16xi32>
        %parallel_loop3A_831 = arith.shrsi %parallel_loop3A_826, %parallel_loop3A_830 : vector<16xi32>
        %parallel_loop3A_832 = vector.broadcast %scan3A : i32 to vector<16xi32>
        %parallel_loop3A_833 = arith.andi %parallel_loop3A_831, %parallel_loop3A_832 : vector<16xi32>
        %parallel_loop3A_834 = arith.sitofp %parallel_loop3A_833 : vector<16xi32> to vector<16xf32>
        %parallel_loop3A_835 = arith.constant 0 : i32
        %parallel_loop3A_836 = vector.broadcast %parallel_loop3A_835 : i32 to vector<16xi32>
        %parallel_loop3A_837 = arith.shrsi %parallel_loop3A_823, %parallel_loop3A_836 : vector<16xi32>
        %parallel_loop3A_838 = vector.broadcast %scan3A : i32 to vector<16xi32>
        %parallel_loop3A_839 = arith.andi %parallel_loop3A_837, %parallel_loop3A_838 : vector<16xi32>
        %parallel_loop3A_840 = arith.sitofp %parallel_loop3A_839 : vector<16xi32> to vector<16xf32>
        %parallel_loop3A_841 = arith.constant 0 : i32
        %parallel_loop3A_842 = arith.index_cast %select_n3A_226 : i32 to index
        %parallel_loop3A_843 = arith.index_cast %parallel_loop3A_364 : i32 to index
        %parallel_loop3A_844 = arith.index_cast %parallel_loop3A_841 : i32 to index
        %parallel_loop3A_845 = arith.constant 48 : index
        %parallel_loop3A_846 = tpu.vector_load %arg7[%parallel_loop3A_842, %parallel_loop3A_843, %parallel_loop3A_844, %parallel_loop3A_845] {strides = array<i32>} : memref<2x16x4x128xf32, #tpu.memory_space<vmem>>, vector<1x1x1x16xf32>,
        %parallel_loop3A_847 = vector.shape_cast %parallel_loop3A_846 : vector<1x1x1x16xf32> to vector<16xf32>
        %parallel_loop3A_848 = arith.constant 0 : i32
        %parallel_loop3A_849 = arith.index_cast %select_n3A_226 : i32 to index
        %parallel_loop3A_850 = arith.index_cast %parallel_loop3A_364 : i32 to index
        %parallel_loop3A_851 = arith.index_cast %parallel_loop3A_848 : i32 to index
        %parallel_loop3A_852 = arith.constant 48 : index
        %parallel_loop3A_853 = tpu.vector_load %arg8[%parallel_loop3A_849, %parallel_loop3A_850, %parallel_loop3A_851, %parallel_loop3A_852] {strides = array<i32>} : memref<2x16x4x128xf32, #tpu.memory_space<vmem>>, vector<1x1x1x16xf32>,
        %parallel_loop3A_854 = vector.shape_cast %parallel_loop3A_853 : vector<1x1x1x16xf32> to vector<16xf32>
        %parallel_loop3A_855 = arith.subf %parallel_loop3A_847, %parallel_loop3A_854 : vector<16xf32>
        %parallel_loop3A_856 = arith.mulf %parallel_loop3A_855, %parallel_loop3A_855 : vector<16xf32>
        %parallel_loop3A_857 = arith.mulf %parallel_loop3A_856, %parallel_loop3A_834 : vector<16xf32>
        %parallel_loop3A_858 = arith.addf %parallel_loop3A_807, %parallel_loop3A_857 : vector<16xf32>
        %parallel_loop3A_859 = arith.mulf %parallel_loop3A_856, %parallel_loop3A_840 : vector<16xf32>
        %parallel_loop3A_860 = arith.addf %parallel_loop3A_809, %parallel_loop3A_859 : vector<16xf32>
        %parallel_loop3A_861 = arith.constant 8 : i32
        %parallel_loop3A_862 = vector.broadcast %parallel_loop3A_861 : i32 to vector<16xi32>
        %parallel_loop3A_863 = arith.shrsi %parallel_loop3A_826, %parallel_loop3A_862 : vector<16xi32>
        %parallel_loop3A_864 = vector.broadcast %scan3A : i32 to vector<16xi32>
        %parallel_loop3A_865 = arith.andi %parallel_loop3A_863, %parallel_loop3A_864 : vector<16xi32>
        %parallel_loop3A_866 = arith.sitofp %parallel_loop3A_865 : vector<16xi32> to vector<16xf32>
        %parallel_loop3A_867 = arith.constant 8 : i32
        %parallel_loop3A_868 = vector.broadcast %parallel_loop3A_867 : i32 to vector<16xi32>
        %parallel_loop3A_869 = arith.shrsi %parallel_loop3A_823, %parallel_loop3A_868 : vector<16xi32>
        %parallel_loop3A_870 = vector.broadcast %scan3A : i32 to vector<16xi32>
        %parallel_loop3A_871 = arith.andi %parallel_loop3A_869, %parallel_loop3A_870 : vector<16xi32>
        %parallel_loop3A_872 = arith.sitofp %parallel_loop3A_871 : vector<16xi32> to vector<16xf32>
        %parallel_loop3A_873 = arith.constant 1 : i32
        %parallel_loop3A_874 = arith.index_cast %select_n3A_226 : i32 to index
        %parallel_loop3A_875 = arith.index_cast %parallel_loop3A_364 : i32 to index
        %parallel_loop3A_876 = arith.index_cast %parallel_loop3A_873 : i32 to index
        %parallel_loop3A_877 = arith.constant 48 : index
        %parallel_loop3A_878 = tpu.vector_load %arg7[%parallel_loop3A_874, %parallel_loop3A_875, %parallel_loop3A_876, %parallel_loop3A_877] {strides = array<i32>} : memref<2x16x4x128xf32, #tpu.memory_space<vmem>>, vector<1x1x1x16xf32>,
        %parallel_loop3A_879 = vector.shape_cast %parallel_loop3A_878 : vector<1x1x1x16xf32> to vector<16xf32>
        %parallel_loop3A_880 = arith.constant 1 : i32
        %parallel_loop3A_881 = arith.index_cast %select_n3A_226 : i32 to index
        %parallel_loop3A_882 = arith.index_cast %parallel_loop3A_364 : i32 to index
        %parallel_loop3A_883 = arith.index_cast %parallel_loop3A_880 : i32 to index
        %parallel_loop3A_884 = arith.constant 48 : index
        %parallel_loop3A_885 = tpu.vector_load %arg8[%parallel_loop3A_881, %parallel_loop3A_882, %parallel_loop3A_883, %parallel_loop3A_884] {strides = array<i32>} : memref<2x16x4x128xf32, #tpu.memory_space<vmem>>, vector<1x1x1x16xf32>,
        %parallel_loop3A_886 = vector.shape_cast %parallel_loop3A_885 : vector<1x1x1x16xf32> to vector<16xf32>
        %parallel_loop3A_887 = arith.subf %parallel_loop3A_879, %parallel_loop3A_886 : vector<16xf32>
        %parallel_loop3A_888 = arith.mulf %parallel_loop3A_887, %parallel_loop3A_887 : vector<16xf32>
        %parallel_loop3A_889 = arith.mulf %parallel_loop3A_888, %parallel_loop3A_866 : vector<16xf32>
        %parallel_loop3A_890 = arith.addf %parallel_loop3A_858, %parallel_loop3A_889 : vector<16xf32>
        %parallel_loop3A_891 = arith.mulf %parallel_loop3A_888, %parallel_loop3A_872 : vector<16xf32>
        %parallel_loop3A_892 = arith.addf %parallel_loop3A_860, %parallel_loop3A_891 : vector<16xf32>
        %parallel_loop3A_893 = arith.constant 16 : i32
        %parallel_loop3A_894 = vector.broadcast %parallel_loop3A_893 : i32 to vector<16xi32>
        %parallel_loop3A_895 = arith.shrsi %parallel_loop3A_826, %parallel_loop3A_894 : vector<16xi32>
        %parallel_loop3A_896 = vector.broadcast %scan3A : i32 to vector<16xi32>
        %parallel_loop3A_897 = arith.andi %parallel_loop3A_895, %parallel_loop3A_896 : vector<16xi32>
        %parallel_loop3A_898 = arith.sitofp %parallel_loop3A_897 : vector<16xi32> to vector<16xf32>
        %parallel_loop3A_899 = arith.constant 16 : i32
        %parallel_loop3A_900 = vector.broadcast %parallel_loop3A_899 : i32 to vector<16xi32>
        %parallel_loop3A_901 = arith.shrsi %parallel_loop3A_823, %parallel_loop3A_900 : vector<16xi32>
        %parallel_loop3A_902 = vector.broadcast %scan3A : i32 to vector<16xi32>
        %parallel_loop3A_903 = arith.andi %parallel_loop3A_901, %parallel_loop3A_902 : vector<16xi32>
        %parallel_loop3A_904 = arith.sitofp %parallel_loop3A_903 : vector<16xi32> to vector<16xf32>
        %parallel_loop3A_905 = arith.constant 2 : i32
        %parallel_loop3A_906 = arith.index_cast %select_n3A_226 : i32 to index
        %parallel_loop3A_907 = arith.index_cast %parallel_loop3A_364 : i32 to index
        %parallel_loop3A_908 = arith.index_cast %parallel_loop3A_905 : i32 to index
        %parallel_loop3A_909 = arith.constant 48 : index
        %parallel_loop3A_910 = tpu.vector_load %arg7[%parallel_loop3A_906, %parallel_loop3A_907, %parallel_loop3A_908, %parallel_loop3A_909] {strides = array<i32>} : memref<2x16x4x128xf32, #tpu.memory_space<vmem>>, vector<1x1x1x16xf32>,
        %parallel_loop3A_911 = vector.shape_cast %parallel_loop3A_910 : vector<1x1x1x16xf32> to vector<16xf32>
        %parallel_loop3A_912 = arith.constant 2 : i32
        %parallel_loop3A_913 = arith.index_cast %select_n3A_226 : i32 to index
        %parallel_loop3A_914 = arith.index_cast %parallel_loop3A_364 : i32 to index
        %parallel_loop3A_915 = arith.index_cast %parallel_loop3A_912 : i32 to index
        %parallel_loop3A_916 = arith.constant 48 : index
        %parallel_loop3A_917 = tpu.vector_load %arg8[%parallel_loop3A_913, %parallel_loop3A_914, %parallel_loop3A_915, %parallel_loop3A_916] {strides = array<i32>} : memref<2x16x4x128xf32, #tpu.memory_space<vmem>>, vector<1x1x1x16xf32>,
        %parallel_loop3A_918 = vector.shape_cast %parallel_loop3A_917 : vector<1x1x1x16xf32> to vector<16xf32>
        %parallel_loop3A_919 = arith.subf %parallel_loop3A_911, %parallel_loop3A_918 : vector<16xf32>
        %parallel_loop3A_920 = arith.mulf %parallel_loop3A_919, %parallel_loop3A_919 : vector<16xf32>
        %parallel_loop3A_921 = arith.mulf %parallel_loop3A_920, %parallel_loop3A_898 : vector<16xf32>
        %parallel_loop3A_922 = arith.addf %parallel_loop3A_890, %parallel_loop3A_921 : vector<16xf32>
        %parallel_loop3A_923 = arith.mulf %parallel_loop3A_920, %parallel_loop3A_904 : vector<16xf32>
        %parallel_loop3A_924 = arith.addf %parallel_loop3A_892, %parallel_loop3A_923 : vector<16xf32>
        %parallel_loop3A_925 = arith.constant 24 : i32
        %parallel_loop3A_926 = vector.broadcast %parallel_loop3A_925 : i32 to vector<16xi32>
        %parallel_loop3A_927 = arith.shrsi %parallel_loop3A_826, %parallel_loop3A_926 : vector<16xi32>
        %parallel_loop3A_928 = vector.broadcast %scan3A : i32 to vector<16xi32>
        %parallel_loop3A_929 = arith.andi %parallel_loop3A_927, %parallel_loop3A_928 : vector<16xi32>
        %parallel_loop3A_930 = arith.sitofp %parallel_loop3A_929 : vector<16xi32> to vector<16xf32>
        %parallel_loop3A_931 = arith.constant 24 : i32
        %parallel_loop3A_932 = vector.broadcast %parallel_loop3A_931 : i32 to vector<16xi32>
        %parallel_loop3A_933 = arith.shrsi %parallel_loop3A_823, %parallel_loop3A_932 : vector<16xi32>
        %parallel_loop3A_934 = vector.broadcast %scan3A : i32 to vector<16xi32>
        %parallel_loop3A_935 = arith.andi %parallel_loop3A_933, %parallel_loop3A_934 : vector<16xi32>
        %parallel_loop3A_936 = arith.sitofp %parallel_loop3A_935 : vector<16xi32> to vector<16xf32>
        %parallel_loop3A_937 = arith.constant 3 : i32
        %parallel_loop3A_938 = arith.index_cast %select_n3A_226 : i32 to index
        %parallel_loop3A_939 = arith.index_cast %parallel_loop3A_364 : i32 to index
        %parallel_loop3A_940 = arith.index_cast %parallel_loop3A_937 : i32 to index
        %parallel_loop3A_941 = arith.constant 48 : index
        %parallel_loop3A_942 = tpu.vector_load %arg7[%parallel_loop3A_938, %parallel_loop3A_939, %parallel_loop3A_940, %parallel_loop3A_941] {strides = array<i32>} : memref<2x16x4x128xf32, #tpu.memory_space<vmem>>, vector<1x1x1x16xf32>,
        %parallel_loop3A_943 = vector.shape_cast %parallel_loop3A_942 : vector<1x1x1x16xf32> to vector<16xf32>
        %parallel_loop3A_944 = arith.constant 3 : i32
        %parallel_loop3A_945 = arith.index_cast %select_n3A_226 : i32 to index
        %parallel_loop3A_946 = arith.index_cast %parallel_loop3A_364 : i32 to index
        %parallel_loop3A_947 = arith.index_cast %parallel_loop3A_944 : i32 to index
        %parallel_loop3A_948 = arith.constant 48 : index
        %parallel_loop3A_949 = tpu.vector_load %arg8[%parallel_loop3A_945, %parallel_loop3A_946, %parallel_loop3A_947, %parallel_loop3A_948] {strides = array<i32>} : memref<2x16x4x128xf32, #tpu.memory_space<vmem>>, vector<1x1x1x16xf32>,
        %parallel_loop3A_950 = vector.shape_cast %parallel_loop3A_949 : vector<1x1x1x16xf32> to vector<16xf32>
        %parallel_loop3A_951 = arith.subf %parallel_loop3A_943, %parallel_loop3A_950 : vector<16xf32>
        %parallel_loop3A_952 = arith.mulf %parallel_loop3A_951, %parallel_loop3A_951 : vector<16xf32>
        %parallel_loop3A_953 = arith.mulf %parallel_loop3A_952, %parallel_loop3A_930 : vector<16xf32>
        %parallel_loop3A_954 = arith.addf %parallel_loop3A_922, %parallel_loop3A_953 : vector<16xf32>
        %parallel_loop3A_955 = arith.mulf %parallel_loop3A_952, %parallel_loop3A_936 : vector<16xf32>
        %parallel_loop3A_956 = arith.addf %parallel_loop3A_924, %parallel_loop3A_955 : vector<16xf32>
        %parallel_loop3A_957 = arith.constant 0 : i32
        %parallel_loop3A_958 = arith.index_cast %select_n3A_226 : i32 to index
        %parallel_loop3A_959 = arith.index_cast %parallel_loop3A_364 : i32 to index
        %parallel_loop3A_960 = arith.index_cast %parallel_loop3A_957 : i32 to index
        %parallel_loop3A_961 = arith.constant 64 : index
        %parallel_loop3A_962 = tpu.vector_load %arg9[%parallel_loop3A_958, %parallel_loop3A_959, %parallel_loop3A_960, %parallel_loop3A_961] {strides = array<i32>} : memref<2x16x1x128xi32, #tpu.memory_space<vmem>>, vector<1x1x1x16xi32>,
        %parallel_loop3A_963 = vector.shape_cast %parallel_loop3A_962 : vector<1x1x1x16xi32> to vector<16xi32>
        %parallel_loop3A_964 = arith.constant 0 : i32
        %parallel_loop3A_965 = arith.index_cast %select_n3A_226 : i32 to index
        %parallel_loop3A_966 = arith.index_cast %parallel_loop3A_364 : i32 to index
        %parallel_loop3A_967 = arith.index_cast %parallel_loop3A_964 : i32 to index
        %parallel_loop3A_968 = arith.constant 64 : index
        %parallel_loop3A_969 = tpu.vector_load %arg10[%parallel_loop3A_965, %parallel_loop3A_966, %parallel_loop3A_967, %parallel_loop3A_968] {strides = array<i32>} : memref<2x16x1x128xi32, #tpu.memory_space<vmem>>, vector<1x1x1x16xi32>,
        %parallel_loop3A_970 = vector.shape_cast %parallel_loop3A_969 : vector<1x1x1x16xi32> to vector<16xi32>
        %parallel_loop3A_971 = arith.constant dense<-1> : vector<16xi32>
        %parallel_loop3A_972 = arith.xori %parallel_loop3A_970, %parallel_loop3A_971 : vector<16xi32>
        %parallel_loop3A_973 = arith.andi %parallel_loop3A_963, %parallel_loop3A_972 : vector<16xi32>
        %parallel_loop3A_974 = arith.addi %parallel_loop3A_827, %parallel_loop3A_973 : vector<16xi32>
        %parallel_loop3A_975 = arith.addi %parallel_loop3A_828, %parallel_loop3A_970 : vector<16xi32>
        %parallel_loop3A_976 = arith.constant 0 : i32
        %parallel_loop3A_977 = vector.broadcast %parallel_loop3A_976 : i32 to vector<16xi32>
        %parallel_loop3A_978 = arith.shrsi %parallel_loop3A_973, %parallel_loop3A_977 : vector<16xi32>
        %parallel_loop3A_979 = vector.broadcast %scan3A : i32 to vector<16xi32>
        %parallel_loop3A_980 = arith.andi %parallel_loop3A_978, %parallel_loop3A_979 : vector<16xi32>
        %parallel_loop3A_981 = arith.sitofp %parallel_loop3A_980 : vector<16xi32> to vector<16xf32>
        %parallel_loop3A_982 = arith.constant 0 : i32
        %parallel_loop3A_983 = vector.broadcast %parallel_loop3A_982 : i32 to vector<16xi32>
        %parallel_loop3A_984 = arith.shrsi %parallel_loop3A_970, %parallel_loop3A_983 : vector<16xi32>
        %parallel_loop3A_985 = vector.broadcast %scan3A : i32 to vector<16xi32>
        %parallel_loop3A_986 = arith.andi %parallel_loop3A_984, %parallel_loop3A_985 : vector<16xi32>
        %parallel_loop3A_987 = arith.sitofp %parallel_loop3A_986 : vector<16xi32> to vector<16xf32>
        %parallel_loop3A_988 = arith.constant 0 : i32
        %parallel_loop3A_989 = arith.index_cast %select_n3A_226 : i32 to index
        %parallel_loop3A_990 = arith.index_cast %parallel_loop3A_364 : i32 to index
        %parallel_loop3A_991 = arith.index_cast %parallel_loop3A_988 : i32 to index
        %parallel_loop3A_992 = arith.constant 64 : index
        %parallel_loop3A_993 = tpu.vector_load %arg7[%parallel_loop3A_989, %parallel_loop3A_990, %parallel_loop3A_991, %parallel_loop3A_992] {strides = array<i32>} : memref<2x16x4x128xf32, #tpu.memory_space<vmem>>, vector<1x1x1x16xf32>,
        %parallel_loop3A_994 = vector.shape_cast %parallel_loop3A_993 : vector<1x1x1x16xf32> to vector<16xf32>
        %parallel_loop3A_995 = arith.constant 0 : i32
        %parallel_loop3A_996 = arith.index_cast %select_n3A_226 : i32 to index
        %parallel_loop3A_997 = arith.index_cast %parallel_loop3A_364 : i32 to index
        %parallel_loop3A_998 = arith.index_cast %parallel_loop3A_995 : i32 to index
        %parallel_loop3A_999 = arith.constant 64 : index
        %parallel_loop3A_1000 = tpu.vector_load %arg8[%parallel_loop3A_996, %parallel_loop3A_997, %parallel_loop3A_998, %parallel_loop3A_999] {strides = array<i32>} : memref<2x16x4x128xf32, #tpu.memory_space<vmem>>, vector<1x1x1x16xf32>,
        %parallel_loop3A_1001 = vector.shape_cast %parallel_loop3A_1000 : vector<1x1x1x16xf32> to vector<16xf32>
        %parallel_loop3A_1002 = arith.subf %parallel_loop3A_994, %parallel_loop3A_1001 : vector<16xf32>
        %parallel_loop3A_1003 = arith.mulf %parallel_loop3A_1002, %parallel_loop3A_1002 : vector<16xf32>
        %parallel_loop3A_1004 = arith.mulf %parallel_loop3A_1003, %parallel_loop3A_981 : vector<16xf32>
        %parallel_loop3A_1005 = arith.addf %parallel_loop3A_954, %parallel_loop3A_1004 : vector<16xf32>
        %parallel_loop3A_1006 = arith.mulf %parallel_loop3A_1003, %parallel_loop3A_987 : vector<16xf32>
        %parallel_loop3A_1007 = arith.addf %parallel_loop3A_956, %parallel_loop3A_1006 : vector<16xf32>
        %parallel_loop3A_1008 = arith.constant 8 : i32
        %parallel_loop3A_1009 = vector.broadcast %parallel_loop3A_1008 : i32 to vector<16xi32>
        %parallel_loop3A_1010 = arith.shrsi %parallel_loop3A_973, %parallel_loop3A_1009 : vector<16xi32>
        %parallel_loop3A_1011 = vector.broadcast %scan3A : i32 to vector<16xi32>
        %parallel_loop3A_1012 = arith.andi %parallel_loop3A_1010, %parallel_loop3A_1011 : vector<16xi32>
        %parallel_loop3A_1013 = arith.sitofp %parallel_loop3A_1012 : vector<16xi32> to vector<16xf32>
        %parallel_loop3A_1014 = arith.constant 8 : i32
        %parallel_loop3A_1015 = vector.broadcast %parallel_loop3A_1014 : i32 to vector<16xi32>
        %parallel_loop3A_1016 = arith.shrsi %parallel_loop3A_970, %parallel_loop3A_1015 : vector<16xi32>
        %parallel_loop3A_1017 = vector.broadcast %scan3A : i32 to vector<16xi32>
        %parallel_loop3A_1018 = arith.andi %parallel_loop3A_1016, %parallel_loop3A_1017 : vector<16xi32>
        %parallel_loop3A_1019 = arith.sitofp %parallel_loop3A_1018 : vector<16xi32> to vector<16xf32>
        %parallel_loop3A_1020 = arith.constant 1 : i32
        %parallel_loop3A_1021 = arith.index_cast %select_n3A_226 : i32 to index
        %parallel_loop3A_1022 = arith.index_cast %parallel_loop3A_364 : i32 to index
        %parallel_loop3A_1023 = arith.index_cast %parallel_loop3A_1020 : i32 to index
        %parallel_loop3A_1024 = arith.constant 64 : index
        %parallel_loop3A_1025 = tpu.vector_load %arg7[%parallel_loop3A_1021, %parallel_loop3A_1022, %parallel_loop3A_1023, %parallel_loop3A_1024] {strides = array<i32>} : memref<2x16x4x128xf32, #tpu.memory_space<vmem>>, vector<1x1x1x16xf32>,
        %parallel_loop3A_1026 = vector.shape_cast %parallel_loop3A_1025 : vector<1x1x1x16xf32> to vector<16xf32>
        %parallel_loop3A_1027 = arith.constant 1 : i32
        %parallel_loop3A_1028 = arith.index_cast %select_n3A_226 : i32 to index
        %parallel_loop3A_1029 = arith.index_cast %parallel_loop3A_364 : i32 to index
        %parallel_loop3A_1030 = arith.index_cast %parallel_loop3A_1027 : i32 to index
        %parallel_loop3A_1031 = arith.constant 64 : index
        %parallel_loop3A_1032 = tpu.vector_load %arg8[%parallel_loop3A_1028, %parallel_loop3A_1029, %parallel_loop3A_1030, %parallel_loop3A_1031] {strides = array<i32>} : memref<2x16x4x128xf32, #tpu.memory_space<vmem>>, vector<1x1x1x16xf32>,
        %parallel_loop3A_1033 = vector.shape_cast %parallel_loop3A_1032 : vector<1x1x1x16xf32> to vector<16xf32>
        %parallel_loop3A_1034 = arith.subf %parallel_loop3A_1026, %parallel_loop3A_1033 : vector<16xf32>
        %parallel_loop3A_1035 = arith.mulf %parallel_loop3A_1034, %parallel_loop3A_1034 : vector<16xf32>
        %parallel_loop3A_1036 = arith.mulf %parallel_loop3A_1035, %parallel_loop3A_1013 : vector<16xf32>
        %parallel_loop3A_1037 = arith.addf %parallel_loop3A_1005, %parallel_loop3A_1036 : vector<16xf32>
        %parallel_loop3A_1038 = arith.mulf %parallel_loop3A_1035, %parallel_loop3A_1019 : vector<16xf32>
        %parallel_loop3A_1039 = arith.addf %parallel_loop3A_1007, %parallel_loop3A_1038 : vector<16xf32>
        %parallel_loop3A_1040 = arith.constant 16 : i32
        %parallel_loop3A_1041 = vector.broadcast %parallel_loop3A_1040 : i32 to vector<16xi32>
        %parallel_loop3A_1042 = arith.shrsi %parallel_loop3A_973, %parallel_loop3A_1041 : vector<16xi32>
        %parallel_loop3A_1043 = vector.broadcast %scan3A : i32 to vector<16xi32>
        %parallel_loop3A_1044 = arith.andi %parallel_loop3A_1042, %parallel_loop3A_1043 : vector<16xi32>
        %parallel_loop3A_1045 = arith.sitofp %parallel_loop3A_1044 : vector<16xi32> to vector<16xf32>
        %parallel_loop3A_1046 = arith.constant 16 : i32
        %parallel_loop3A_1047 = vector.broadcast %parallel_loop3A_1046 : i32 to vector<16xi32>
        %parallel_loop3A_1048 = arith.shrsi %parallel_loop3A_970, %parallel_loop3A_1047 : vector<16xi32>
        %parallel_loop3A_1049 = vector.broadcast %scan3A : i32 to vector<16xi32>
        %parallel_loop3A_1050 = arith.andi %parallel_loop3A_1048, %parallel_loop3A_1049 : vector<16xi32>
        %parallel_loop3A_1051 = arith.sitofp %parallel_loop3A_1050 : vector<16xi32> to vector<16xf32>
        %parallel_loop3A_1052 = arith.constant 2 : i32
        %parallel_loop3A_1053 = arith.index_cast %select_n3A_226 : i32 to index
        %parallel_loop3A_1054 = arith.index_cast %parallel_loop3A_364 : i32 to index
        %parallel_loop3A_1055 = arith.index_cast %parallel_loop3A_1052 : i32 to index
        %parallel_loop3A_1056 = arith.constant 64 : index
        %parallel_loop3A_1057 = tpu.vector_load %arg7[%parallel_loop3A_1053, %parallel_loop3A_1054, %parallel_loop3A_1055, %parallel_loop3A_1056] {strides = array<i32>} : memref<2x16x4x128xf32, #tpu.memory_space<vmem>>, vector<1x1x1x16xf32>,
        %parallel_loop3A_1058 = vector.shape_cast %parallel_loop3A_1057 : vector<1x1x1x16xf32> to vector<16xf32>
        %parallel_loop3A_1059 = arith.constant 2 : i32
        %parallel_loop3A_1060 = arith.index_cast %select_n3A_226 : i32 to index
        %parallel_loop3A_1061 = arith.index_cast %parallel_loop3A_364 : i32 to index
        %parallel_loop3A_1062 = arith.index_cast %parallel_loop3A_1059 : i32 to index
        %parallel_loop3A_1063 = arith.constant 64 : index
        %parallel_loop3A_1064 = tpu.vector_load %arg8[%parallel_loop3A_1060, %parallel_loop3A_1061, %parallel_loop3A_1062, %parallel_loop3A_1063] {strides = array<i32>} : memref<2x16x4x128xf32, #tpu.memory_space<vmem>>, vector<1x1x1x16xf32>,
        %parallel_loop3A_1065 = vector.shape_cast %parallel_loop3A_1064 : vector<1x1x1x16xf32> to vector<16xf32>
        %parallel_loop3A_1066 = arith.subf %parallel_loop3A_1058, %parallel_loop3A_1065 : vector<16xf32>
        %parallel_loop3A_1067 = arith.mulf %parallel_loop3A_1066, %parallel_loop3A_1066 : vector<16xf32>
        %parallel_loop3A_1068 = arith.mulf %parallel_loop3A_1067, %parallel_loop3A_1045 : vector<16xf32>
        %parallel_loop3A_1069 = arith.addf %parallel_loop3A_1037, %parallel_loop3A_1068 : vector<16xf32>
        %parallel_loop3A_1070 = arith.mulf %parallel_loop3A_1067, %parallel_loop3A_1051 : vector<16xf32>
        %parallel_loop3A_1071 = arith.addf %parallel_loop3A_1039, %parallel_loop3A_1070 : vector<16xf32>
        %parallel_loop3A_1072 = arith.constant 24 : i32
        %parallel_loop3A_1073 = vector.broadcast %parallel_loop3A_1072 : i32 to vector<16xi32>
        %parallel_loop3A_1074 = arith.shrsi %parallel_loop3A_973, %parallel_loop3A_1073 : vector<16xi32>
        %parallel_loop3A_1075 = vector.broadcast %scan3A : i32 to vector<16xi32>
        %parallel_loop3A_1076 = arith.andi %parallel_loop3A_1074, %parallel_loop3A_1075 : vector<16xi32>
        %parallel_loop3A_1077 = arith.sitofp %parallel_loop3A_1076 : vector<16xi32> to vector<16xf32>
        %parallel_loop3A_1078 = arith.constant 24 : i32
        %parallel_loop3A_1079 = vector.broadcast %parallel_loop3A_1078 : i32 to vector<16xi32>
        %parallel_loop3A_1080 = arith.shrsi %parallel_loop3A_970, %parallel_loop3A_1079 : vector<16xi32>
        %parallel_loop3A_1081 = vector.broadcast %scan3A : i32 to vector<16xi32>
        %parallel_loop3A_1082 = arith.andi %parallel_loop3A_1080, %parallel_loop3A_1081 : vector<16xi32>
        %parallel_loop3A_1083 = arith.sitofp %parallel_loop3A_1082 : vector<16xi32> to vector<16xf32>
        %parallel_loop3A_1084 = arith.constant 3 : i32
        %parallel_loop3A_1085 = arith.index_cast %select_n3A_226 : i32 to index
        %parallel_loop3A_1086 = arith.index_cast %parallel_loop3A_364 : i32 to index
        %parallel_loop3A_1087 = arith.index_cast %parallel_loop3A_1084 : i32 to index
        %parallel_loop3A_1088 = arith.constant 64 : index
        %parallel_loop3A_1089 = tpu.vector_load %arg7[%parallel_loop3A_1085, %parallel_loop3A_1086, %parallel_loop3A_1087, %parallel_loop3A_1088] {strides = array<i32>} : memref<2x16x4x128xf32, #tpu.memory_space<vmem>>, vector<1x1x1x16xf32>,
        %parallel_loop3A_1090 = vector.shape_cast %parallel_loop3A_1089 : vector<1x1x1x16xf32> to vector<16xf32>
        %parallel_loop3A_1091 = arith.constant 3 : i32
        %parallel_loop3A_1092 = arith.index_cast %select_n3A_226 : i32 to index
        %parallel_loop3A_1093 = arith.index_cast %parallel_loop3A_364 : i32 to index
        %parallel_loop3A_1094 = arith.index_cast %parallel_loop3A_1091 : i32 to index
        %parallel_loop3A_1095 = arith.constant 64 : index
        %parallel_loop3A_1096 = tpu.vector_load %arg8[%parallel_loop3A_1092, %parallel_loop3A_1093, %parallel_loop3A_1094, %parallel_loop3A_1095] {strides = array<i32>} : memref<2x16x4x128xf32, #tpu.memory_space<vmem>>, vector<1x1x1x16xf32>,
        %parallel_loop3A_1097 = vector.shape_cast %parallel_loop3A_1096 : vector<1x1x1x16xf32> to vector<16xf32>
        %parallel_loop3A_1098 = arith.subf %parallel_loop3A_1090, %parallel_loop3A_1097 : vector<16xf32>
        %parallel_loop3A_1099 = arith.mulf %parallel_loop3A_1098, %parallel_loop3A_1098 : vector<16xf32>
        %parallel_loop3A_1100 = arith.mulf %parallel_loop3A_1099, %parallel_loop3A_1077 : vector<16xf32>
        %parallel_loop3A_1101 = arith.addf %parallel_loop3A_1069, %parallel_loop3A_1100 : vector<16xf32>
        %parallel_loop3A_1102 = arith.mulf %parallel_loop3A_1099, %parallel_loop3A_1083 : vector<16xf32>
        %parallel_loop3A_1103 = arith.addf %parallel_loop3A_1071, %parallel_loop3A_1102 : vector<16xf32>
        %parallel_loop3A_1104 = arith.constant 0 : i32
        %parallel_loop3A_1105 = arith.index_cast %select_n3A_226 : i32 to index
        %parallel_loop3A_1106 = arith.index_cast %parallel_loop3A_364 : i32 to index
        %parallel_loop3A_1107 = arith.index_cast %parallel_loop3A_1104 : i32 to index
        %parallel_loop3A_1108 = arith.constant 80 : index
        %parallel_loop3A_1109 = tpu.vector_load %arg9[%parallel_loop3A_1105, %parallel_loop3A_1106, %parallel_loop3A_1107, %parallel_loop3A_1108] {strides = array<i32>} : memref<2x16x1x128xi32, #tpu.memory_space<vmem>>, vector<1x1x1x16xi32>,
        %parallel_loop3A_1110 = vector.shape_cast %parallel_loop3A_1109 : vector<1x1x1x16xi32> to vector<16xi32>
        %parallel_loop3A_1111 = arith.constant 0 : i32
        %parallel_loop3A_1112 = arith.index_cast %select_n3A_226 : i32 to index
        %parallel_loop3A_1113 = arith.index_cast %parallel_loop3A_364 : i32 to index
        %parallel_loop3A_1114 = arith.index_cast %parallel_loop3A_1111 : i32 to index
        %parallel_loop3A_1115 = arith.constant 80 : index
        %parallel_loop3A_1116 = tpu.vector_load %arg10[%parallel_loop3A_1112, %parallel_loop3A_1113, %parallel_loop3A_1114, %parallel_loop3A_1115] {strides = array<i32>} : memref<2x16x1x128xi32, #tpu.memory_space<vmem>>, vector<1x1x1x16xi32>,
        %parallel_loop3A_1117 = vector.shape_cast %parallel_loop3A_1116 : vector<1x1x1x16xi32> to vector<16xi32>
        %parallel_loop3A_1118 = arith.constant dense<-1> : vector<16xi32>
        %parallel_loop3A_1119 = arith.xori %parallel_loop3A_1117, %parallel_loop3A_1118 : vector<16xi32>
        %parallel_loop3A_1120 = arith.andi %parallel_loop3A_1110, %parallel_loop3A_1119 : vector<16xi32>
        %parallel_loop3A_1121 = arith.addi %parallel_loop3A_974, %parallel_loop3A_1120 : vector<16xi32>
        %parallel_loop3A_1122 = arith.addi %parallel_loop3A_975, %parallel_loop3A_1117 : vector<16xi32>
        %parallel_loop3A_1123 = arith.constant 0 : i32
        %parallel_loop3A_1124 = vector.broadcast %parallel_loop3A_1123 : i32 to vector<16xi32>
        %parallel_loop3A_1125 = arith.shrsi %parallel_loop3A_1120, %parallel_loop3A_1124 : vector<16xi32>
        %parallel_loop3A_1126 = vector.broadcast %scan3A : i32 to vector<16xi32>
        %parallel_loop3A_1127 = arith.andi %parallel_loop3A_1125, %parallel_loop3A_1126 : vector<16xi32>
        %parallel_loop3A_1128 = arith.sitofp %parallel_loop3A_1127 : vector<16xi32> to vector<16xf32>
        %parallel_loop3A_1129 = arith.constant 0 : i32
        %parallel_loop3A_1130 = vector.broadcast %parallel_loop3A_1129 : i32 to vector<16xi32>
        %parallel_loop3A_1131 = arith.shrsi %parallel_loop3A_1117, %parallel_loop3A_1130 : vector<16xi32>
        %parallel_loop3A_1132 = vector.broadcast %scan3A : i32 to vector<16xi32>
        %parallel_loop3A_1133 = arith.andi %parallel_loop3A_1131, %parallel_loop3A_1132 : vector<16xi32>
        %parallel_loop3A_1134 = arith.sitofp %parallel_loop3A_1133 : vector<16xi32> to vector<16xf32>
        %parallel_loop3A_1135 = arith.constant 0 : i32
        %parallel_loop3A_1136 = arith.index_cast %select_n3A_226 : i32 to index
        %parallel_loop3A_1137 = arith.index_cast %parallel_loop3A_364 : i32 to index
        %parallel_loop3A_1138 = arith.index_cast %parallel_loop3A_1135 : i32 to index
        %parallel_loop3A_1139 = arith.constant 80 : index
        %parallel_loop3A_1140 = tpu.vector_load %arg7[%parallel_loop3A_1136, %parallel_loop3A_1137, %parallel_loop3A_1138, %parallel_loop3A_1139] {strides = array<i32>} : memref<2x16x4x128xf32, #tpu.memory_space<vmem>>, vector<1x1x1x16xf32>,
        %parallel_loop3A_1141 = vector.shape_cast %parallel_loop3A_1140 : vector<1x1x1x16xf32> to vector<16xf32>
        %parallel_loop3A_1142 = arith.constant 0 : i32
        %parallel_loop3A_1143 = arith.index_cast %select_n3A_226 : i32 to index
        %parallel_loop3A_1144 = arith.index_cast %parallel_loop3A_364 : i32 to index
        %parallel_loop3A_1145 = arith.index_cast %parallel_loop3A_1142 : i32 to index
        %parallel_loop3A_1146 = arith.constant 80 : index
        %parallel_loop3A_1147 = tpu.vector_load %arg8[%parallel_loop3A_1143, %parallel_loop3A_1144, %parallel_loop3A_1145, %parallel_loop3A_1146] {strides = array<i32>} : memref<2x16x4x128xf32, #tpu.memory_space<vmem>>, vector<1x1x1x16xf32>,
        %parallel_loop3A_1148 = vector.shape_cast %parallel_loop3A_1147 : vector<1x1x1x16xf32> to vector<16xf32>
        %parallel_loop3A_1149 = arith.subf %parallel_loop3A_1141, %parallel_loop3A_1148 : vector<16xf32>
        %parallel_loop3A_1150 = arith.mulf %parallel_loop3A_1149, %parallel_loop3A_1149 : vector<16xf32>
        %parallel_loop3A_1151 = arith.mulf %parallel_loop3A_1150, %parallel_loop3A_1128 : vector<16xf32>
        %parallel_loop3A_1152 = arith.addf %parallel_loop3A_1101, %parallel_loop3A_1151 : vector<16xf32>
        %parallel_loop3A_1153 = arith.mulf %parallel_loop3A_1150, %parallel_loop3A_1134 : vector<16xf32>
        %parallel_loop3A_1154 = arith.addf %parallel_loop3A_1103, %parallel_loop3A_1153 : vector<16xf32>
        %parallel_loop3A_1155 = arith.constant 8 : i32
        %parallel_loop3A_1156 = vector.broadcast %parallel_loop3A_1155 : i32 to vector<16xi32>
        %parallel_loop3A_1157 = arith.shrsi %parallel_loop3A_1120, %parallel_loop3A_1156 : vector<16xi32>
        %parallel_loop3A_1158 = vector.broadcast %scan3A : i32 to vector<16xi32>
        %parallel_loop3A_1159 = arith.andi %parallel_loop3A_1157, %parallel_loop3A_1158 : vector<16xi32>
        %parallel_loop3A_1160 = arith.sitofp %parallel_loop3A_1159 : vector<16xi32> to vector<16xf32>
        %parallel_loop3A_1161 = arith.constant 8 : i32
        %parallel_loop3A_1162 = vector.broadcast %parallel_loop3A_1161 : i32 to vector<16xi32>
        %parallel_loop3A_1163 = arith.shrsi %parallel_loop3A_1117, %parallel_loop3A_1162 : vector<16xi32>
        %parallel_loop3A_1164 = vector.broadcast %scan3A : i32 to vector<16xi32>
        %parallel_loop3A_1165 = arith.andi %parallel_loop3A_1163, %parallel_loop3A_1164 : vector<16xi32>
        %parallel_loop3A_1166 = arith.sitofp %parallel_loop3A_1165 : vector<16xi32> to vector<16xf32>
        %parallel_loop3A_1167 = arith.constant 1 : i32
        %parallel_loop3A_1168 = arith.index_cast %select_n3A_226 : i32 to index
        %parallel_loop3A_1169 = arith.index_cast %parallel_loop3A_364 : i32 to index
        %parallel_loop3A_1170 = arith.index_cast %parallel_loop3A_1167 : i32 to index
        %parallel_loop3A_1171 = arith.constant 80 : index
        %parallel_loop3A_1172 = tpu.vector_load %arg7[%parallel_loop3A_1168, %parallel_loop3A_1169, %parallel_loop3A_1170, %parallel_loop3A_1171] {strides = array<i32>} : memref<2x16x4x128xf32, #tpu.memory_space<vmem>>, vector<1x1x1x16xf32>,
        %parallel_loop3A_1173 = vector.shape_cast %parallel_loop3A_1172 : vector<1x1x1x16xf32> to vector<16xf32>
        %parallel_loop3A_1174 = arith.constant 1 : i32
        %parallel_loop3A_1175 = arith.index_cast %select_n3A_226 : i32 to index
        %parallel_loop3A_1176 = arith.index_cast %parallel_loop3A_364 : i32 to index
        %parallel_loop3A_1177 = arith.index_cast %parallel_loop3A_1174 : i32 to index
        %parallel_loop3A_1178 = arith.constant 80 : index
        %parallel_loop3A_1179 = tpu.vector_load %arg8[%parallel_loop3A_1175, %parallel_loop3A_1176, %parallel_loop3A_1177, %parallel_loop3A_1178] {strides = array<i32>} : memref<2x16x4x128xf32, #tpu.memory_space<vmem>>, vector<1x1x1x16xf32>,
        %parallel_loop3A_1180 = vector.shape_cast %parallel_loop3A_1179 : vector<1x1x1x16xf32> to vector<16xf32>
        %parallel_loop3A_1181 = arith.subf %parallel_loop3A_1173, %parallel_loop3A_1180 : vector<16xf32>
        %parallel_loop3A_1182 = arith.mulf %parallel_loop3A_1181, %parallel_loop3A_1181 : vector<16xf32>
        %parallel_loop3A_1183 = arith.mulf %parallel_loop3A_1182, %parallel_loop3A_1160 : vector<16xf32>
        %parallel_loop3A_1184 = arith.addf %parallel_loop3A_1152, %parallel_loop3A_1183 : vector<16xf32>
        %parallel_loop3A_1185 = arith.mulf %parallel_loop3A_1182, %parallel_loop3A_1166 : vector<16xf32>
        %parallel_loop3A_1186 = arith.addf %parallel_loop3A_1154, %parallel_loop3A_1185 : vector<16xf32>
        %parallel_loop3A_1187 = arith.constant 16 : i32
        %parallel_loop3A_1188 = vector.broadcast %parallel_loop3A_1187 : i32 to vector<16xi32>
        %parallel_loop3A_1189 = arith.shrsi %parallel_loop3A_1120, %parallel_loop3A_1188 : vector<16xi32>
        %parallel_loop3A_1190 = vector.broadcast %scan3A : i32 to vector<16xi32>
        %parallel_loop3A_1191 = arith.andi %parallel_loop3A_1189, %parallel_loop3A_1190 : vector<16xi32>
        %parallel_loop3A_1192 = arith.sitofp %parallel_loop3A_1191 : vector<16xi32> to vector<16xf32>
        %parallel_loop3A_1193 = arith.constant 16 : i32
        %parallel_loop3A_1194 = vector.broadcast %parallel_loop3A_1193 : i32 to vector<16xi32>
        %parallel_loop3A_1195 = arith.shrsi %parallel_loop3A_1117, %parallel_loop3A_1194 : vector<16xi32>
        %parallel_loop3A_1196 = vector.broadcast %scan3A : i32 to vector<16xi32>
        %parallel_loop3A_1197 = arith.andi %parallel_loop3A_1195, %parallel_loop3A_1196 : vector<16xi32>
        %parallel_loop3A_1198 = arith.sitofp %parallel_loop3A_1197 : vector<16xi32> to vector<16xf32>
        %parallel_loop3A_1199 = arith.constant 2 : i32
        %parallel_loop3A_1200 = arith.index_cast %select_n3A_226 : i32 to index
        %parallel_loop3A_1201 = arith.index_cast %parallel_loop3A_364 : i32 to index
        %parallel_loop3A_1202 = arith.index_cast %parallel_loop3A_1199 : i32 to index
        %parallel_loop3A_1203 = arith.constant 80 : index
        %parallel_loop3A_1204 = tpu.vector_load %arg7[%parallel_loop3A_1200, %parallel_loop3A_1201, %parallel_loop3A_1202, %parallel_loop3A_1203] {strides = array<i32>} : memref<2x16x4x128xf32, #tpu.memory_space<vmem>>, vector<1x1x1x16xf32>,
        %parallel_loop3A_1205 = vector.shape_cast %parallel_loop3A_1204 : vector<1x1x1x16xf32> to vector<16xf32>
        %parallel_loop3A_1206 = arith.constant 2 : i32
        %parallel_loop3A_1207 = arith.index_cast %select_n3A_226 : i32 to index
        %parallel_loop3A_1208 = arith.index_cast %parallel_loop3A_364 : i32 to index
        %parallel_loop3A_1209 = arith.index_cast %parallel_loop3A_1206 : i32 to index
        %parallel_loop3A_1210 = arith.constant 80 : index
        %parallel_loop3A_1211 = tpu.vector_load %arg8[%parallel_loop3A_1207, %parallel_loop3A_1208, %parallel_loop3A_1209, %parallel_loop3A_1210] {strides = array<i32>} : memref<2x16x4x128xf32, #tpu.memory_space<vmem>>, vector<1x1x1x16xf32>,
        %parallel_loop3A_1212 = vector.shape_cast %parallel_loop3A_1211 : vector<1x1x1x16xf32> to vector<16xf32>
        %parallel_loop3A_1213 = arith.subf %parallel_loop3A_1205, %parallel_loop3A_1212 : vector<16xf32>
        %parallel_loop3A_1214 = arith.mulf %parallel_loop3A_1213, %parallel_loop3A_1213 : vector<16xf32>
        %parallel_loop3A_1215 = arith.mulf %parallel_loop3A_1214, %parallel_loop3A_1192 : vector<16xf32>
        %parallel_loop3A_1216 = arith.addf %parallel_loop3A_1184, %parallel_loop3A_1215 : vector<16xf32>
        %parallel_loop3A_1217 = arith.mulf %parallel_loop3A_1214, %parallel_loop3A_1198 : vector<16xf32>
        %parallel_loop3A_1218 = arith.addf %parallel_loop3A_1186, %parallel_loop3A_1217 : vector<16xf32>
        %parallel_loop3A_1219 = arith.constant 24 : i32
        %parallel_loop3A_1220 = vector.broadcast %parallel_loop3A_1219 : i32 to vector<16xi32>
        %parallel_loop3A_1221 = arith.shrsi %parallel_loop3A_1120, %parallel_loop3A_1220 : vector<16xi32>
        %parallel_loop3A_1222 = vector.broadcast %scan3A : i32 to vector<16xi32>
        %parallel_loop3A_1223 = arith.andi %parallel_loop3A_1221, %parallel_loop3A_1222 : vector<16xi32>
        %parallel_loop3A_1224 = arith.sitofp %parallel_loop3A_1223 : vector<16xi32> to vector<16xf32>
        %parallel_loop3A_1225 = arith.constant 24 : i32
        %parallel_loop3A_1226 = vector.broadcast %parallel_loop3A_1225 : i32 to vector<16xi32>
        %parallel_loop3A_1227 = arith.shrsi %parallel_loop3A_1117, %parallel_loop3A_1226 : vector<16xi32>
        %parallel_loop3A_1228 = vector.broadcast %scan3A : i32 to vector<16xi32>
        %parallel_loop3A_1229 = arith.andi %parallel_loop3A_1227, %parallel_loop3A_1228 : vector<16xi32>
        %parallel_loop3A_1230 = arith.sitofp %parallel_loop3A_1229 : vector<16xi32> to vector<16xf32>
        %parallel_loop3A_1231 = arith.constant 3 : i32
        %parallel_loop3A_1232 = arith.index_cast %select_n3A_226 : i32 to index
        %parallel_loop3A_1233 = arith.index_cast %parallel_loop3A_364 : i32 to index
        %parallel_loop3A_1234 = arith.index_cast %parallel_loop3A_1231 : i32 to index
        %parallel_loop3A_1235 = arith.constant 80 : index
        %parallel_loop3A_1236 = tpu.vector_load %arg7[%parallel_loop3A_1232, %parallel_loop3A_1233, %parallel_loop3A_1234, %parallel_loop3A_1235] {strides = array<i32>} : memref<2x16x4x128xf32, #tpu.memory_space<vmem>>, vector<1x1x1x16xf32>,
        %parallel_loop3A_1237 = vector.shape_cast %parallel_loop3A_1236 : vector<1x1x1x16xf32> to vector<16xf32>
        %parallel_loop3A_1238 = arith.constant 3 : i32
        %parallel_loop3A_1239 = arith.index_cast %select_n3A_226 : i32 to index
        %parallel_loop3A_1240 = arith.index_cast %parallel_loop3A_364 : i32 to index
        %parallel_loop3A_1241 = arith.index_cast %parallel_loop3A_1238 : i32 to index
        %parallel_loop3A_1242 = arith.constant 80 : index
        %parallel_loop3A_1243 = tpu.vector_load %arg8[%parallel_loop3A_1239, %parallel_loop3A_1240, %parallel_loop3A_1241, %parallel_loop3A_1242] {strides = array<i32>} : memref<2x16x4x128xf32, #tpu.memory_space<vmem>>, vector<1x1x1x16xf32>,
        %parallel_loop3A_1244 = vector.shape_cast %parallel_loop3A_1243 : vector<1x1x1x16xf32> to vector<16xf32>
        %parallel_loop3A_1245 = arith.subf %parallel_loop3A_1237, %parallel_loop3A_1244 : vector<16xf32>
        %parallel_loop3A_1246 = arith.mulf %parallel_loop3A_1245, %parallel_loop3A_1245 : vector<16xf32>
        %parallel_loop3A_1247 = arith.mulf %parallel_loop3A_1246, %parallel_loop3A_1224 : vector<16xf32>
        %parallel_loop3A_1248 = arith.addf %parallel_loop3A_1216, %parallel_loop3A_1247 : vector<16xf32>
        %parallel_loop3A_1249 = arith.mulf %parallel_loop3A_1246, %parallel_loop3A_1230 : vector<16xf32>
        %parallel_loop3A_1250 = arith.addf %parallel_loop3A_1218, %parallel_loop3A_1249 : vector<16xf32>
        %parallel_loop3A_1251 = arith.constant 0 : i32
        %parallel_loop3A_1252 = arith.index_cast %select_n3A_226 : i32 to index
        %parallel_loop3A_1253 = arith.index_cast %parallel_loop3A_364 : i32 to index
        %parallel_loop3A_1254 = arith.index_cast %parallel_loop3A_1251 : i32 to index
        %parallel_loop3A_1255 = arith.constant 96 : index
        %parallel_loop3A_1256 = tpu.vector_load %arg9[%parallel_loop3A_1252, %parallel_loop3A_1253, %parallel_loop3A_1254, %parallel_loop3A_1255] {strides = array<i32>} : memref<2x16x1x128xi32, #tpu.memory_space<vmem>>, vector<1x1x1x16xi32>,
        %parallel_loop3A_1257 = vector.shape_cast %parallel_loop3A_1256 : vector<1x1x1x16xi32> to vector<16xi32>
        %parallel_loop3A_1258 = arith.constant 0 : i32
        %parallel_loop3A_1259 = arith.index_cast %select_n3A_226 : i32 to index
        %parallel_loop3A_1260 = arith.index_cast %parallel_loop3A_364 : i32 to index
        %parallel_loop3A_1261 = arith.index_cast %parallel_loop3A_1258 : i32 to index
        %parallel_loop3A_1262 = arith.constant 96 : index
        %parallel_loop3A_1263 = tpu.vector_load %arg10[%parallel_loop3A_1259, %parallel_loop3A_1260, %parallel_loop3A_1261, %parallel_loop3A_1262] {strides = array<i32>} : memref<2x16x1x128xi32, #tpu.memory_space<vmem>>, vector<1x1x1x16xi32>,
        %parallel_loop3A_1264 = vector.shape_cast %parallel_loop3A_1263 : vector<1x1x1x16xi32> to vector<16xi32>
        %parallel_loop3A_1265 = arith.constant dense<-1> : vector<16xi32>
        %parallel_loop3A_1266 = arith.xori %parallel_loop3A_1264, %parallel_loop3A_1265 : vector<16xi32>
        %parallel_loop3A_1267 = arith.andi %parallel_loop3A_1257, %parallel_loop3A_1266 : vector<16xi32>
        %parallel_loop3A_1268 = arith.addi %parallel_loop3A_1121, %parallel_loop3A_1267 : vector<16xi32>
        %parallel_loop3A_1269 = arith.addi %parallel_loop3A_1122, %parallel_loop3A_1264 : vector<16xi32>
        %parallel_loop3A_1270 = arith.constant 0 : i32
        %parallel_loop3A_1271 = vector.broadcast %parallel_loop3A_1270 : i32 to vector<16xi32>
        %parallel_loop3A_1272 = arith.shrsi %parallel_loop3A_1267, %parallel_loop3A_1271 : vector<16xi32>
        %parallel_loop3A_1273 = vector.broadcast %scan3A : i32 to vector<16xi32>
        %parallel_loop3A_1274 = arith.andi %parallel_loop3A_1272, %parallel_loop3A_1273 : vector<16xi32>
        %parallel_loop3A_1275 = arith.sitofp %parallel_loop3A_1274 : vector<16xi32> to vector<16xf32>
        %parallel_loop3A_1276 = arith.constant 0 : i32
        %parallel_loop3A_1277 = vector.broadcast %parallel_loop3A_1276 : i32 to vector<16xi32>
        %parallel_loop3A_1278 = arith.shrsi %parallel_loop3A_1264, %parallel_loop3A_1277 : vector<16xi32>
        %parallel_loop3A_1279 = vector.broadcast %scan3A : i32 to vector<16xi32>
        %parallel_loop3A_1280 = arith.andi %parallel_loop3A_1278, %parallel_loop3A_1279 : vector<16xi32>
        %parallel_loop3A_1281 = arith.sitofp %parallel_loop3A_1280 : vector<16xi32> to vector<16xf32>
        %parallel_loop3A_1282 = arith.constant 0 : i32
        %parallel_loop3A_1283 = arith.index_cast %select_n3A_226 : i32 to index
        %parallel_loop3A_1284 = arith.index_cast %parallel_loop3A_364 : i32 to index
        %parallel_loop3A_1285 = arith.index_cast %parallel_loop3A_1282 : i32 to index
        %parallel_loop3A_1286 = arith.constant 96 : index
        %parallel_loop3A_1287 = tpu.vector_load %arg7[%parallel_loop3A_1283, %parallel_loop3A_1284, %parallel_loop3A_1285, %parallel_loop3A_1286] {strides = array<i32>} : memref<2x16x4x128xf32, #tpu.memory_space<vmem>>, vector<1x1x1x16xf32>,
        %parallel_loop3A_1288 = vector.shape_cast %parallel_loop3A_1287 : vector<1x1x1x16xf32> to vector<16xf32>
        %parallel_loop3A_1289 = arith.constant 0 : i32
        %parallel_loop3A_1290 = arith.index_cast %select_n3A_226 : i32 to index
        %parallel_loop3A_1291 = arith.index_cast %parallel_loop3A_364 : i32 to index
        %parallel_loop3A_1292 = arith.index_cast %parallel_loop3A_1289 : i32 to index
        %parallel_loop3A_1293 = arith.constant 96 : index
        %parallel_loop3A_1294 = tpu.vector_load %arg8[%parallel_loop3A_1290, %parallel_loop3A_1291, %parallel_loop3A_1292, %parallel_loop3A_1293] {strides = array<i32>} : memref<2x16x4x128xf32, #tpu.memory_space<vmem>>, vector<1x1x1x16xf32>,
        %parallel_loop3A_1295 = vector.shape_cast %parallel_loop3A_1294 : vector<1x1x1x16xf32> to vector<16xf32>
        %parallel_loop3A_1296 = arith.subf %parallel_loop3A_1288, %parallel_loop3A_1295 : vector<16xf32>
        %parallel_loop3A_1297 = arith.mulf %parallel_loop3A_1296, %parallel_loop3A_1296 : vector<16xf32>
        %parallel_loop3A_1298 = arith.mulf %parallel_loop3A_1297, %parallel_loop3A_1275 : vector<16xf32>
        %parallel_loop3A_1299 = arith.addf %parallel_loop3A_1248, %parallel_loop3A_1298 : vector<16xf32>
        %parallel_loop3A_1300 = arith.mulf %parallel_loop3A_1297, %parallel_loop3A_1281 : vector<16xf32>
        %parallel_loop3A_1301 = arith.addf %parallel_loop3A_1250, %parallel_loop3A_1300 : vector<16xf32>
        %parallel_loop3A_1302 = arith.constant 8 : i32
        %parallel_loop3A_1303 = vector.broadcast %parallel_loop3A_1302 : i32 to vector<16xi32>
        %parallel_loop3A_1304 = arith.shrsi %parallel_loop3A_1267, %parallel_loop3A_1303 : vector<16xi32>
        %parallel_loop3A_1305 = vector.broadcast %scan3A : i32 to vector<16xi32>
        %parallel_loop3A_1306 = arith.andi %parallel_loop3A_1304, %parallel_loop3A_1305 : vector<16xi32>
        %parallel_loop3A_1307 = arith.sitofp %parallel_loop3A_1306 : vector<16xi32> to vector<16xf32>
        %parallel_loop3A_1308 = arith.constant 8 : i32
        %parallel_loop3A_1309 = vector.broadcast %parallel_loop3A_1308 : i32 to vector<16xi32>
        %parallel_loop3A_1310 = arith.shrsi %parallel_loop3A_1264, %parallel_loop3A_1309 : vector<16xi32>
        %parallel_loop3A_1311 = vector.broadcast %scan3A : i32 to vector<16xi32>
        %parallel_loop3A_1312 = arith.andi %parallel_loop3A_1310, %parallel_loop3A_1311 : vector<16xi32>
        %parallel_loop3A_1313 = arith.sitofp %parallel_loop3A_1312 : vector<16xi32> to vector<16xf32>
        %parallel_loop3A_1314 = arith.constant 1 : i32
        %parallel_loop3A_1315 = arith.index_cast %select_n3A_226 : i32 to index
        %parallel_loop3A_1316 = arith.index_cast %parallel_loop3A_364 : i32 to index
        %parallel_loop3A_1317 = arith.index_cast %parallel_loop3A_1314 : i32 to index
        %parallel_loop3A_1318 = arith.constant 96 : index
        %parallel_loop3A_1319 = tpu.vector_load %arg7[%parallel_loop3A_1315, %parallel_loop3A_1316, %parallel_loop3A_1317, %parallel_loop3A_1318] {strides = array<i32>} : memref<2x16x4x128xf32, #tpu.memory_space<vmem>>, vector<1x1x1x16xf32>,
        %parallel_loop3A_1320 = vector.shape_cast %parallel_loop3A_1319 : vector<1x1x1x16xf32> to vector<16xf32>
        %parallel_loop3A_1321 = arith.constant 1 : i32
        %parallel_loop3A_1322 = arith.index_cast %select_n3A_226 : i32 to index
        %parallel_loop3A_1323 = arith.index_cast %parallel_loop3A_364 : i32 to index
        %parallel_loop3A_1324 = arith.index_cast %parallel_loop3A_1321 : i32 to index
        %parallel_loop3A_1325 = arith.constant 96 : index
        %parallel_loop3A_1326 = tpu.vector_load %arg8[%parallel_loop3A_1322, %parallel_loop3A_1323, %parallel_loop3A_1324, %parallel_loop3A_1325] {strides = array<i32>} : memref<2x16x4x128xf32, #tpu.memory_space<vmem>>, vector<1x1x1x16xf32>,
        %parallel_loop3A_1327 = vector.shape_cast %parallel_loop3A_1326 : vector<1x1x1x16xf32> to vector<16xf32>
        %parallel_loop3A_1328 = arith.subf %parallel_loop3A_1320, %parallel_loop3A_1327 : vector<16xf32>
        %parallel_loop3A_1329 = arith.mulf %parallel_loop3A_1328, %parallel_loop3A_1328 : vector<16xf32>
        %parallel_loop3A_1330 = arith.mulf %parallel_loop3A_1329, %parallel_loop3A_1307 : vector<16xf32>
        %parallel_loop3A_1331 = arith.addf %parallel_loop3A_1299, %parallel_loop3A_1330 : vector<16xf32>
        %parallel_loop3A_1332 = arith.mulf %parallel_loop3A_1329, %parallel_loop3A_1313 : vector<16xf32>
        %parallel_loop3A_1333 = arith.addf %parallel_loop3A_1301, %parallel_loop3A_1332 : vector<16xf32>
        %parallel_loop3A_1334 = arith.constant 16 : i32
        %parallel_loop3A_1335 = vector.broadcast %parallel_loop3A_1334 : i32 to vector<16xi32>
        %parallel_loop3A_1336 = arith.shrsi %parallel_loop3A_1267, %parallel_loop3A_1335 : vector<16xi32>
        %parallel_loop3A_1337 = vector.broadcast %scan3A : i32 to vector<16xi32>
        %parallel_loop3A_1338 = arith.andi %parallel_loop3A_1336, %parallel_loop3A_1337 : vector<16xi32>
        %parallel_loop3A_1339 = arith.sitofp %parallel_loop3A_1338 : vector<16xi32> to vector<16xf32>
        %parallel_loop3A_1340 = arith.constant 16 : i32
        %parallel_loop3A_1341 = vector.broadcast %parallel_loop3A_1340 : i32 to vector<16xi32>
        %parallel_loop3A_1342 = arith.shrsi %parallel_loop3A_1264, %parallel_loop3A_1341 : vector<16xi32>
        %parallel_loop3A_1343 = vector.broadcast %scan3A : i32 to vector<16xi32>
        %parallel_loop3A_1344 = arith.andi %parallel_loop3A_1342, %parallel_loop3A_1343 : vector<16xi32>
        %parallel_loop3A_1345 = arith.sitofp %parallel_loop3A_1344 : vector<16xi32> to vector<16xf32>
        %parallel_loop3A_1346 = arith.constant 2 : i32
        %parallel_loop3A_1347 = arith.index_cast %select_n3A_226 : i32 to index
        %parallel_loop3A_1348 = arith.index_cast %parallel_loop3A_364 : i32 to index
        %parallel_loop3A_1349 = arith.index_cast %parallel_loop3A_1346 : i32 to index
        %parallel_loop3A_1350 = arith.constant 96 : index
        %parallel_loop3A_1351 = tpu.vector_load %arg7[%parallel_loop3A_1347, %parallel_loop3A_1348, %parallel_loop3A_1349, %parallel_loop3A_1350] {strides = array<i32>} : memref<2x16x4x128xf32, #tpu.memory_space<vmem>>, vector<1x1x1x16xf32>,
        %parallel_loop3A_1352 = vector.shape_cast %parallel_loop3A_1351 : vector<1x1x1x16xf32> to vector<16xf32>
        %parallel_loop3A_1353 = arith.constant 2 : i32
        %parallel_loop3A_1354 = arith.index_cast %select_n3A_226 : i32 to index
        %parallel_loop3A_1355 = arith.index_cast %parallel_loop3A_364 : i32 to index
        %parallel_loop3A_1356 = arith.index_cast %parallel_loop3A_1353 : i32 to index
        %parallel_loop3A_1357 = arith.constant 96 : index
        %parallel_loop3A_1358 = tpu.vector_load %arg8[%parallel_loop3A_1354, %parallel_loop3A_1355, %parallel_loop3A_1356, %parallel_loop3A_1357] {strides = array<i32>} : memref<2x16x4x128xf32, #tpu.memory_space<vmem>>, vector<1x1x1x16xf32>,
        %parallel_loop3A_1359 = vector.shape_cast %parallel_loop3A_1358 : vector<1x1x1x16xf32> to vector<16xf32>
        %parallel_loop3A_1360 = arith.subf %parallel_loop3A_1352, %parallel_loop3A_1359 : vector<16xf32>
        %parallel_loop3A_1361 = arith.mulf %parallel_loop3A_1360, %parallel_loop3A_1360 : vector<16xf32>
        %parallel_loop3A_1362 = arith.mulf %parallel_loop3A_1361, %parallel_loop3A_1339 : vector<16xf32>
        %parallel_loop3A_1363 = arith.addf %parallel_loop3A_1331, %parallel_loop3A_1362 : vector<16xf32>
        %parallel_loop3A_1364 = arith.mulf %parallel_loop3A_1361, %parallel_loop3A_1345 : vector<16xf32>
        %parallel_loop3A_1365 = arith.addf %parallel_loop3A_1333, %parallel_loop3A_1364 : vector<16xf32>
        %parallel_loop3A_1366 = arith.constant 24 : i32
        %parallel_loop3A_1367 = vector.broadcast %parallel_loop3A_1366 : i32 to vector<16xi32>
        %parallel_loop3A_1368 = arith.shrsi %parallel_loop3A_1267, %parallel_loop3A_1367 : vector<16xi32>
        %parallel_loop3A_1369 = vector.broadcast %scan3A : i32 to vector<16xi32>
        %parallel_loop3A_1370 = arith.andi %parallel_loop3A_1368, %parallel_loop3A_1369 : vector<16xi32>
        %parallel_loop3A_1371 = arith.sitofp %parallel_loop3A_1370 : vector<16xi32> to vector<16xf32>
        %parallel_loop3A_1372 = arith.constant 24 : i32
        %parallel_loop3A_1373 = vector.broadcast %parallel_loop3A_1372 : i32 to vector<16xi32>
        %parallel_loop3A_1374 = arith.shrsi %parallel_loop3A_1264, %parallel_loop3A_1373 : vector<16xi32>
        %parallel_loop3A_1375 = vector.broadcast %scan3A : i32 to vector<16xi32>
        %parallel_loop3A_1376 = arith.andi %parallel_loop3A_1374, %parallel_loop3A_1375 : vector<16xi32>
        %parallel_loop3A_1377 = arith.sitofp %parallel_loop3A_1376 : vector<16xi32> to vector<16xf32>
        %parallel_loop3A_1378 = arith.constant 3 : i32
        %parallel_loop3A_1379 = arith.index_cast %select_n3A_226 : i32 to index
        %parallel_loop3A_1380 = arith.index_cast %parallel_loop3A_364 : i32 to index
        %parallel_loop3A_1381 = arith.index_cast %parallel_loop3A_1378 : i32 to index
        %parallel_loop3A_1382 = arith.constant 96 : index
        %parallel_loop3A_1383 = tpu.vector_load %arg7[%parallel_loop3A_1379, %parallel_loop3A_1380, %parallel_loop3A_1381, %parallel_loop3A_1382] {strides = array<i32>} : memref<2x16x4x128xf32, #tpu.memory_space<vmem>>, vector<1x1x1x16xf32>,
        %parallel_loop3A_1384 = vector.shape_cast %parallel_loop3A_1383 : vector<1x1x1x16xf32> to vector<16xf32>
        %parallel_loop3A_1385 = arith.constant 3 : i32
        %parallel_loop3A_1386 = arith.index_cast %select_n3A_226 : i32 to index
        %parallel_loop3A_1387 = arith.index_cast %parallel_loop3A_364 : i32 to index
        %parallel_loop3A_1388 = arith.index_cast %parallel_loop3A_1385 : i32 to index
        %parallel_loop3A_1389 = arith.constant 96 : index
        %parallel_loop3A_1390 = tpu.vector_load %arg8[%parallel_loop3A_1386, %parallel_loop3A_1387, %parallel_loop3A_1388, %parallel_loop3A_1389] {strides = array<i32>} : memref<2x16x4x128xf32, #tpu.memory_space<vmem>>, vector<1x1x1x16xf32>,
        %parallel_loop3A_1391 = vector.shape_cast %parallel_loop3A_1390 : vector<1x1x1x16xf32> to vector<16xf32>
        %parallel_loop3A_1392 = arith.subf %parallel_loop3A_1384, %parallel_loop3A_1391 : vector<16xf32>
        %parallel_loop3A_1393 = arith.mulf %parallel_loop3A_1392, %parallel_loop3A_1392 : vector<16xf32>
        %parallel_loop3A_1394 = arith.mulf %parallel_loop3A_1393, %parallel_loop3A_1371 : vector<16xf32>
        %parallel_loop3A_1395 = arith.addf %parallel_loop3A_1363, %parallel_loop3A_1394 : vector<16xf32>
        %parallel_loop3A_1396 = arith.mulf %parallel_loop3A_1393, %parallel_loop3A_1377 : vector<16xf32>
        %parallel_loop3A_1397 = arith.addf %parallel_loop3A_1365, %parallel_loop3A_1396 : vector<16xf32>
        %parallel_loop3A_1398 = arith.constant 0 : i32
        %parallel_loop3A_1399 = arith.index_cast %select_n3A_226 : i32 to index
        %parallel_loop3A_1400 = arith.index_cast %parallel_loop3A_364 : i32 to index
        %parallel_loop3A_1401 = arith.index_cast %parallel_loop3A_1398 : i32 to index
        %parallel_loop3A_1402 = arith.constant 112 : index
        %parallel_loop3A_1403 = tpu.vector_load %arg9[%parallel_loop3A_1399, %parallel_loop3A_1400, %parallel_loop3A_1401, %parallel_loop3A_1402] {strides = array<i32>} : memref<2x16x1x128xi32, #tpu.memory_space<vmem>>, vector<1x1x1x16xi32>,
        %parallel_loop3A_1404 = vector.shape_cast %parallel_loop3A_1403 : vector<1x1x1x16xi32> to vector<16xi32>
        %parallel_loop3A_1405 = arith.constant 0 : i32
        %parallel_loop3A_1406 = arith.index_cast %select_n3A_226 : i32 to index
        %parallel_loop3A_1407 = arith.index_cast %parallel_loop3A_364 : i32 to index
        %parallel_loop3A_1408 = arith.index_cast %parallel_loop3A_1405 : i32 to index
        %parallel_loop3A_1409 = arith.constant 112 : index
        %parallel_loop3A_1410 = tpu.vector_load %arg10[%parallel_loop3A_1406, %parallel_loop3A_1407, %parallel_loop3A_1408, %parallel_loop3A_1409] {strides = array<i32>} : memref<2x16x1x128xi32, #tpu.memory_space<vmem>>, vector<1x1x1x16xi32>,
        %parallel_loop3A_1411 = vector.shape_cast %parallel_loop3A_1410 : vector<1x1x1x16xi32> to vector<16xi32>
        %parallel_loop3A_1412 = arith.constant dense<-1> : vector<16xi32>
        %parallel_loop3A_1413 = arith.xori %parallel_loop3A_1411, %parallel_loop3A_1412 : vector<16xi32>
        %parallel_loop3A_1414 = arith.andi %parallel_loop3A_1404, %parallel_loop3A_1413 : vector<16xi32>
        %parallel_loop3A_1415 = arith.addi %parallel_loop3A_1268, %parallel_loop3A_1414 : vector<16xi32>
        %parallel_loop3A_1416 = arith.addi %parallel_loop3A_1269, %parallel_loop3A_1411 : vector<16xi32>
        %parallel_loop3A_1417 = arith.constant 0 : i32
        %parallel_loop3A_1418 = vector.broadcast %parallel_loop3A_1417 : i32 to vector<16xi32>
        %parallel_loop3A_1419 = arith.shrsi %parallel_loop3A_1414, %parallel_loop3A_1418 : vector<16xi32>
        %parallel_loop3A_1420 = vector.broadcast %scan3A : i32 to vector<16xi32>
        %parallel_loop3A_1421 = arith.andi %parallel_loop3A_1419, %parallel_loop3A_1420 : vector<16xi32>
        %parallel_loop3A_1422 = arith.sitofp %parallel_loop3A_1421 : vector<16xi32> to vector<16xf32>
        %parallel_loop3A_1423 = arith.constant 0 : i32
        %parallel_loop3A_1424 = vector.broadcast %parallel_loop3A_1423 : i32 to vector<16xi32>
        %parallel_loop3A_1425 = arith.shrsi %parallel_loop3A_1411, %parallel_loop3A_1424 : vector<16xi32>
        %parallel_loop3A_1426 = vector.broadcast %scan3A : i32 to vector<16xi32>
        %parallel_loop3A_1427 = arith.andi %parallel_loop3A_1425, %parallel_loop3A_1426 : vector<16xi32>
        %parallel_loop3A_1428 = arith.sitofp %parallel_loop3A_1427 : vector<16xi32> to vector<16xf32>
        %parallel_loop3A_1429 = arith.constant 0 : i32
        %parallel_loop3A_1430 = arith.index_cast %select_n3A_226 : i32 to index
        %parallel_loop3A_1431 = arith.index_cast %parallel_loop3A_364 : i32 to index
        %parallel_loop3A_1432 = arith.index_cast %parallel_loop3A_1429 : i32 to index
        %parallel_loop3A_1433 = arith.constant 112 : index
        %parallel_loop3A_1434 = tpu.vector_load %arg7[%parallel_loop3A_1430, %parallel_loop3A_1431, %parallel_loop3A_1432, %parallel_loop3A_1433] {strides = array<i32>} : memref<2x16x4x128xf32, #tpu.memory_space<vmem>>, vector<1x1x1x16xf32>,
        %parallel_loop3A_1435 = vector.shape_cast %parallel_loop3A_1434 : vector<1x1x1x16xf32> to vector<16xf32>
        %parallel_loop3A_1436 = arith.constant 0 : i32
        %parallel_loop3A_1437 = arith.index_cast %select_n3A_226 : i32 to index
        %parallel_loop3A_1438 = arith.index_cast %parallel_loop3A_364 : i32 to index
        %parallel_loop3A_1439 = arith.index_cast %parallel_loop3A_1436 : i32 to index
        %parallel_loop3A_1440 = arith.constant 112 : index
        %parallel_loop3A_1441 = tpu.vector_load %arg8[%parallel_loop3A_1437, %parallel_loop3A_1438, %parallel_loop3A_1439, %parallel_loop3A_1440] {strides = array<i32>} : memref<2x16x4x128xf32, #tpu.memory_space<vmem>>, vector<1x1x1x16xf32>,
        %parallel_loop3A_1442 = vector.shape_cast %parallel_loop3A_1441 : vector<1x1x1x16xf32> to vector<16xf32>
        %parallel_loop3A_1443 = arith.subf %parallel_loop3A_1435, %parallel_loop3A_1442 : vector<16xf32>
        %parallel_loop3A_1444 = arith.mulf %parallel_loop3A_1443, %parallel_loop3A_1443 : vector<16xf32>
        %parallel_loop3A_1445 = arith.mulf %parallel_loop3A_1444, %parallel_loop3A_1422 : vector<16xf32>
        %parallel_loop3A_1446 = arith.addf %parallel_loop3A_1395, %parallel_loop3A_1445 : vector<16xf32>
        %parallel_loop3A_1447 = arith.mulf %parallel_loop3A_1444, %parallel_loop3A_1428 : vector<16xf32>
        %parallel_loop3A_1448 = arith.addf %parallel_loop3A_1397, %parallel_loop3A_1447 : vector<16xf32>
        %parallel_loop3A_1449 = arith.constant 8 : i32
        %parallel_loop3A_1450 = vector.broadcast %parallel_loop3A_1449 : i32 to vector<16xi32>
        %parallel_loop3A_1451 = arith.shrsi %parallel_loop3A_1414, %parallel_loop3A_1450 : vector<16xi32>
        %parallel_loop3A_1452 = vector.broadcast %scan3A : i32 to vector<16xi32>
        %parallel_loop3A_1453 = arith.andi %parallel_loop3A_1451, %parallel_loop3A_1452 : vector<16xi32>
        %parallel_loop3A_1454 = arith.sitofp %parallel_loop3A_1453 : vector<16xi32> to vector<16xf32>
        %parallel_loop3A_1455 = arith.constant 8 : i32
        %parallel_loop3A_1456 = vector.broadcast %parallel_loop3A_1455 : i32 to vector<16xi32>
        %parallel_loop3A_1457 = arith.shrsi %parallel_loop3A_1411, %parallel_loop3A_1456 : vector<16xi32>
        %parallel_loop3A_1458 = vector.broadcast %scan3A : i32 to vector<16xi32>
        %parallel_loop3A_1459 = arith.andi %parallel_loop3A_1457, %parallel_loop3A_1458 : vector<16xi32>
        %parallel_loop3A_1460 = arith.sitofp %parallel_loop3A_1459 : vector<16xi32> to vector<16xf32>
        %parallel_loop3A_1461 = arith.constant 1 : i32
        %parallel_loop3A_1462 = arith.index_cast %select_n3A_226 : i32 to index
        %parallel_loop3A_1463 = arith.index_cast %parallel_loop3A_364 : i32 to index
        %parallel_loop3A_1464 = arith.index_cast %parallel_loop3A_1461 : i32 to index
        %parallel_loop3A_1465 = arith.constant 112 : index
        %parallel_loop3A_1466 = tpu.vector_load %arg7[%parallel_loop3A_1462, %parallel_loop3A_1463, %parallel_loop3A_1464, %parallel_loop3A_1465] {strides = array<i32>} : memref<2x16x4x128xf32, #tpu.memory_space<vmem>>, vector<1x1x1x16xf32>,
        %parallel_loop3A_1467 = vector.shape_cast %parallel_loop3A_1466 : vector<1x1x1x16xf32> to vector<16xf32>
        %parallel_loop3A_1468 = arith.constant 1 : i32
        %parallel_loop3A_1469 = arith.index_cast %select_n3A_226 : i32 to index
        %parallel_loop3A_1470 = arith.index_cast %parallel_loop3A_364 : i32 to index
        %parallel_loop3A_1471 = arith.index_cast %parallel_loop3A_1468 : i32 to index
        %parallel_loop3A_1472 = arith.constant 112 : index
        %parallel_loop3A_1473 = tpu.vector_load %arg8[%parallel_loop3A_1469, %parallel_loop3A_1470, %parallel_loop3A_1471, %parallel_loop3A_1472] {strides = array<i32>} : memref<2x16x4x128xf32, #tpu.memory_space<vmem>>, vector<1x1x1x16xf32>,
        %parallel_loop3A_1474 = vector.shape_cast %parallel_loop3A_1473 : vector<1x1x1x16xf32> to vector<16xf32>
        %parallel_loop3A_1475 = arith.subf %parallel_loop3A_1467, %parallel_loop3A_1474 : vector<16xf32>
        %parallel_loop3A_1476 = arith.mulf %parallel_loop3A_1475, %parallel_loop3A_1475 : vector<16xf32>
        %parallel_loop3A_1477 = arith.mulf %parallel_loop3A_1476, %parallel_loop3A_1454 : vector<16xf32>
        %parallel_loop3A_1478 = arith.addf %parallel_loop3A_1446, %parallel_loop3A_1477 : vector<16xf32>
        %parallel_loop3A_1479 = arith.mulf %parallel_loop3A_1476, %parallel_loop3A_1460 : vector<16xf32>
        %parallel_loop3A_1480 = arith.addf %parallel_loop3A_1448, %parallel_loop3A_1479 : vector<16xf32>
        %parallel_loop3A_1481 = arith.constant 16 : i32
        %parallel_loop3A_1482 = vector.broadcast %parallel_loop3A_1481 : i32 to vector<16xi32>
        %parallel_loop3A_1483 = arith.shrsi %parallel_loop3A_1414, %parallel_loop3A_1482 : vector<16xi32>
        %parallel_loop3A_1484 = vector.broadcast %scan3A : i32 to vector<16xi32>
        %parallel_loop3A_1485 = arith.andi %parallel_loop3A_1483, %parallel_loop3A_1484 : vector<16xi32>
        %parallel_loop3A_1486 = arith.sitofp %parallel_loop3A_1485 : vector<16xi32> to vector<16xf32>
        %parallel_loop3A_1487 = arith.constant 16 : i32
        %parallel_loop3A_1488 = vector.broadcast %parallel_loop3A_1487 : i32 to vector<16xi32>
        %parallel_loop3A_1489 = arith.shrsi %parallel_loop3A_1411, %parallel_loop3A_1488 : vector<16xi32>
        %parallel_loop3A_1490 = vector.broadcast %scan3A : i32 to vector<16xi32>
        %parallel_loop3A_1491 = arith.andi %parallel_loop3A_1489, %parallel_loop3A_1490 : vector<16xi32>
        %parallel_loop3A_1492 = arith.sitofp %parallel_loop3A_1491 : vector<16xi32> to vector<16xf32>
        %parallel_loop3A_1493 = arith.constant 2 : i32
        %parallel_loop3A_1494 = arith.index_cast %select_n3A_226 : i32 to index
        %parallel_loop3A_1495 = arith.index_cast %parallel_loop3A_364 : i32 to index
        %parallel_loop3A_1496 = arith.index_cast %parallel_loop3A_1493 : i32 to index
        %parallel_loop3A_1497 = arith.constant 112 : index
        %parallel_loop3A_1498 = tpu.vector_load %arg7[%parallel_loop3A_1494, %parallel_loop3A_1495, %parallel_loop3A_1496, %parallel_loop3A_1497] {strides = array<i32>} : memref<2x16x4x128xf32, #tpu.memory_space<vmem>>, vector<1x1x1x16xf32>,
        %parallel_loop3A_1499 = vector.shape_cast %parallel_loop3A_1498 : vector<1x1x1x16xf32> to vector<16xf32>
        %parallel_loop3A_1500 = arith.constant 2 : i32
        %parallel_loop3A_1501 = arith.index_cast %select_n3A_226 : i32 to index
        %parallel_loop3A_1502 = arith.index_cast %parallel_loop3A_364 : i32 to index
        %parallel_loop3A_1503 = arith.index_cast %parallel_loop3A_1500 : i32 to index
        %parallel_loop3A_1504 = arith.constant 112 : index
        %parallel_loop3A_1505 = tpu.vector_load %arg8[%parallel_loop3A_1501, %parallel_loop3A_1502, %parallel_loop3A_1503, %parallel_loop3A_1504] {strides = array<i32>} : memref<2x16x4x128xf32, #tpu.memory_space<vmem>>, vector<1x1x1x16xf32>,
        %parallel_loop3A_1506 = vector.shape_cast %parallel_loop3A_1505 : vector<1x1x1x16xf32> to vector<16xf32>
        %parallel_loop3A_1507 = arith.subf %parallel_loop3A_1499, %parallel_loop3A_1506 : vector<16xf32>
        %parallel_loop3A_1508 = arith.mulf %parallel_loop3A_1507, %parallel_loop3A_1507 : vector<16xf32>
        %parallel_loop3A_1509 = arith.mulf %parallel_loop3A_1508, %parallel_loop3A_1486 : vector<16xf32>
        %parallel_loop3A_1510 = arith.addf %parallel_loop3A_1478, %parallel_loop3A_1509 : vector<16xf32>
        %parallel_loop3A_1511 = arith.mulf %parallel_loop3A_1508, %parallel_loop3A_1492 : vector<16xf32>
        %parallel_loop3A_1512 = arith.addf %parallel_loop3A_1480, %parallel_loop3A_1511 : vector<16xf32>
        %parallel_loop3A_1513 = arith.constant 24 : i32
        %parallel_loop3A_1514 = vector.broadcast %parallel_loop3A_1513 : i32 to vector<16xi32>
        %parallel_loop3A_1515 = arith.shrsi %parallel_loop3A_1414, %parallel_loop3A_1514 : vector<16xi32>
        %parallel_loop3A_1516 = vector.broadcast %scan3A : i32 to vector<16xi32>
        %parallel_loop3A_1517 = arith.andi %parallel_loop3A_1515, %parallel_loop3A_1516 : vector<16xi32>
        %parallel_loop3A_1518 = arith.sitofp %parallel_loop3A_1517 : vector<16xi32> to vector<16xf32>
        %parallel_loop3A_1519 = arith.constant 24 : i32
        %parallel_loop3A_1520 = vector.broadcast %parallel_loop3A_1519 : i32 to vector<16xi32>
        %parallel_loop3A_1521 = arith.shrsi %parallel_loop3A_1411, %parallel_loop3A_1520 : vector<16xi32>
        %parallel_loop3A_1522 = vector.broadcast %scan3A : i32 to vector<16xi32>
        %parallel_loop3A_1523 = arith.andi %parallel_loop3A_1521, %parallel_loop3A_1522 : vector<16xi32>
        %parallel_loop3A_1524 = arith.sitofp %parallel_loop3A_1523 : vector<16xi32> to vector<16xf32>
        %parallel_loop3A_1525 = arith.constant 3 : i32
        %parallel_loop3A_1526 = arith.index_cast %select_n3A_226 : i32 to index
        %parallel_loop3A_1527 = arith.index_cast %parallel_loop3A_364 : i32 to index
        %parallel_loop3A_1528 = arith.index_cast %parallel_loop3A_1525 : i32 to index
        %parallel_loop3A_1529 = arith.constant 112 : index
        %parallel_loop3A_1530 = tpu.vector_load %arg7[%parallel_loop3A_1526, %parallel_loop3A_1527, %parallel_loop3A_1528, %parallel_loop3A_1529] {strides = array<i32>} : memref<2x16x4x128xf32, #tpu.memory_space<vmem>>, vector<1x1x1x16xf32>,
        %parallel_loop3A_1531 = vector.shape_cast %parallel_loop3A_1530 : vector<1x1x1x16xf32> to vector<16xf32>
        %parallel_loop3A_1532 = arith.constant 3 : i32
        %parallel_loop3A_1533 = arith.index_cast %select_n3A_226 : i32 to index
        %parallel_loop3A_1534 = arith.index_cast %parallel_loop3A_364 : i32 to index
        %parallel_loop3A_1535 = arith.index_cast %parallel_loop3A_1532 : i32 to index
        %parallel_loop3A_1536 = arith.constant 112 : index
        %parallel_loop3A_1537 = tpu.vector_load %arg8[%parallel_loop3A_1533, %parallel_loop3A_1534, %parallel_loop3A_1535, %parallel_loop3A_1536] {strides = array<i32>} : memref<2x16x4x128xf32, #tpu.memory_space<vmem>>, vector<1x1x1x16xf32>,
        %parallel_loop3A_1538 = vector.shape_cast %parallel_loop3A_1537 : vector<1x1x1x16xf32> to vector<16xf32>
        %parallel_loop3A_1539 = arith.subf %parallel_loop3A_1531, %parallel_loop3A_1538 : vector<16xf32>
        %parallel_loop3A_1540 = arith.mulf %parallel_loop3A_1539, %parallel_loop3A_1539 : vector<16xf32>
        %parallel_loop3A_1541 = arith.mulf %parallel_loop3A_1540, %parallel_loop3A_1518 : vector<16xf32>
        %parallel_loop3A_1542 = arith.addf %parallel_loop3A_1510, %parallel_loop3A_1541 : vector<16xf32>
        %parallel_loop3A_1543 = arith.mulf %parallel_loop3A_1540, %parallel_loop3A_1524 : vector<16xf32>
        %parallel_loop3A_1544 = arith.addf %parallel_loop3A_1512, %parallel_loop3A_1543 : vector<16xf32>
        scf.yield %parallel_loop3A_1542, %parallel_loop3A_1544, %parallel_loop3A_1415, %parallel_loop3A_1416 : vector<16xf32>, vector<16xf32>, vector<16xi32>, vector<16xi32>
      } {sc.loop_unroll_factor = 2 : i64, sc.parallel_access}
      %and3A_316 = vector.broadcast %scan3A_183 : i32 to vector<16xi32>
      %and3A_317 = arith.andi %parallel_loop3A_315#2, %and3A_316 : vector<16xi32>
      %shift_right_logical3A = arith.constant 8 : i32
      %shift_right_logical3A_318 = vector.broadcast %shift_right_logical3A : i32 to vector<16xi32>
      %shift_right_logical3A_319 = arith.shrui %parallel_loop3A_315#2, %shift_right_logical3A_318 : vector<16xi32>
      %and3A_320 = vector.broadcast %scan3A_183 : i32 to vector<16xi32>
      %and3A_321 = arith.andi %shift_right_logical3A_319, %and3A_320 : vector<16xi32>
      %add3A_322 = arith.addi %and3A_317, %and3A_321 : vector<16xi32>
      %shift_right_logical3A_323 = arith.constant 16 : i32
      %shift_right_logical3A_324 = vector.broadcast %shift_right_logical3A_323 : i32 to vector<16xi32>
      %shift_right_logical3A_325 = arith.shrui %parallel_loop3A_315#2, %shift_right_logical3A_324 : vector<16xi32>
      %and3A_326 = vector.broadcast %scan3A_183 : i32 to vector<16xi32>
      %and3A_327 = arith.andi %shift_right_logical3A_325, %and3A_326 : vector<16xi32>
      %add3A_328 = arith.addi %add3A_322, %and3A_327 : vector<16xi32>
      %shift_right_logical3A_329 = arith.constant 24 : i32
      %shift_right_logical3A_330 = vector.broadcast %shift_right_logical3A_329 : i32 to vector<16xi32>
      %shift_right_logical3A_331 = arith.shrui %parallel_loop3A_315#2, %shift_right_logical3A_330 : vector<16xi32>
      %and3A_332 = vector.broadcast %scan3A_183 : i32 to vector<16xi32>
      %and3A_333 = arith.andi %shift_right_logical3A_331, %and3A_332 : vector<16xi32>
      %add3A_334 = arith.addi %add3A_328, %and3A_333 : vector<16xi32>
      %convert_element_type3A = arith.sitofp %add3A_334 : vector<16xi32> to vector<16xf32>
      %add3A_335 = arith.addf %scan3A_216, %convert_element_type3A : vector<16xf32>
      %and3A_336 = vector.broadcast %scan3A_183 : i32 to vector<16xi32>
      %and3A_337 = arith.andi %parallel_loop3A_315#3, %and3A_336 : vector<16xi32>
      %shift_right_logical3A_338 = arith.constant 8 : i32
      %shift_right_logical3A_339 = vector.broadcast %shift_right_logical3A_338 : i32 to vector<16xi32>
      %shift_right_logical3A_340 = arith.shrui %parallel_loop3A_315#3, %shift_right_logical3A_339 : vector<16xi32>
      %and3A_341 = vector.broadcast %scan3A_183 : i32 to vector<16xi32>
      %and3A_342 = arith.andi %shift_right_logical3A_340, %and3A_341 : vector<16xi32>
      %add3A_343 = arith.addi %and3A_337, %and3A_342 : vector<16xi32>
      %shift_right_logical3A_344 = arith.constant 16 : i32
      %shift_right_logical3A_345 = vector.broadcast %shift_right_logical3A_344 : i32 to vector<16xi32>
      %shift_right_logical3A_346 = arith.shrui %parallel_loop3A_315#3, %shift_right_logical3A_345 : vector<16xi32>
      %and3A_347 = vector.broadcast %scan3A_183 : i32 to vector<16xi32>
      %and3A_348 = arith.andi %shift_right_logical3A_346, %and3A_347 : vector<16xi32>
      %add3A_349 = arith.addi %add3A_343, %and3A_348 : vector<16xi32>
      %shift_right_logical3A_350 = arith.constant 24 : i32
      %shift_right_logical3A_351 = vector.broadcast %shift_right_logical3A_350 : i32 to vector<16xi32>
      %shift_right_logical3A_352 = arith.shrui %parallel_loop3A_315#3, %shift_right_logical3A_351 : vector<16xi32>
      %and3A_353 = vector.broadcast %scan3A_183 : i32 to vector<16xi32>
      %and3A_354 = arith.andi %shift_right_logical3A_352, %and3A_353 : vector<16xi32>
      %add3A_355 = arith.addi %add3A_349, %and3A_354 : vector<16xi32>
      %convert_element_type3A_356 = arith.sitofp %add3A_355 : vector<16xi32> to vector<16xf32>
      %add3A_357 = arith.addf %scan3A_217, %convert_element_type3A_356 : vector<16xf32>
      %add3A_358 = arith.constant 2 : i32
      %add3A_359 = arith.addi %scan3A_213, %add3A_358 : i32
      %lt3A_360 = arith.constant 16 : i32
      %lt3A_361 = arith.cmpi slt, %add3A_359, %lt3A_360 : i32
      %convert_element_type3A_362 = arith.extui %lt3A_361 : i1 to i32
      %cond3A = arith.constant 0 : i32
      %cond3A_363 = arith.cmpi ne, %convert_element_type3A_362, %cond3A : i32
      scf.if %cond3A_363 {
        %add3A_364 = arith.constant 2 : i32
        %add3A_365 = arith.addi %scan3A_213, %add3A_364 : i32
        %add3A_366 = arith.addi %mul3A_2, %add3A_365 : i32
        %dma_start3A_367 = arith.constant 0 : i32
        %dma_start3A_368 = arith.constant 0 : i32
        %dma_start3A_369 = arith.constant 0 : i32
        %dma_start3A_370 = tpu.memref_slice %arg7[%select_n3A_226, %dma_start3A_367, %dma_start3A_368, %dma_start3A_369] : memref<2x16x4x128xf32, #tpu.memory_space<vmem>> -> memref<1x16x4x128xf32, #tpu.memory_space<vmem>>
        %dma_start3A_371 = tpu.memref_squeeze %dma_start3A_370 : memref<1x16x4x128xf32, #tpu.memory_space<vmem>> -> memref<16x4x128xf32, #tpu.memory_space<vmem>>
        %dma_start3A_372 = arith.constant 0 : i32
        %dma_start3A_373 = arith.constant 0 : i32
        %dma_start3A_374 = arith.constant 0 : i32
        %dma_start3A_375 = tpu.memref_slice %arg2[%add3A_366, %dma_start3A_372, %dma_start3A_373, %dma_start3A_374] : memref<512x16x4x128xf32, #tpu.memory_space<hbm>> -> memref<1x16x4x128xf32, #tpu.memory_space<hbm>>
        %dma_start3A_376 = tpu.memref_squeeze %dma_start3A_375 : memref<1x16x4x128xf32, #tpu.memory_space<hbm>> -> memref<16x4x128xf32, #tpu.memory_space<hbm>>
        %dma_start3A_377 = arith.constant 0 : i32
        %dma_start3A_378 = arith.constant 0 : i32
        %dma_start3A_379 = arith.constant 0 : i32
        %dma_start3A_380 = tpu.memref_slice %arg7[%select_n3A_226, %dma_start3A_377, %dma_start3A_378, %dma_start3A_379] : memref<2x16x4x128xf32, #tpu.memory_space<vmem>> -> memref<1x16x4x128xf32, #tpu.memory_space<vmem>>
        %dma_start3A_381 = tpu.memref_squeeze %dma_start3A_380 : memref<1x16x4x128xf32, #tpu.memory_space<vmem>> -> memref<16x4x128xf32, #tpu.memory_space<vmem>>
        %dma_start3A_382 = arith.constant 0 : i32
        %dma_start3A_383 = arith.constant 0 : i32
        %dma_start3A_384 = arith.constant 0 : i32
        %dma_start3A_385 = tpu.memref_slice %arg2[%add3A_366, %dma_start3A_382, %dma_start3A_383, %dma_start3A_384] : memref<512x16x4x128xf32, #tpu.memory_space<hbm>> -> memref<1x16x4x128xf32, #tpu.memory_space<hbm>>
        %dma_start3A_386 = tpu.memref_squeeze %dma_start3A_385 : memref<1x16x4x128xf32, #tpu.memory_space<hbm>> -> memref<16x4x128xf32, #tpu.memory_space<hbm>>
        tpu.enqueue_dma source(%dma_start3A_386 : memref<16x4x128xf32, #tpu.memory_space<hbm>>) target(%dma_start3A_381 : memref<16x4x128xf32, #tpu.memory_space<vmem>>) target_semaphore(%arg12 : memref<!tpu.dma_semaphore, #tpu.memory_space<semaphore_mem>>)
        %dma_start3A_387 = arith.constant 0 : i32
        %dma_start3A_388 = arith.constant 0 : i32
        %dma_start3A_389 = arith.constant 0 : i32
        %dma_start3A_390 = tpu.memref_slice %arg8[%select_n3A_226, %dma_start3A_387, %dma_start3A_388, %dma_start3A_389] : memref<2x16x4x128xf32, #tpu.memory_space<vmem>> -> memref<1x16x4x128xf32, #tpu.memory_space<vmem>>
        %dma_start3A_391 = tpu.memref_squeeze %dma_start3A_390 : memref<1x16x4x128xf32, #tpu.memory_space<vmem>> -> memref<16x4x128xf32, #tpu.memory_space<vmem>>
        %dma_start3A_392 = arith.constant 0 : i32
        %dma_start3A_393 = arith.constant 0 : i32
        %dma_start3A_394 = arith.constant 0 : i32
        %dma_start3A_395 = tpu.memref_slice %arg3[%add3A_366, %dma_start3A_392, %dma_start3A_393, %dma_start3A_394] : memref<512x16x4x128xf32, #tpu.memory_space<hbm>> -> memref<1x16x4x128xf32, #tpu.memory_space<hbm>>
        %dma_start3A_396 = tpu.memref_squeeze %dma_start3A_395 : memref<1x16x4x128xf32, #tpu.memory_space<hbm>> -> memref<16x4x128xf32, #tpu.memory_space<hbm>>
        %dma_start3A_397 = arith.constant 0 : i32
        %dma_start3A_398 = arith.constant 0 : i32
        %dma_start3A_399 = arith.constant 0 : i32
        %dma_start3A_400 = tpu.memref_slice %arg8[%select_n3A_226, %dma_start3A_397, %dma_start3A_398, %dma_start3A_399] : memref<2x16x4x128xf32, #tpu.memory_space<vmem>> -> memref<1x16x4x128xf32, #tpu.memory_space<vmem>>
        %dma_start3A_401 = tpu.memref_squeeze %dma_start3A_400 : memref<1x16x4x128xf32, #tpu.memory_space<vmem>> -> memref<16x4x128xf32, #tpu.memory_space<vmem>>
        %dma_start3A_402 = arith.constant 0 : i32
        %dma_start3A_403 = arith.constant 0 : i32
        %dma_start3A_404 = arith.constant 0 : i32
        %dma_start3A_405 = tpu.memref_slice %arg3[%add3A_366, %dma_start3A_402, %dma_start3A_403, %dma_start3A_404] : memref<512x16x4x128xf32, #tpu.memory_space<hbm>> -> memref<1x16x4x128xf32, #tpu.memory_space<hbm>>
        %dma_start3A_406 = tpu.memref_squeeze %dma_start3A_405 : memref<1x16x4x128xf32, #tpu.memory_space<hbm>> -> memref<16x4x128xf32, #tpu.memory_space<hbm>>
        tpu.enqueue_dma source(%dma_start3A_406 : memref<16x4x128xf32, #tpu.memory_space<hbm>>) target(%dma_start3A_401 : memref<16x4x128xf32, #tpu.memory_space<vmem>>) target_semaphore(%arg13 : memref<!tpu.dma_semaphore, #tpu.memory_space<semaphore_mem>>)
        %dma_start3A_407 = arith.constant 0 : i32
        %dma_start3A_408 = arith.constant 0 : i32
        %dma_start3A_409 = arith.constant 0 : i32
        %dma_start3A_410 = tpu.memref_slice %arg9[%select_n3A_226, %dma_start3A_407, %dma_start3A_408, %dma_start3A_409] : memref<2x16x1x128xi32, #tpu.memory_space<vmem>> -> memref<1x16x1x128xi32, #tpu.memory_space<vmem>>
        %dma_start3A_411 = tpu.memref_squeeze %dma_start3A_410 : memref<1x16x1x128xi32, #tpu.memory_space<vmem>> -> memref<16x1x128xi32, #tpu.memory_space<vmem>>
        %dma_start3A_412 = tpu.memref_bitcast %arg4 : memref<512x16x4x128xi8, #tpu.memory_space<hbm>> -> memref<512x16x1x128xi32, #tpu.memory_space<hbm>>
        %dma_start3A_413 = arith.constant 0 : i32
        %dma_start3A_414 = arith.constant 0 : i32
        %dma_start3A_415 = arith.constant 0 : i32
        %dma_start3A_416 = tpu.memref_slice %dma_start3A_412[%add3A_366, %dma_start3A_413, %dma_start3A_414, %dma_start3A_415] : memref<512x16x1x128xi32, #tpu.memory_space<hbm>> -> memref<1x16x1x128xi32, #tpu.memory_space<hbm>>
        %dma_start3A_417 = tpu.memref_squeeze %dma_start3A_416 : memref<1x16x1x128xi32, #tpu.memory_space<hbm>> -> memref<16x1x128xi32, #tpu.memory_space<hbm>>
        %dma_start3A_418 = arith.constant 0 : i32
        %dma_start3A_419 = arith.constant 0 : i32
        %dma_start3A_420 = arith.constant 0 : i32
        %dma_start3A_421 = tpu.memref_slice %arg9[%select_n3A_226, %dma_start3A_418, %dma_start3A_419, %dma_start3A_420] : memref<2x16x1x128xi32, #tpu.memory_space<vmem>> -> memref<1x16x1x128xi32, #tpu.memory_space<vmem>>
        %dma_start3A_422 = tpu.memref_squeeze %dma_start3A_421 : memref<1x16x1x128xi32, #tpu.memory_space<vmem>> -> memref<16x1x128xi32, #tpu.memory_space<vmem>>
        %dma_start3A_423 = tpu.memref_bitcast %arg4 : memref<512x16x4x128xi8, #tpu.memory_space<hbm>> -> memref<512x16x1x128xi32, #tpu.memory_space<hbm>>
        %dma_start3A_424 = arith.constant 0 : i32
        %dma_start3A_425 = arith.constant 0 : i32
        %dma_start3A_426 = arith.constant 0 : i32
        %dma_start3A_427 = tpu.memref_slice %dma_start3A_423[%add3A_366, %dma_start3A_424, %dma_start3A_425, %dma_start3A_426] : memref<512x16x1x128xi32, #tpu.memory_space<hbm>> -> memref<1x16x1x128xi32, #tpu.memory_space<hbm>>
        %dma_start3A_428 = tpu.memref_squeeze %dma_start3A_427 : memref<1x16x1x128xi32, #tpu.memory_space<hbm>> -> memref<16x1x128xi32, #tpu.memory_space<hbm>>
        tpu.enqueue_dma source(%dma_start3A_428 : memref<16x1x128xi32, #tpu.memory_space<hbm>>) target(%dma_start3A_422 : memref<16x1x128xi32, #tpu.memory_space<vmem>>) target_semaphore(%arg14 : memref<!tpu.dma_semaphore, #tpu.memory_space<semaphore_mem>>)
        %dma_start3A_429 = arith.constant 0 : i32
        %dma_start3A_430 = arith.constant 0 : i32
        %dma_start3A_431 = arith.constant 0 : i32
        %dma_start3A_432 = tpu.memref_slice %arg10[%select_n3A_226, %dma_start3A_429, %dma_start3A_430, %dma_start3A_431] : memref<2x16x1x128xi32, #tpu.memory_space<vmem>> -> memref<1x16x1x128xi32, #tpu.memory_space<vmem>>
        %dma_start3A_433 = tpu.memref_squeeze %dma_start3A_432 : memref<1x16x1x128xi32, #tpu.memory_space<vmem>> -> memref<16x1x128xi32, #tpu.memory_space<vmem>>
        %dma_start3A_434 = tpu.memref_bitcast %arg5 : memref<512x16x4x128xi8, #tpu.memory_space<hbm>> -> memref<512x16x1x128xi32, #tpu.memory_space<hbm>>
        %dma_start3A_435 = arith.constant 0 : i32
        %dma_start3A_436 = arith.constant 0 : i32
        %dma_start3A_437 = arith.constant 0 : i32
        %dma_start3A_438 = tpu.memref_slice %dma_start3A_434[%add3A_366, %dma_start3A_435, %dma_start3A_436, %dma_start3A_437] : memref<512x16x1x128xi32, #tpu.memory_space<hbm>> -> memref<1x16x1x128xi32, #tpu.memory_space<hbm>>
        %dma_start3A_439 = tpu.memref_squeeze %dma_start3A_438 : memref<1x16x1x128xi32, #tpu.memory_space<hbm>> -> memref<16x1x128xi32, #tpu.memory_space<hbm>>
        %dma_start3A_440 = arith.constant 0 : i32
        %dma_start3A_441 = arith.constant 0 : i32
        %dma_start3A_442 = arith.constant 0 : i32
        %dma_start3A_443 = tpu.memref_slice %arg10[%select_n3A_226, %dma_start3A_440, %dma_start3A_441, %dma_start3A_442] : memref<2x16x1x128xi32, #tpu.memory_space<vmem>> -> memref<1x16x1x128xi32, #tpu.memory_space<vmem>>
        %dma_start3A_444 = tpu.memref_squeeze %dma_start3A_443 : memref<1x16x1x128xi32, #tpu.memory_space<vmem>> -> memref<16x1x128xi32, #tpu.memory_space<vmem>>
        %dma_start3A_445 = tpu.memref_bitcast %arg5 : memref<512x16x4x128xi8, #tpu.memory_space<hbm>> -> memref<512x16x1x128xi32, #tpu.memory_space<hbm>>
        %dma_start3A_446 = arith.constant 0 : i32
        %dma_start3A_447 = arith.constant 0 : i32
        %dma_start3A_448 = arith.constant 0 : i32
        %dma_start3A_449 = tpu.memref_slice %dma_start3A_445[%add3A_366, %dma_start3A_446, %dma_start3A_447, %dma_start3A_448] : memref<512x16x1x128xi32, #tpu.memory_space<hbm>> -> memref<1x16x1x128xi32, #tpu.memory_space<hbm>>
        %dma_start3A_450 = tpu.memref_squeeze %dma_start3A_449 : memref<1x16x1x128xi32, #tpu.memory_space<hbm>> -> memref<16x1x128xi32, #tpu.memory_space<hbm>>
        tpu.enqueue_dma source(%dma_start3A_450 : memref<16x1x128xi32, #tpu.memory_space<hbm>>) target(%dma_start3A_444 : memref<16x1x128xi32, #tpu.memory_space<vmem>>) target_semaphore(%arg15 : memref<!tpu.dma_semaphore, #tpu.memory_space<semaphore_mem>>)
      } else {
      }
      scf.yield %parallel_loop3A_315#0, %parallel_loop3A_315#1, %add3A_335, %add3A_357 : vector<16xf32>, vector<16xf32>, vector<16xf32>, vector<16xf32>
    }
    %scan3A_189 = arith.constant 16 : i32
    %swap3A = arith.constant 0 : i32
    %swap3A_190 = arith.index_cast %swap3A : i32 to index
    %swap3A_191 = arith.constant 0 : index
    %swap3A_192 = tpu.vector_load %arg11[%swap3A_190, %swap3A_191] {strides = array<i32>} : memref<4x16xf32, #tpu.memory_space<vmem>>, vector<1x16xf32>,
    %swap3A_193 = vector.shape_cast %swap3A_192 : vector<1x16xf32> to vector<16xf32>
    %swap3A_194 = vector.shape_cast %scan3A_188#0 : vector<16xf32> to vector<1x16xf32>
    tpu.vector_store %arg11[%swap3A_190, %swap3A_191], %swap3A_194 {strides = array<i32>} : memref<4x16xf32, #tpu.memory_space<vmem>>, vector<1x16xf32>,
    %swap3A_195 = arith.constant 1 : i32
    %swap3A_196 = arith.index_cast %swap3A_195 : i32 to index
    %swap3A_197 = arith.constant 0 : index
    %swap3A_198 = tpu.vector_load %arg11[%swap3A_196, %swap3A_197] {strides = array<i32>} : memref<4x16xf32, #tpu.memory_space<vmem>>, vector<1x16xf32>,
    %swap3A_199 = vector.shape_cast %swap3A_198 : vector<1x16xf32> to vector<16xf32>
    %swap3A_200 = vector.shape_cast %scan3A_188#2 : vector<16xf32> to vector<1x16xf32>
    tpu.vector_store %arg11[%swap3A_196, %swap3A_197], %swap3A_200 {strides = array<i32>} : memref<4x16xf32, #tpu.memory_space<vmem>>, vector<1x16xf32>,
    %swap3A_201 = arith.constant 2 : i32
    %swap3A_202 = arith.index_cast %swap3A_201 : i32 to index
    %swap3A_203 = arith.constant 0 : index
    %swap3A_204 = tpu.vector_load %arg11[%swap3A_202, %swap3A_203] {strides = array<i32>} : memref<4x16xf32, #tpu.memory_space<vmem>>, vector<1x16xf32>,
    %swap3A_205 = vector.shape_cast %swap3A_204 : vector<1x16xf32> to vector<16xf32>
    %swap3A_206 = vector.shape_cast %scan3A_188#1 : vector<16xf32> to vector<1x16xf32>
    tpu.vector_store %arg11[%swap3A_202, %swap3A_203], %swap3A_206 {strides = array<i32>} : memref<4x16xf32, #tpu.memory_space<vmem>>, vector<1x16xf32>,
    %swap3A_207 = arith.constant 3 : i32
    %swap3A_208 = arith.index_cast %swap3A_207 : i32 to index
    %swap3A_209 = arith.constant 0 : index
    %swap3A_210 = tpu.vector_load %arg11[%swap3A_208, %swap3A_209] {strides = array<i32>} : memref<4x16xf32, #tpu.memory_space<vmem>>, vector<1x16xf32>,
    %swap3A_211 = vector.shape_cast %swap3A_210 : vector<1x16xf32> to vector<16xf32>
    %swap3A_212 = vector.shape_cast %scan3A_188#3 : vector<16xf32> to vector<1x16xf32>
    tpu.vector_store %arg11[%swap3A_208, %swap3A_209], %swap3A_212 {strides = array<i32>} : memref<4x16xf32, #tpu.memory_space<vmem>>, vector<1x16xf32>,
    "tpu.region"() ({
      %run_scoped3A = tpu.sem_alloc : memref<!tpu.dma_semaphore, #tpu.memory_space<semaphore_mem>>
      %dma_start3A_213 = arith.constant 0 : i32
      %dma_start3A_214 = arith.constant 0 : i32
      %dma_start3A_215 = tpu.memref_slice %arg6[%add3A, %dma_start3A_213, %dma_start3A_214] : memref<32x4x16xf32, #tpu.memory_space<hbm>> -> memref<1x4x16xf32, #tpu.memory_space<hbm>>
      %dma_start3A_216 = tpu.memref_squeeze %dma_start3A_215 : memref<1x4x16xf32, #tpu.memory_space<hbm>> -> memref<4x16xf32, #tpu.memory_space<hbm>>
      %dma_start3A_217 = arith.constant 0 : i32
      %dma_start3A_218 = arith.constant 0 : i32
      %dma_start3A_219 = tpu.memref_slice %arg6[%add3A, %dma_start3A_217, %dma_start3A_218] : memref<32x4x16xf32, #tpu.memory_space<hbm>> -> memref<1x4x16xf32, #tpu.memory_space<hbm>>
      %dma_start3A_220 = tpu.memref_squeeze %dma_start3A_219 : memref<1x4x16xf32, #tpu.memory_space<hbm>> -> memref<4x16xf32, #tpu.memory_space<hbm>>
      tpu.enqueue_dma source(%arg11 : memref<4x16xf32, #tpu.memory_space<vmem>>) target(%dma_start3A_220 : memref<4x16xf32, #tpu.memory_space<hbm>>) target_semaphore(%run_scoped3A : memref<!tpu.dma_semaphore, #tpu.memory_space<semaphore_mem>>)
      %dma_wait3A = arith.constant 0 : i32
      %dma_wait3A_221 = arith.constant 0 : i32
      %dma_wait3A_222 = tpu.memref_slice %arg6[%add3A, %dma_wait3A, %dma_wait3A_221] : memref<32x4x16xf32, #tpu.memory_space<hbm>> -> memref<1x4x16xf32, #tpu.memory_space<hbm>>
      %dma_wait3A_223 = tpu.memref_squeeze %dma_wait3A_222 : memref<1x4x16xf32, #tpu.memory_space<hbm>> -> memref<4x16xf32, #tpu.memory_space<hbm>>
      %dma_wait3A_224 = arith.constant 0 : i32
      %dma_wait3A_225 = arith.constant 0 : i32
      %dma_wait3A_226 = tpu.memref_slice %arg6[%add3A, %dma_wait3A_224, %dma_wait3A_225] : memref<32x4x16xf32, #tpu.memory_space<hbm>> -> memref<1x4x16xf32, #tpu.memory_space<hbm>>
      %dma_wait3A_227 = tpu.memref_squeeze %dma_wait3A_226 : memref<1x4x16xf32, #tpu.memory_space<hbm>> -> memref<4x16xf32, #tpu.memory_space<hbm>>
      tpu.wait_dma2 semaphore(%run_scoped3A : memref<!tpu.dma_semaphore, #tpu.memory_space<semaphore_mem>>) src(%arg11 : memref<4x16xf32, #tpu.memory_space<vmem>>) dst(%dma_wait3A_227 : memref<4x16xf32, #tpu.memory_space<hbm>>)
      tpu.yield
    }) : () -> ()
    return
  }
}

</mosaic_0001>

<sc_bundles>
// kernel: kernel.3.cloned.1.call-start
scs
__scs_entry_jumppad:
0x0: {  	(pc) =	sbr.rel $0x88, $3  }
0x1: {  	(tag) =	ssettag $0x0;
	lr =	simm.s32 $0x1  }
0x2: {  	[smem:$0x3F9D] =	sst lr;
	_ =	strace $0xD0000000  }
0x3: {  	_ = 	snop  }
0x4: {  	_ = 	snop  }
0x5: {  	_ = 	snop  }
0x6: {  	_ = 	snop  }
0x7: {  	_ = 	snop  }
__scs_overlays_trampoline_lowered:
0x8: {  	[smem:$0x3FAC] =	sst s0  }
0x9: {  	[smem:$0x3FAD] =	sst s1  }
0xa: {  	[smem:$0x3FAE] =	sst s2  }
0xb: {  	[smem:$0x3FAF] =	sst s3  }
0xc: {  	[smem:$0x3FB0] =	sst s4  }
0xd: {  	[smem:$0x3FB1] =	sst s5  }
0xe: {  	[smem:$0x3FB2] =	sst s6  }
0xf: {  	[smem:$0x3FB3] =	sst s7  }
0x10: {  	[smem:$0x3FB4] =	sst s8  }
0x11: {  	[smem:$0x3FB5] =	sst s9;
	s0 =	simm.s32 @!p0 $0x0  }
0x12: {  	s1 =	sld [smem:$0x3F9B];
	s0 =	simm.s32 @p0 $0x1  }
0x13: {  	[smem:$0x3FB6] =	sst s0;
	s0 =	simm.s32 @!p1 $0x0  }
0x14: {  	s2 =	sld [smem:$0x3F9A];
	s0 =	simm.s32 @p1 $0x1  }
0x15: {  	[smem:$0x3FB7] =	sst s0;
	s0 =	simm.s32 @!p2 $0x0  }
0x16: {  	s3 =	sld [smem:$0x3FDB];
	s0 =	simm.s32 @p2 $0x1  }
0x17: {  	s4 =	simm.s32 $0x1BF5;
	[smem:$0x3FB9] =	sst s0  }
0x18: {  	s0 =	sld [smem:$0x3F9C];
	_ =	swait.ge [sflag:s4], $0x0  }
0x19: {  	s7 =	sld [smem:$0x3F9D]  }
0x1a: {  	s8 =	sadd.s32 $0xFFFFE003, lr  }
0x1b: {  	s9 =	sadd.s32 $0xFFFFFEF7, lr;
	s5 =	simm.s32 $0xFFFFFFFF;
	p2 =	slt.u32 s8, $0xFFFFF086  }
0x1c: {  	p1 =	slt.u32 s9, $0xF7A;
	s5 =	simm.s32 @!p2 $0x0  }
0x1d: {  	s5 =	simm.s32 @p1 $0x1;
	p0 =	seq.s32 s7, s2  }
0x1e: {  	s7 =	smul.u32 @!p0 $0xF7A, s2;
	p2 =	seq.s32 @!p0 s5, $0x0  }
0x1f: {  	s9 =	smul.u32 $0xF7A, s1;
	s8 =	simm.s32 @!p0 $0x1BF5;
	p2 =	por !p2, p0  }
0x20: {  	[sflag:s8] =	ssyncset.s32 @!p0 $0xFFFFF086;
	s6 =	sadd.s32 @!p0 s3, s7;
	s7 =	simm.s32 @!p0 $0x108  }
0x21: {  	s3 =	sadd.s32 s3, s9;
	s6 =	sadd.s32 @!p0 $0x88, s6;
	s7 =	simm.s32 @p2 $0x1082  }
0x22: {  	[simem:s7], [sflag:s8] =	dma.local @!p0 [hbm:s6], $0xF7A  }
0x23: {  	s9 =	sor.u32 $0xD0000000, s2;
	s6 =	simm.s32 $0x108;
	_ =	swait.ge @!p0 [sflag:s8], $0x0  }
0x24: {  	s3 =	sadd.s32 $0x88, s3;
	s6 =	simm.s32 @!p1 $0x1082;
	[sflag:s4] =	ssyncset.s32 $0xFFFFF086  }
0x25: {  	[simem:s6], [sflag:s4] =	dma.local [hbm:s3], $0xF7A  }
0x26: {  	[smem:$0x3F9D] =	sst s1;
	(tag) =	ssettag s2;
	_ =	strace s9  }
0x27: {  	s1 =	sld [smem:$0x3FAD]  }
0x28: {  	s2 =	sld [smem:$0x3FAE]  }
0x29: {  	s4 =	sld [smem:$0x3FB0]  }
0x2a: {  	p0 =	seq.s32 s5, $0x0;
	s5 =	sld [smem:$0x3FB1]  }
0x2b: {  	s6 =	sld [smem:$0x3FB2]  }
0x2c: {  	s7 =	sld [smem:$0x3FB3]  }
0x2d: {  	s3 =	simm.s32 $0x108;
	s8 =	sld [smem:$0x3FB4]  }
0x2e: {  	s3 =	simm.s32 @!p0 $0x1082;
	s9 =	sld [smem:$0x3FB5]  }
0x2f: {  	lr =	sadd.s32 s0, s3;
	s0 =	sld [smem:$0x3FAC]  }
0x30: {  	s3 =	sld [smem:$0x3FAF]  }
0x31: {  	[smem:$0x3FB8] =	sst s10  }
0x32: {  	s10 =	sld [smem:$0x3FB6];
	_ =	sdelay $0x3  }
0x33: {  	p0 =	seq.s32 s10, $0x1;
	s10 =	sld [smem:$0x3FB8];
	_ =	sdelay $0x3  }
0x34: {  	[smem:$0x3FB8] =	sst s10  }
0x35: {  	s10 =	sld [smem:$0x3FB7];
	_ =	sdelay $0x3  }
0x36: {  	p1 =	seq.s32 s10, $0x1;
	s10 =	sld [smem:$0x3FB8];
	_ =	sdelay $0x3  }
0x37: {  	[smem:$0x3FB8] =	sst s10  }
0x38: {  	s10 =	sld [smem:$0x3FB9]  }
0x39: {  	_ = 	snop;
	(pc) =	sbr.ind lr, $3  }
0x3a: {  	_ = 	snop  }
0x3b: {  	_ = 	snop  }
0x3c: {  	p2 =	seq.s32 s10, $0x1;
	s10 =	sld [smem:$0x3FB8]  }
0x3d: {  	_ =	shalt  }
0x3e: {  	_ =	shalt  }
0x3f: {  	_ =	shalt  }
0x40: {  	_ =	shalt  }
0x41: {  	_ =	shalt  }
0x42: {  	_ =	shalt  }
0x43: {  	_ =	shalt  }
0x44: {  	_ =	shalt  }
0x45: {  	_ =	shalt  }
0x46: {  	_ =	shalt  }
0x47: {  	_ =	shalt  }
0x48: {  	_ =	shalt  }
0x49: {  	_ =	shalt  }
0x4a: {  	_ =	shalt  }
0x4b: {  	_ =	shalt  }
0x4c: {  	_ =	shalt  }
0x4d: {  	_ =	shalt  }
0x4e: {  	_ =	shalt  }
0x4f: {  	_ =	shalt  }
0x50: {  	_ =	shalt  }
0x51: {  	_ =	shalt  }
0x52: {  	_ =	shalt  }
0x53: {  	_ =	shalt  }
0x54: {  	_ =	shalt  }
0x55: {  	_ =	shalt  }
0x56: {  	_ =	shalt  }
0x57: {  	_ =	shalt  }
0x58: {  	_ =	shalt  }
0x59: {  	_ =	shalt  }
0x5a: {  	_ =	shalt  }
0x5b: {  	_ =	shalt  }
0x5c: {  	_ =	shalt  }
0x5d: {  	_ =	shalt  }
0x5e: {  	_ =	shalt  }
0x5f: {  	_ =	shalt  }
0x60: {  	_ =	shalt  }
0x61: {  	_ =	shalt  }
0x62: {  	_ =	shalt  }
0x63: {  	_ =	shalt  }
0x64: {  	_ =	shalt  }
0x65: {  	_ =	shalt  }
0x66: {  	_ =	shalt  }
0x67: {  	_ =	shalt  }
0x68: {  	_ =	shalt  }
0x69: {  	_ =	shalt  }
0x6a: {  	_ =	shalt  }
0x6b: {  	_ =	shalt  }
0x6c: {  	_ =	shalt  }
0x6d: {  	_ =	shalt  }
0x6e: {  	_ =	shalt  }
0x6f: {  	_ =	shalt  }
0x70: {  	_ =	shalt  }
0x71: {  	_ =	shalt  }
0x72: {  	_ =	shalt  }
0x73: {  	_ =	shalt  }
0x74: {  	_ =	shalt  }
0x75: {  	_ =	shalt  }
0x76: {  	_ =	shalt  }
0x77: {  	_ =	shalt  }
0x78: {  	_ =	shalt  }
0x79: {  	_ =	shalt  }
0x7a: {  	_ =	shalt  }
0x7b: {  	_ =	shalt  }
0x7c: {  	_ =	shalt  }
0x7d: {  	_ =	shalt  }
0x7e: {  	_ =	shalt  }
0x7f: {  	_ =	shalt  }
0x80: {  	_ =	shalt  }
0x81: {  	_ =	shalt  }
0x82: {  	_ =	shalt  }
0x83: {  	_ =	shalt  }
0x84: {  	_ =	shalt  }
0x85: {  	_ =	shalt  }
0x86: {  	_ =	shalt  }
0x87: {  	_ =	shalt  }
.Lfunc_end0:
.L_simem_size_0:
called_computation_lowered:
.L_overlay_start_0:
0x88: {  	s2 =	sld [smem:$0x3FD9]  }
0x89: {  	s3 =	sld [smem:$0x3FFE];
	_ =	sdelay $0x1  }
0x8a: {  	s1 =	srdreg.scid  }
0x8b: {  	s0 =	sand.u32 $0x1, s1  }
0x8c: {  	s17 =	sshll.u32 s0, $0xA;
	s2 =	sadd.s32 s3, s2  }
0x8d: {  	s2 =	sadd.s32 s2, s17  }
0x8e: {  	[smem:$0x3FC4] =	sst s2  }
0x8f: {  	_ = 	snop  }
0x90: {  	s2 =	sld [smem:$0x3FC9]  }
0x91: {  	s18 =	sld [smem:$0x3FC8];
	(tm) =	ssettm $0x1  }
0x92: {  	s4 =	sld [smem:$0x3FFB];
	_ =	sdelay $0x3  }
0x93: {  	_ =	strace s4  }
0x94: {  	s4 =	sld [smem:$0x3FFC];
	_ =	sdelay $0x3  }
0x95: {  	_ =	strace s4  }
0x96: {  	s4 =	sld [smem:$0x3FFD];
	_ =	sdelay $0x3  }
0x97: {  	_ =	strace s4  }
0x98: {  	_ =	strace $0x8FFFFFFF  }
0x99: {  	s19 =	sld [smem:$0x3FDB];
	_ =	sdelay $0x1  }
0x9a: {  	s5 =	simm.s32 $_scs_section_size  }
0x9b: {  	s6 =	simm.s32 $_size__tile_overlayer_lowered;
	s7 =	simm.s32 $_tile_overlayer_lowered  }
0x9c: {  	s22 =	simm.s32 $0x1BFF;
	s21 =	sshll.u32 s7, $0x1;
	s4 =	sadd.s32 s5, s19  }
0x9d: {  	s8 =	simm.s32 $0x0;
	s20 =	sshll.u32 s6, $0x1;
	s6 =	sadd.s32 s21, s4  }
0x9e: {  	[timem:s8], [sflag:s22] =	dma.local [hbm:s6], s20  }
0x9f: {  	_ =	swait.ge [sflag:s22], s20  }
0xa0: {  	s5 =	ssub.s32 $0x0, s20;
	[sflag:s22] =	ssyncset.done $0x0  }
0xa1: {  	[sflag:s22] =	ssyncadd.s32 s5;
	_ =	sdelay $0x1  }
0xa2: {  	s23 =	simm.s32 $0x1B8B  }
0xa3: {  	_ =	swait.ge [sflag:s23], $0x1  }
0xa4: {  	[sflag:s23] =	ssyncset.done $0x0  }
0xa5: {  	s25 =	simm.s32 $0x1B8E;
	s24 =	sld [smem:$0x3FFE];
	[sflag:s23] =	ssyncadd.s32 $0xFFFFFFFF  }
0xa6: {  	s26 =	simm.s32 $execute0_lowered;
	[smem:$0x3FD2] =	sst s25  }
0xa7: {  	s6 =	sshll.u32 s26, $0x1;
	_ =	strace $0x80000046;
	[dreg:$0x1] =	wrdreg $0xFFFFFFFF  }
0xa8: {  	s28 =	simm.s32 $_size_execute0_lowered;
	s4 =	sadd.s32 s4, s6;
	[dreg:$0x0] =	wrdreg $0x0  }
0xa9: {  	s6 =	sshll.u32 s28, $0x1;
	[dreg:$0x2] =	wrdreg s4  }
0xaa: {  	[dreg:$0x3] =	wrdreg s6  }
0xab: {  	[dreg:$0x4] =	wrdreg $0xC0  }
0xac: {  	_ =	task [dreg:s8], $0x5FFFF  }
0xad: {  	[dreg:$0x1] =	wrdreg $0xFFFFFFFF  }
0xae: {  	[dreg:$0x0] =	wrdreg $0x60  }
0xaf: {  	[dreg:$0x2] =	wrdreg s2  }
0xb0: {  	[dreg:$0x3] =	wrdreg s18  }
0xb1: {  	[dreg:$0x4] =	wrdreg s24  }
0xb2: {  	[dreg:$0x5] =	wrdreg $0x9  }
0xb3: {  	_ =	task.clear_ibuf [dreg:s8], $0x6FFFF;
	_ =	strace $0x90000046  }
0xb4: {  	s29 =	simm.s32 $0x9;
	_ =	strace $0x80000048  }
0xb5: {  	_ =	swait.ge [sflag:s29], $0x1  }
0xb6: {  	[sflag:s29] =	ssyncadd.s32 $0xFFFFFFFF  }
0xb7: {  	_ =	strace $0x90000048  }
0xb8: {  	_ =	sfence  }
0xb9: {  	s30 =	sld [smem:$0x0];
	_ =	sdelay $0x2  }
0xba: {  	s31 =	sshll.u32 s1, $0xD;
	s1 =	sshrl.u32 s1, $0x2  }
0xbb: {  	s3 =	sand.u32 $0x4000, s31;
	s1 =	sadd.s32 s1, s30  }
0xbc: {  	s0 =	sor.u32 s3, s0;
	s1 =	sshll.u32 s1, $0x11  }
0xbd: {  	s0 =	sor.u32 s1, s0  }
0xbe: {  	s0 =	sadd.s32 $0x8F2B, s0  }
0xbf: {  	[sflag:s0] =	ssyncadd.remote.s32 $0x1  }
0xc0: {  	_ =	sfence.sel $0xFFFF  }
0xc1: {  	[dreg:$0x0] =	wrdreg $0xFFFFFFFF;
	(pc) =	sbr.abs _section_cstart, $3  }
0xc2: {  	[dreg:$0x1] =	wrdreg $0xFFFFFFFF  }
0xc3: {  	_ =	task.clear_ibuf [dreg:s8], $0x2FFFF;
	_ =	strace $0x9FFFFFFF  }
0xc4: {  	(tm) =	ssettm $0x7FFFFFFF  }
0xc5: {  	_ =	shalt  }
tec
execute0_lowered:
.L_overlay_start_1:
0x0: {  	(tag) =	ssettag $0x1  }
0x1: {  	s1 =	rddreg [dreg:$0x0]  }
0x2: {  	s2 =	rddreg [dreg:$0x1]  }
0x3: {  	s0 =	rddreg [dreg:$0x2];
	s4 =	simm.s32 $0x0  }
0x4: {  	s3 =	srdreg.scid;
	s5 =	stileid.u32;
	s24 =	simm.s32 $0x9800  }
0x5: {  	s25 =	simm.s32 $0x1;
	s28 =	simm.s32 $0x3;
	s29 =	simm.s32 $0x4  }
0x6: {  	s30 =	simm.s32 $0xA000;
	s31 =	simm.s32 $0x5;
	[smem:$0x7FF] =	sst s4  }
0x7: {  	s3 =	sand.u32 $0x1, s3;
	s6 =	sshll.u32 s5, $0x1;
	s5 =	sadd.s32 $0x400, s0  }
0x8: {  	_ =	strace $0x80000047;
	s8 =	sor.u32 s3, s6;
	s3 =	ssub.s32 $0x2, s3  }
0x9: {  	s6 =	sadd.s32 $0x20400, s0;
	s7 =	sshll.u32 s8, $0x6;
	s9 =	sshrl.u32 s3, $0x1  }
0xa: {  	s26 =	sshll.u32 s8, $0xE;
	s15 =	sshll.u32 s8, $0x4;
	s10 =	sshll.u32 s8, $0xC  }
0xb: {  	s0 =	sadd.s32 s7, s0;
	s3 =	ssub.s32 s3, s9;
	s7 =	sadd.s32 s1, s26  }
0xc: {  	s8 =	sadd.s32 s2, s26;
	s9 =	sadd.s32 s5, s10;
	s11 =	sor.u32 $0x1, s15  }
0xd: {  	s10 =	sadd.s32 s6, s10;
	s15 =	sor.u32 $0x2, s15;
	s26 =	simm.s32 $0x2  }
0xe: {  	s12 =	sshll.u32 s11, $0xA;
	s14 =	sshll.u32 s11, $0x8;
	s16 =	sadd.s32 $0x40400, s0  }
0xf: {  	s17 =	smax.u32 s3, $0x1;
	s0 =	simm.s32 $0x0;
	s11 =	sadd.s32 s1, s12  }
0x10: {  	s12 =	sadd.s32 s2, s12;
	s13 =	sadd.s32 s5, s14;
	s14 =	sadd.s32 s6, s14  }
.LBB2_1:
0x11: {  	[tilespmem:s4], [sflag:$0x1] =	stream.linear.gather [hbm4b:s7+s4], $0x2000, $0x38;
	[tilespmem:$0xA200] =	vst v63  }
0x12: {  	s3 =	simm.s32 $0x4000  }
0x13: {  	[tilespmem:s3], [sflag:$0x2] =	stream.linear.gather [hbm4b:s8+s4], $0x2000, $0x38;
	[tilespmem:$0xA200] =	vst v63  }
0x14: {  	s19 =	simm.s32 $0x8000  }
0x15: {  	[tilespmem:s19], [sflag:$0x3] =	stream.linear.gather [hbm4b:s9+s4], $0x800, $0x38;
	[tilespmem:$0xA200] =	vst v63  }
0x16: {  	s20 =	simm.s32 $0x9000  }
0x17: {  	[tilespmem:s20], [sflag:$0x4] =	stream.linear.gather [hbm4b:s10+s4], $0x800, $0x38;
	[tilespmem:$0xA200] =	vst v63  }
0x18: {  	s21 =	simm.s32 $0x2000  }
0x19: {  	[tilespmem:s21], [sflag:$0x1] =	stream.linear.gather [hbm4b:s11+s4], $0x2000, $0x38;
	[tilespmem:$0xA200] =	vst v63  }
0x1a: {  	s22 =	simm.s32 $0x6000  }
0x1b: {  	[tilespmem:s22], [sflag:$0x2] =	stream.linear.gather [hbm4b:s12+s4], $0x2000, $0x38;
	[tilespmem:$0xA200] =	vst v63  }
0x1c: {  	s23 =	simm.s32 $0x8800  }
0x1d: {  	[tilespmem:s23], [sflag:$0x3] =	stream.linear.gather [hbm4b:s13+s4], $0x800, $0x38;
	[tilespmem:$0xA200] =	vst v63  }
0x1e: {  	v0 =	vimm.f32 $0.0e+00;
	p0 =	por $0x0, $0x0;
	s3 =	simm.s32 $0x0  }
0x1f: {  	v1 =	vimm.f32 $0.0e+00;
	v2 =	vimm.f32 $0.0e+00;
	v5 =	vimm.f32 $0.0e+00;
	[tilespmem:s24], [sflag:$0x4] =	stream.linear.gather [hbm4b:s14+s4], $0x800, $0x38;
	[tilespmem:$0xA200] =	vst v63  }
.LBB2_2:
0x20: {  	[tilespmem:$0x1FB70] =	vst v5  }
0x21: {  	[tilespmem:$0x1FB80] =	vst v2  }
0x22: {  	[tilespmem:$0x1FB90] =	vst v1  }
0x23: {  	[tilespmem:$0x1FBA0] =	vst v0  }
0x24: {  	_ =	swait.ge [sflag:s25], $0x2000  }
0x25: {  	[sflag:s25] =	ssyncset.done $0x0  }
0x26: {  	[sflag:s25] =	ssyncadd.s32 $0xFFFFE000  }
0x27: {  	_ =	swait.ge [sflag:s26], $0x2000  }
0x28: {  	[sflag:s26] =	ssyncset.done $0x0  }
0x29: {  	[sflag:s26] =	ssyncadd.s32 $0xFFFFE000  }
0x2a: {  	_ =	swait.ge [sflag:s28], $0x800  }
0x2b: {  	[sflag:s28] =	ssyncset.done $0x0  }
0x2c: {  	s18 =	simm.s32 $0x1;
	[sflag:s28] =	ssyncadd.s32 $0xFFFFF800  }
0x2d: {  	s18 =	simm.s32 @!p0 $0x0;
	_ =	swait.ge [sflag:s29], $0x800  }
0x2e: {  	s20 =	sshll.u32 s18, $0xD;
	[sflag:s29] =	ssyncset.done $0x0  }
0x2f: {  	s18 =	sor.u32 $0x100, s20;
	[sflag:s29] =	ssyncadd.s32 $0xFFFFF800  }
0x30: {  	s19 =	sor.u32 $0x4100, s20;
	v13 =	vld [tilespmem:s18+$0xF0]  }
0x31: {  	v62 =	vld [tilespmem:s19+$0xF0]  }
0x32: {  	v22 =	vld [tilespmem:s18+$0x70]  }
0x33: {  	s20 =	sshrl.u32 s20, $0x2;
	v12 =	vld [tilespmem:s19+$0x70]  }
0x34: {  	s21 =	sor.u32 $0x8070, s20;
	v2 =	vld [tilespmem:s18+$0xFFFFFFF0]  }
0x35: {  	s20 =	sor.u32 $0x9070, s20;
	v1 =	vmov s21;
	v5 =	vld [tilespmem:s19+$0xFFFFFFF0]  }
0x36: {  	v0 =	vmov s20;
	v4 =	vld [tilespmem:s18+$0xFFFFFF70]  }
0x37: {  	v8 =	vld [tilespmem:s19+$0xFFFFFF70]  }
0x38: {  	v9 =	vld [tilespmem:s18+$0xE0]  }
0x39: {  	s22 =	simm.s32 $0x0;
	v10 =	vld [tilespmem:s19+$0xE0]  }
0x3a: {  	v41 =	vld.idx.msk [tilespmem:v1+s22+$0x0 ss:$0x1], $0xffff  }
0x3b: {  	v31 =	vld.idx.msk [tilespmem:v0+s22+$0x0 ss:$0x1], $0xffff  }
0x3c: {  	v14 =	vld [tilespmem:s18+$0x60]  }
0x3d: {  	v3 =	vld [tilespmem:s19+$0x60]  }
0x3e: {  	v16 =	vld [tilespmem:s18+$0xFFFFFFE0]  }
0x3f: {  	v17 =	vld [tilespmem:s19+$0xFFFFFFE0]  }
0x40: {  	v18 =	vld [tilespmem:s18+$0xFFFFFF60]  }
0x41: {  	v19 =	vld [tilespmem:s19+$0xFFFFFF60]  }
0x42: {  	v20 =	vld [tilespmem:s18+$0xD0]  }
0x43: {  	v63 =	vld [tilespmem:s19+$0xD0]  }
0x44: {  	v6 =	vld.idx.msk [tilespmem:v1+s22+$0xFFFFFFF0 ss:$0x1], $0xffff  }
0x45: {  	v11 =	vld.idx.msk [tilespmem:v0+s22+$0xFFFFFFF0 ss:$0x1], $0xffff  }
0x46: {  	v23 =	vld [tilespmem:s18+$0x50]  }
0x47: {  	v24 =	vld [tilespmem:s19+$0x50]  }
0x48: {  	v25 =	vld [tilespmem:s18+$0xFFFFFFD0]  }
0x49: {  	v26 =	vld [tilespmem:s19+$0xFFFFFFD0]  }
0x4a: {  	v27 =	vld [tilespmem:s18+$0xFFFFFF50]  }
0x4b: {  	v28 =	vld [tilespmem:s19+$0xFFFFFF50]  }
0x4c: {  	v29 =	vld [tilespmem:s18+$0xC0]  }
0x4d: {  	v30 =	vld [tilespmem:s19+$0xC0]  }
0x4e: {  	v21 =	vld.idx.msk [tilespmem:v0+s22+$0xFFFFFFE0 ss:$0x1], $0xffff  }
0x4f: {  	v34 =	vld [tilespmem:s18+$0xFFFFFFC0]  }
0x50: {  	v35 =	vld [tilespmem:s19+$0xFFFFFFC0]  }
0x51: {  	v36 =	vld [tilespmem:s18+$0xFFFFFF40]  }
0x52: {  	v37 =	vld [tilespmem:s19+$0xFFFFFF40]  }
0x53: {  	v38 =	vld [tilespmem:s18+$0xB0]  }
0x54: {  	v39 =	vld [tilespmem:s19+$0xB0]  }
0x55: {  	v15 =	vld.idx.msk [tilespmem:v0+s22+$0xFFFFFFD0 ss:$0x1], $0xffff  }
0x56: {  	v40 =	vld [tilespmem:s18+$0x30]  }
0x57: {  	v42 =	vld [tilespmem:s19+$0x30]  }
0x58: {  	v49 =	vld.idx.msk [tilespmem:v1+s22+$0xFFFFFFC0 ss:$0x1], $0xffff  }
0x59: {  	v50 =	vld [tilespmem:s18+$0x20]  }
0x5a: {  	v51 =	vld [tilespmem:s19+$0x20]  }
0x5b: {  	v58 =	vld.idx.msk [tilespmem:v1+s22+$0xFFFFFFB0 ss:$0x1], $0xffff;
	v13 =	vsub.f32 v13, v62;
	v62 =	vsub.f32 v22, v12  }
0x5c: {  	[tilespmem:$0x1FBC0] =	vst v6;
	v6 =	vld.idx.msk [tilespmem:v1+s22+$0xFFFFFFE0 ss:$0x1], $0xffff;
	v22 =	vsub.f32 v2, v5;
	v5 =	vsub.f32 v4, v8  }
0x5d: {  	v4 =	vsub.f32 v9, v10;
	v10 =	vsub.f32 v34, v35;
	v35 =	vld [tilespmem:s18+$0x0]  }
0x5e: {  	v24 =	vsub.f32 v23, v24;
	v23 =	vld [tilespmem:s19+$0x0]  }
0x5f: {  	v27 =	vsub.f32 v27, v28;
	v28 =	vsub.f32 v29, v30;
	v30 =	vld.idx.msk [tilespmem:v0+s22+$0xFFFFFF90 ss:$0x1], $0xffff  }
0x60: {  	[tilespmem:$0x1FD30] =	vst v4;
	v4 =	vsub.f32 v16, v17;
	v17 =	vld.idx.msk [tilespmem:v1+s22+$0xFFFFFFA0 ss:$0x1], $0xffff  }
0x61: {  	[tilespmem:$0x1FC30] =	vst v6;
	v6 =	vld.idx.msk [tilespmem:v1+s22+$0xFFFFFFD0 ss:$0x1], $0xffff  }
0x62: {  	[tilespmem:$0x1FC20] =	vst v1;
	v1 =	vld.idx.msk [tilespmem:v1+s22+$0xFFFFFF90 ss:$0x1], $0xffff  }
0x63: {  	v43 =	vld [tilespmem:s18+$0xFFFFFFB0]  }
0x64: {  	v44 =	vld [tilespmem:s19+$0xFFFFFFB0]  }
0x65: {  	v45 =	vld [tilespmem:s18+$0xFFFFFF30]  }
0x66: {  	v46 =	vld [tilespmem:s19+$0xFFFFFF30];
	v51 =	vsub.f32 v50, v51;
	[tilespmem:$0x1FD80] =	vst v4;
	v4 =	vshrl.u32 v31, $0x10  }
0x67: {  	v47 =	vld [tilespmem:s18+$0xA0];
	v50 =	vsub.f32 v35, v23;
	v23 =	vandn.u32 v1, v30;
	v1 =	vand.u32 $0x1, v4  }
0x68: {  	v48 =	vld [tilespmem:s19+$0xA0];
	v1 =	vcvt.s32.f32 v1  }
0x69: {  	v52 =	vld [tilespmem:s18+$0xFFFFFFA0]  }
0x6a: {  	v53 =	vld [tilespmem:s19+$0xFFFFFFA0];
	[tilespmem:$0x1FCF0] =	vst v1;
	v1 =	vmul.f32 v5, v5  }
0x6b: {  	v54 =	vld [tilespmem:s18+$0xFFFFFF20]  }
0x6c: {  	[tilespmem:$0x1FD00] =	vst v1;
	v1 =	vld [tilespmem:$0x1FD30]  }
0x6d: {  	v55 =	vld [tilespmem:s19+$0xFFFFFF20]  }
0x6e: {  	[tilespmem:$0x1FBD0] =	vst v0;
	v56 =	vld [tilespmem:s18+$0x90]  }
0x6f: {  	v57 =	vld [tilespmem:s19+$0x90];
	[tilespmem:$0x1FBB0] =	vst v31  }
0x70: {  	v7 =	vld.idx.msk [tilespmem:v0+s22+$0xFFFFFFB0 ss:$0x1], $0xffff;
	[tilespmem:$0x1FBE0] =	vst v11  }
0x71: {  	v59 =	vld [tilespmem:s18+$0x10];
	v20 =	vsub.f32 v20, v63;
	v63 =	vandn.u32 v41, v31;
	[tilespmem:$0x1FCA0] =	vst v13;
	v1 =	vmul.f32 v1, v1  }
0x72: {  	v61 =	vld [tilespmem:s18+$0xFFFFFF90];
	[tilespmem:$0x1FE50] =	vst v10;
	v10 =	vsub.f32 v43, v44;
	v4 =	vand.u32 $0x1, v63  }
0x73: {  	v2 =	vld [tilespmem:s18+$0xFFFFFF10];
	v9 =	vsub.f32 v14, v3;
	[tilespmem:$0x1FD40] =	vst v1;
	v1 =	vcvt.s32.f32 v4  }
0x74: {  	v8 =	vld [tilespmem:s19+$0xFFFFFF10];
	v26 =	vsub.f32 v25, v26;
	[tilespmem:$0x1FEA0] =	vst v10;
	v10 =	vsub.f32 v47, v48  }
0x75: {  	v25 =	vld.idx.msk [tilespmem:v0+s22+$0xFFFFFFA0 ss:$0x1], $0xffff;
	v34 =	vsub.f32 v36, v37;
	v37 =	vshrl.u32 v11, $0x18;
	[tilespmem:$0x1FD50] =	vst v1;
	v1 =	vmul.f32 v9, v9  }
0x76: {  	v13 =	vld [tilespmem:s19+$0xFFFFFF90];
	[tilespmem:$0x1FEB0] =	vst v10;
	v10 =	vsub.f32 v52, v53;
	v52 =	vand.u32 $0x1, v37  }
0x77: {  	v48 =	vld [tilespmem:s18+$0xFFFFFF00];
	[tilespmem:$0x1FD60] =	vst v1;
	v1 =	vcvt.s32.f32 v52  }
0x78: {  	[tilespmem:$0x1FC50] =	vst v6;
	v6 =	vld.idx.msk [tilespmem:v0+s22+$0xFFFFFFC0 ss:$0x1], $0xffff  }
0x79: {  	[tilespmem:$0x1FD70] =	vst v1;
	v1 =	vld [tilespmem:$0x1FD80]  }
0x7a: {  	[tilespmem:$0x1FC40] =	vst v21;
	v0 =	vsub.f32 v56, v57;
	v57 =	vld [tilespmem:s19+$0xFFFFFF00]  }
0x7b: {  	v60 =	vld [tilespmem:s19+$0x10];
	v18 =	vsub.f32 v18, v19;
	v36 =	vsub.f32 v38, v39;
	[tilespmem:$0x1FD20] =	vst v15  }
0x7c: {  	v19 =	vsub.f32 v54, v55;
	[tilespmem:$0x1FE80] =	vst v7;
	v43 =	vsub.f32 v40, v42  }
0x7d: {  	v32 =	vld [tilespmem:s18+$0x40];
	v42 =	vsub.f32 v45, v46;
	v47 =	vshrl.u32 v11, $0x10;
	[tilespmem:$0x1FBF0] =	vst v0;
	v0 =	vsub.f32 v61, v13  }
0x7e: {  	v33 =	vld [tilespmem:s19+$0x40];
	v54 =	vsub.f32 v2, v8;
	v2 =	vand.u32 $0x1, v21;
	[tilespmem:$0x1FED0] =	vst v10;
	v1 =	vmul.f32 v1, v1  }
0x7f: {  	v38 =	vld [tilespmem:s18+$0xFFFFFF80];
	v2 =	vcvt.s32.f32 v2;
	[tilespmem:$0x1FC00] =	vst v0;
	v53 =	vsub.f32 v48, v57;
	v57 =	vand.u32 $0x1, v47  }
0x80: {  	v46 =	vld [tilespmem:s19+$0xFFFFFF80];
	v0 =	vsub.f32 v59, v60;
	v60 =	vand.u32 $0x1, v15;
	[tilespmem:$0x1FD90] =	vst v1;
	v1 =	vcvt.s32.f32 v57  }
0x81: {  	v10 =	vld [tilespmem:$0x1FBC0];
	[tilespmem:$0x1FC80] =	vst v2;
	v2 =	vcvt.s32.f32 v60  }
0x82: {  	v14 =	vld [tilespmem:s18+$0x80];
	v44 =	vshrl.u32 v11, $0x8;
	[tilespmem:$0x1FDA0] =	vst v1;
	v1 =	vmul.f32 v18, v18  }
0x83: {  	v3 =	vshrl.u32 v31, $0x18;
	v16 =	vld [tilespmem:s19+$0x80];
	v56 =	vand.u32 $0x1, v44;
	[tilespmem:$0x1FC90] =	vst v2  }
0x84: {  	v12 =	vshrl.u32 v31, $0x8;
	v32 =	vsub.f32 v32, v33;
	v2 =	vld [tilespmem:$0x1FCA0];
	[tilespmem:$0x1FDB0] =	vst v1;
	v1 =	vcvt.s32.f32 v56  }
0x85: {  	v33 =	vand.u32 $0x1, v31;
	v29 =	vshrl.u32 v21, $0x18;
	[tilespmem:$0x1FF10] =	vst v63;
	v31 =	vsub.f32 v38, v46  }
0x86: {  	v40 =	vandn.u32 v10, v11;
	v10 =	vand.u32 $0x1, v11;
	[tilespmem:$0x1FDC0] =	vst v1;
	v1 =	vmul.f32 v20, v20  }
0x87: {  	v46 =	vand.u32 $0x1, v3;
	v3 =	vcvt.s32.f32 v10;
	v5 =	vand.u32 $0x1, v40;
	[tilespmem:$0x1FC10] =	vst v0;
	v0 =	vld [tilespmem:$0x1FC30]  }
0x88: {  	v8 =	vshrl.u32 v21, $0x8;
	v45 =	vsub.f32 v14, v16;
	[tilespmem:$0x1FDD0] =	vst v1;
	v1 =	vcvt.s32.f32 v5  }
0x89: {  	v14 =	vmul.f32 v27, v27;
	v59 =	vshrl.u32 v21, $0x10;
	[tilespmem:$0x1FC70] =	vst v3;
	v2 =	vmul.f32 v2, v2  }
0x8a: {  	v16 =	vandn.u32 v49, v6;
	v61 =	vand.u32 $0x1, v6;
	[tilespmem:$0x1FDE0] =	vst v1;
	v1 =	vmul.f32 v24, v24  }
0x8b: {  	v60 =	vand.u32 $0x1, v30;
	v49 =	vmul.f32 v42, v42;
	[tilespmem:$0x1FCB0] =	vst v2;
	v2 =	vmul.f32 v62, v62  }
0x8c: {  	v10 =	vcvt.s32.f32 v61;
	v11 =	vandn.u32 v0, v21;
	[tilespmem:$0x1FDF0] =	vst v1;
	v1 =	vmul.f32 v26, v26  }
0x8d: {  	v0 =	vld [tilespmem:$0x1FC50];
	v21 =	vandn.u32 v58, v7;
	v58 =	vand.u32 $0x1, v59;
	[tilespmem:$0x1FCC0] =	vst v2;
	v2 =	vcvt.s32.f32 v46  }
0x8e: {  	v35 =	vandn.u32 v17, v25;
	v39 =	vcvt.s32.f32 v60;
	[tilespmem:$0x1FE00] =	vst v1;
	v1 =	vcvt.s32.f32 v58  }
0x8f: {  	v61 =	vshrl.u32 v15, $0x18;
	v3 =	vshrl.u32 v15, $0x10;
	[tilespmem:$0x1FCD0] =	vst v2;
	v2 =	vmul.f32 v22, v22  }
0x90: {  	v27 =	vshrl.u32 v16, $0x10;
	v59 =	vand.u32 $0x1, v8;
	[tilespmem:$0x1FE10] =	vst v1;
	v1 =	vshrl.u32 v6, $0x8  }
0x91: {  	v38 =	vand.u32 $0x1, v61;
	[tilespmem:$0x1FCE0] =	vst v2;
	v2 =	vand.u32 $0x1, v1;
	v1 =	vcvt.s32.f32 v59  }
0x92: {  	[tilespmem:$0x1FEC0] =	vst v25;
	v3 =	vand.u32 $0x1, v3;
	v61 =	vshrl.u32 v30, $0x18;
	v13 =	vandn.u32 v0, v15  }
0x93: {  	v0 =	vcvt.s32.f32 v33;
	v48 =	vcvt.s32.f32 v2;
	v2 =	vld [tilespmem:$0x1FEB0];
	[tilespmem:$0x1FE30] =	vst v1;
	v1 =	vshrl.u32 v7, $0x18  }
0x94: {  	[tilespmem:$0x1FEF0] =	vst v30;
	v8 =	vand.u32 $0x1, v25;
	v20 =	vand.u32 $0x1, v1;
	v1 =	vcvt.s32.f32 v38  }
0x95: {  	v47 =	vcvt.s32.f32 v8;
	v8 =	vand.u32 $0x1, v7;
	v4 =	vshrl.u32 v6, $0x18;
	[tilespmem:$0x1FC60] =	vst v0  }
0x96: {  	v41 =	vshrl.u32 v21, $0x10;
	v60 =	vshrl.u32 v21, $0x8;
	v0 =	vand.u32 $0x1, v12;
	[tilespmem:$0x1FE40] =	vst v1;
	v1 =	vld [tilespmem:$0x1FE50]  }
0x97: {  	[tilespmem:$0x1FF50] =	vst v40;
	v4 =	vand.u32 $0x1, v4;
	v0 =	vcvt.s32.f32 v0;
	v58 =	vmul.f32 v28, v28  }
0x98: {  	[tilespmem:$0x1FE20] =	vst v6;
	v9 =	vand.u32 $0x1, v11;
	v28 =	vmul.f32 v34, v34;
	v34 =	vmul.f32 v2, v2;
	v2 =	vld [tilespmem:$0x1FED0]  }
0x99: {  	v62 =	vmul.f32 v32, v32;
	v37 =	vcvt.s32.f32 v4;
	[tilespmem:$0x1FD10] =	vst v0;
	v0 =	vshrl.u32 v15, $0x8  }
0x9a: {  	[tilespmem:$0x1FFE0] =	vst v16;
	v32 =	vshrl.u32 v16, $0x8;
	v46 =	vcvt.s32.f32 v9;
	v0 =	vand.u32 $0x1, v0  }
0x9b: {  	[tilespmem:$0x1FF80] =	vst v11;
	v0 =	vcvt.s32.f32 v0;
	v18 =	vmul.f32 v1, v1;
	v1 =	vshrl.u32 v7, $0x10  }
0x9c: {  	v33 =	vmul.f32 v36, v36;
	[tilespmem:$0x1FFC0] =	vst v13;
	v12 =	vand.u32 $0x1, v29;
	v9 =	vand.u32 $0x1, v1  }
0x9d: {  	[tilespmem:$0x1FE70] =	vst v0;
	v1 =	vcvt.s32.f32 v3;
	v59 =	vmul.f32 v2, v2;
	v2 =	vimm.s32 $0x0  }
0x9e: {  	v29 =	vcvt.s32.f32 v8;
	v22 =	vcvt.s32.f32 v12;
	v15 =	vshrl.u32 v16, $0x18;
	[tilespmem:$0x1FEE0] =	vst v2  }
0x9f: {  	v0 =	vshrl.u32 v7, $0x8;
	v57 =	vshrl.u32 v21, $0x18;
	v2 =	vshrl.u32 v63, $0x10;
	[tilespmem:$0x1FE60] =	vst v1  }
0xa0: {  	v5 =	vshrl.u32 v6, $0x10;
	v1 =	vand.u32 $0x1, v13;
	[tilespmem:$0x1FF00] =	vst v2;
	v2 =	vshrl.u32 v63, $0x8  }
0xa1: {  	v5 =	vand.u32 $0x1, v5;
	v1 =	vcvt.s32.f32 v1;
	[tilespmem:$0x1FF20] =	vst v2;
	v2 =	vshrl.u32 v40, $0x18  }
0xa2: {  	v0 =	vand.u32 $0x1, v0;
	v56 =	vmul.f32 v51, v51;
	v24 =	vcvt.s32.f32 v5;
	v3 =	vld [tilespmem:$0x1FEA0];
	[tilespmem:$0x1FF30] =	vst v2  }
0xa3: {  	v26 =	vshrl.u32 v63, $0x18;
	v6 =	vand.u32 $0x1, v21;
	v2 =	vshrl.u32 v40, $0x10;
	[tilespmem:$0x1FE90] =	vst v1  }
0xa4: {  	v38 =	vmul.f32 v43, v43;
	v43 =	vshrl.u32 v35, $0x10;
	[tilespmem:$0x1FF40] =	vst v2;
	v2 =	vshrl.u32 v11, $0x18  }
0xa5: {  	v55 =	vcvt.s32.f32 v20;
	v36 =	vcvt.s32.f32 v9;
	[tilespmem:$0x1FF60] =	vst v2;
	v2 =	vshrl.u32 v11, $0x10  }
0xa6: {  	v9 =	vshrl.u32 v30, $0x8;
	v63 =	vshrl.u32 v35, $0x18;
	[tilespmem:$0x1FF70] =	vst v2;
	v2 =	vshrl.u32 v11, $0x8  }
0xa7: {  	v1 =	vshrl.u32 v25, $0x18;
	v44 =	vmul.f32 v3, v3;
	[tilespmem:$0x1FF90] =	vst v2;
	v2 =	vshrl.u32 v13, $0x18  }
0xa8: {  	v3 =	vshrl.u32 v25, $0x10;
	v1 =	vand.u32 $0x1, v1;
	[tilespmem:$0x1FFA0] =	vst v2;
	v2 =	vshrl.u32 v13, $0x10  }
0xa9: {  	v5 =	vand.u32 $0x1, v3;
	v3 =	vand.u32 $0x1, v16;
	[tilespmem:$0x1FFB0] =	vst v2;
	v2 =	vshrl.u32 v13, $0x8  }
0xaa: {  	s23 =	sand.u32 $0x1, s3;
	v52 =	vcvt.s32.f32 v3;
	v3 =	vshrl.u32 v25, $0x8;
	[tilespmem:$0x1FFD0] =	vst v2;
	v2 =	vimm.s32 $0x0  }
0xab: {  	s21 =	sshll.u32 s23, $0xD;
	s20 =	sshll.u32 s23, $0xB;
	s22 =	simm.s32 $0x200;
	v17 =	vmovc v21;
	v4 =	vand.u32 $0x1, v3;
	v3 =	vshrl.u32 v30, $0x10;
	v30 =	vshrl.u32 v40, $0x8;
	[tilespmem:$0x1FFF0] =	vst v2  }
.LBB2_3:
0xac: {  	v2 =	vld [tilespmem:$0x1FBF0];
	_ =	sdelay $0x4  }
0xad: {  	v21 =	vmul.f32 v2, v2;
	v2 =	vld [tilespmem:$0x1FC10];
	_ =	sdelay $0x4  }
0xae: {  	[tilespmem:$0x1F990] =	vst v30;
	v61 =	vand.u32 $0x1, v61;
	v25 =	vmul.f32 v54, v54;
	v11 =	vmul.f32 v2, v2;
	v2 =	vld [tilespmem:$0x1FC00]  }
0xaf: {  	v30 =	vmovc v35;
	v53 =	vmul.f32 v53, v53;
	v51 =	vmovc v46;
	v46 =	vshrl.u32 v35, $0x8;
	v35 =	vmul.f32 v19, v19  }
0xb0: {  	v19 =	vmovc v22;
	v22 =	vcvt.s32.f32 v4;
	v4 =	vand.u32 $0x1, v9;
	v9 =	vmul.f32 v45, v45  }
0xb1: {  	v54 =	vand.u32 $0x1, v23;
	v45 =	vmul.f32 v50, v50;
	v50 =	vcvt.s32.f32 v61  }
0xb2: {  	v61 =	vcvt.s32.f32 v54;
	v4 =	vcvt.s32.f32 v4  }
0xb3: {  	v42 =	vmul.f32 v2, v2;
	v2 =	vmul.f32 v31, v31  }
0xb4: {  	v8 =	vmul.f32 v39, v53  }
0xb5: {  	v61 =	vmul.f32 v61, v53;
	v53 =	vmul.f32 v4, v2;
	v4 =	vld [tilespmem:$0x1FB70];
	_ =	sdelay $0x4  }
0xb6: {  	v7 =	vcvt.s32.f32 v5;
	v5 =	vshrl.u32 v23, $0x8;
	v61 =	vadd.f32 v61, v4;
	v4 =	vld [tilespmem:$0x1FB80]  }
0xb7: {  	v40 =	vshrl.u32 v23, $0x18;
	v5 =	vand.u32 $0x1, v5  }
0xb8: {  	v3 =	vand.u32 $0x1, v3;
	v12 =	vshrl.u32 v23, $0x10;
	v5 =	vcvt.s32.f32 v5  }
0xb9: {  	v26 =	vand.u32 $0x1, v26;
	v3 =	vcvt.s32.f32 v3;
	v12 =	vand.u32 $0x1, v12  }
0xba: {  	v40 =	vand.u32 $0x1, v40;
	v12 =	vcvt.s32.f32 v12;
	v2 =	vmul.f32 v5, v2  }
0xbb: {  	v20 =	vand.u32 $0x1, v30;
	v40 =	vcvt.s32.f32 v40;
	v13 =	vadd.f32 v8, v4  }
0xbc: {  	v3 =	vmul.f32 v3, v45;
	v45 =	vmul.f32 v12, v45;
	v61 =	vadd.f32 v2, v61  }
0xbd: {  	v20 =	vcvt.s32.f32 v20;
	v50 =	vmul.f32 v50, v9;
	v13 =	vadd.f32 v53, v13  }
0xbe: {  	v9 =	vmul.f32 v40, v9;
	v2 =	vcvt.s32.f32 v26;
	v26 =	vadd.f32 v45, v61  }
0xbf: {  	v0 =	vcvt.s32.f32 v0;
	v43 =	vand.u32 $0x1, v43;
	v3 =	vadd.f32 v3, v13  }
0xc0: {  	v46 =	vand.u32 $0x1, v46;
	v20 =	vmul.f32 v20, v25;
	v9 =	vadd.f32 v9, v26  }
0xc1: {  	v61 =	vcvt.s32.f32 v46;
	v13 =	vmul.f32 v47, v25;
	v3 =	vadd.f32 v50, v3  }
0xc2: {  	v1 =	vcvt.s32.f32 v1;
	v26 =	vcvt.s32.f32 v43;
	v9 =	vadd.f32 v20, v9  }
0xc3: {  	v25 =	vmul.f32 v22, v42;
	v3 =	vadd.f32 v13, v3;
	v13 =	vmul.f32 v61, v42  }
0xc4: {  	s18 =	sadd.s32 $0x200, s18;
	v7 =	vmul.f32 v7, v11;
	v11 =	vmul.f32 v26, v11;
	v22 =	vand.u32 $0x1, v63  }
0xc5: {  	v4 =	vld [tilespmem:s18+$0x60];
	v20 =	vcvt.s32.f32 v22;
	v9 =	vadd.f32 v13, v9;
	v3 =	vadd.f32 v25, v3  }
0xc6: {  	v6 =	vcvt.s32.f32 v6;
	v1 =	vmul.f32 v1, v21;
	v13 =	vand.u32 $0x1, v60  }
0xc7: {  	v9 =	vadd.f32 v11, v9;
	v3 =	vadd.f32 v7, v3;
	v7 =	vmul.f32 v20, v21  }
0xc8: {  	v13 =	vcvt.s32.f32 v13;
	v11 =	vmul.f32 v29, v35;
	v20 =	vand.u32 $0x1, v41  }
0xc9: {  	v7 =	vadd.f32 v7, v9;
	v1 =	vadd.f32 v1, v3;
	v3 =	vmul.f32 v6, v35  }
0xca: {  	v0 =	vmul.f32 v0, v59;
	[tilespmem:$0x1FA10] =	vst v4;
	v4 =	vld [tilespmem:$0x1FF20];
	v6 =	vcvt.s32.f32 v20;
	v9 =	vand.u32 $0x1, v57  }
0xcb: {  	v3 =	vadd.f32 v3, v7;
	v1 =	vadd.f32 v11, v1;
	v7 =	vmul.f32 v13, v59  }
0xcc: {  	v9 =	vcvt.s32.f32 v9  }
0xcd: {  	v3 =	vadd.f32 v7, v3;
	v0 =	vadd.f32 v0, v1;
	v1 =	vmul.f32 v6, v56  }
0xce: {  	v11 =	vmul.f32 v36, v56  }
0xcf: {  	v13 =	vand.u32 $0x1, v4;
	v1 =	vadd.f32 v1, v3;
	v3 =	vmul.f32 v9, v34  }
0xd0: {  	v6 =	vmul.f32 v55, v34;
	v7 =	vand.u32 $0x1, v32;
	v0 =	vadd.f32 v11, v0  }
0xd1: {  	v7 =	vcvt.s32.f32 v7;
	v1 =	vadd.f32 v3, v1;
	v3 =	vmul.f32 v52, v49  }
0xd2: {  	v9 =	vmul.f32 v10, v49;
	v11 =	vand.u32 $0x1, v27;
	v0 =	vadd.f32 v6, v0  }
0xd3: {  	v11 =	vcvt.s32.f32 v11;
	v1 =	vadd.f32 v3, v1;
	v3 =	vmul.f32 v7, v44  }
0xd4: {  	v59 =	vcvt.s32.f32 v13;
	v13 =	vand.u32 $0x1, v15;
	v0 =	vadd.f32 v9, v0  }
0xd5: {  	v9 =	vcvt.s32.f32 v13;
	v1 =	vadd.f32 v3, v1;
	v3 =	vmul.f32 v11, v38;
	_ =	sdelay $0x1  }
0xd6: {  	v1 =	vadd.f32 v3, v1;
	v3 =	vmul.f32 v9, v33  }
0xd7: {  	v6 =	vmul.f32 v48, v44  }
0xd8: {  	v1 =	vadd.f32 v3, v1;
	v3 =	vld [tilespmem:$0x1FE90]  }
0xd9: {  	v7 =	vmul.f32 v24, v38;
	v0 =	vadd.f32 v6, v0;
	_ =	sdelay $0x1  }
0xda: {  	v6 =	vmul.f32 v37, v33;
	v0 =	vadd.f32 v7, v0;
	_ =	sdelay $0x1  }
0xdb: {  	v0 =	vadd.f32 v6, v0;
	v6 =	vmul.f32 v3, v28;
	v3 =	vld [tilespmem:$0x1FE70];
	_ =	sdelay $0x4  }
0xdc: {  	v21 =	vmul.f32 v3, v18;
	v3 =	vld [tilespmem:$0x1FFA0];
	_ =	sdelay $0x4  }
0xdd: {  	v25 =	vand.u32 $0x1, v3;
	v3 =	vld [tilespmem:s18+$0x40];
	_ =	sdelay $0x1  }
0xde: {  	s19 =	sadd.s32 $0x200, s19  }
0xdf: {  	v7 =	vld [tilespmem:s19+$0xC0];
	_ =	sdelay $0x1  }
0xe0: {  	[tilespmem:$0x1FA60] =	vst v3;
	v3 =	vld [tilespmem:s19+$0x40];
	_ =	sdelay $0x2  }
0xe1: {  	[tilespmem:$0x1FA40] =	vst v7;
	v7 =	vld [tilespmem:$0x1FC90];
	_ =	sdelay $0x1  }
0xe2: {  	[tilespmem:$0x1FA70] =	vst v3;
	v3 =	vld [tilespmem:$0x1FE60];
	_ =	sdelay $0x1  }
0xe3: {  	v11 =	vld [tilespmem:$0x1FFD0]  }
0xe4: {  	v7 =	vmul.f32 v7, v28;
	_ =	sdelay $0x1  }
0xe5: {  	v0 =	vadd.f32 v7, v0;
	v7 =	vmul.f32 v3, v62;
	v3 =	vld [tilespmem:$0x1FF40];
	_ =	sdelay $0x1  }
0xe6: {  	v11 =	vand.u32 $0x1, v11  }
0xe7: {  	v9 =	vcvt.s32.f32 v11  }
0xe8: {  	v1 =	vadd.f32 v6, v1  }
0xe9: {  	v6 =	vmul.f32 v9, v18;
	v18 =	vcvt.s32.f32 v25;
	v25 =	vand.u32 $0x1, v3;
	v3 =	vld [tilespmem:s18+$0xFFFFFFC0];
	_ =	sdelay $0x1  }
0xea: {  	v11 =	vld [tilespmem:$0x1FFB0];
	_ =	sdelay $0x2  }
0xeb: {  	[tilespmem:$0x1FA50] =	vst v3;
	v3 =	vld [tilespmem:$0x1FE40];
	_ =	sdelay $0x1  }
0xec: {  	v11 =	vand.u32 $0x1, v11  }
0xed: {  	v11 =	vcvt.s32.f32 v11;
	_ =	sdelay $0x1  }
0xee: {  	v1 =	vadd.f32 v6, v1;
	v6 =	vmul.f32 v11, v62;
	v11 =	vmul.f32 v3, v58;
	v3 =	vld [tilespmem:$0x1FF90];
	_ =	sdelay $0x4  }
0xef: {  	v0 =	vadd.f32 v21, v0;
	v21 =	vand.u32 $0x1, v3;
	v3 =	vld [tilespmem:$0x1FC80];
	_ =	sdelay $0x4  }
0xf0: {  	v0 =	vadd.f32 v7, v0;
	v7 =	vmul.f32 v3, v14;
	v3 =	vld [tilespmem:$0x1FF70];
	_ =	sdelay $0x3  }
0xf1: {  	v1 =	vadd.f32 v6, v1  }
0xf2: {  	v6 =	vmul.f32 v18, v58;
	v18 =	vcvt.s32.f32 v21;
	v21 =	vand.u32 $0x1, v3;
	v3 =	vld [tilespmem:s18+$0xB0];
	_ =	sdelay $0x3  }
0xf3: {  	v9 =	vld [tilespmem:$0x1FE00]  }
0xf4: {  	[tilespmem:$0x1FA80] =	vst v3;
	v3 =	vld [tilespmem:$0x1FE30];
	_ =	sdelay $0x4  }
0xf5: {  	v0 =	vadd.f32 v11, v0;
	v11 =	vmul.f32 v3, v9;
	v3 =	vld [tilespmem:$0x1FF60];
	_ =	sdelay $0x1  }
0xf6: {  	v1 =	vadd.f32 v6, v1;
	v6 =	vmul.f32 v51, v14;
	_ =	sdelay $0x1  }
0xf7: {  	v1 =	vadd.f32 v6, v1;
	v6 =	vmul.f32 v18, v9;
	v9 =	vld [tilespmem:$0x1FE10]  }
0xf8: {  	v35 =	vcvt.s32.f32 v25;
	v25 =	vand.u32 $0x1, v3;
	v3 =	vld [tilespmem:$0x1FDF0]  }
0xf9: {  	v31 =	vld [tilespmem:s18+$0xF0]  }
0xfa: {  	v8 =	vld [tilespmem:s19+$0xF0]  }
0xfb: {  	v21 =	vcvt.s32.f32 v21;
	_ =	sdelay $0x1  }
0xfc: {  	v1 =	vadd.f32 v6, v1;
	v18 =	vmul.f32 v9, v3;
	v6 =	vmul.f32 v21, v3;
	v3 =	vld [tilespmem:$0x1FDD0]  }
0xfd: {  	v0 =	vadd.f32 v7, v0  }
0xfe: {  	v6 =	vadd.f32 v6, v1;
	v1 =	vsub.f32 v31, v8  }
0xff: {  	v0 =	vadd.f32 v11, v0;
	v25 =	vcvt.s32.f32 v25  }
0x100: {  	[tilespmem:$0x1FAA0] =	vst v1;
	v1 =	vld [tilespmem:$0x1FC70]  }
0x101: {  	v0 =	vadd.f32 v18, v0;
	v11 =	vmul.f32 v19, v3;
	v18 =	vmul.f32 v25, v3;
	v3 =	vld [tilespmem:$0x1FDB0];
	_ =	sdelay $0x3  }
0x102: {  	v25 =	vld [tilespmem:$0x1FCB0]  }
0x103: {  	v8 =	vmul.f32 v1, v3;
	v1 =	vld [tilespmem:$0x1FCD0];
	_ =	sdelay $0x2  }
0x104: {  	v16 =	vld [tilespmem:s18+$0x70]  }
0x105: {  	v5 =	vld [tilespmem:s19+$0x70]  }
0x106: {  	v40 =	vmul.f32 v1, v25;
	v1 =	vld [tilespmem:$0x1FDE0]  }
0x107: {  	v12 =	vld [tilespmem:$0x1FBD0];
	_ =	sdelay $0x3  }
0x108: {  	v9 =	vld [tilespmem:$0x1F990];
	v0 =	vadd.f32 v11, v0;
	v11 =	vmul.f32 v1, v3;
	v1 =	vsub.f32 v16, v5  }
0x109: {  	v3 =	vld [tilespmem:$0x1FD90]  }
0x10a: {  	[tilespmem:$0x1FAB0] =	vst v1;
	v1 =	vld [tilespmem:$0x1FDC0]  }
0x10b: {  	s23 =	sshra.s32 s22, $0x2  }
0x10c: {  	v50 =	vld.idx.msk [tilespmem:v12+s23+$0x0 ss:$0x1], $0xffff  }
0x10d: {  	v33 =	vand.u32 $0x1, v9;
	v0 =	vadd.f32 v8, v0;
	v8 =	vld [tilespmem:$0x1FCE0]  }
0x10e: {  	v21 =	vcvt.s32.f32 v33;
	v6 =	vadd.f32 v18, v6;
	v5 =	vld [tilespmem:$0x1FCC0]  }
0x10f: {  	v37 =	vmul.f32 v1, v3;
	v1 =	vld [tilespmem:$0x1FCF0]  }
0x110: {  	v6 =	vadd.f32 v11, v6;
	v11 =	vmul.f32 v21, v3;
	v3 =	vld [tilespmem:$0x1FD10];
	_ =	sdelay $0x3  }
0x111: {  	v9 =	vld [tilespmem:$0x1FD60]  }
0x112: {  	v62 =	vmul.f32 v1, v5;
	v1 =	vshrl.u32 v50, $0x18;
	v14 =	vmul.f32 v3, v8;
	v3 =	vld [tilespmem:$0x1FEE0]  }
0x113: {  	[tilespmem:$0x1FA90] =	vst v1;
	v1 =	vld [tilespmem:$0x1FDA0];
	_ =	sdelay $0x1  }
0x114: {  	v13 =	vld [tilespmem:$0x1FF30];
	_ =	sdelay $0x1  }
0x115: {  	v54 =	vadd.s32 v3, v23;
	v3 =	vld [tilespmem:$0x1FD40]  }
0x116: {  	v6 =	vadd.f32 v11, v6;
	v11 =	vmul.f32 v35, v9;
	v1 =	vmul.f32 v1, v9;
	v9 =	vld [tilespmem:$0x1FD70];
	_ =	sdelay $0x1  }
0x117: {  	v13 =	vand.u32 $0x1, v13;
	v0 =	vadd.f32 v37, v0  }
0x118: {  	v13 =	vcvt.s32.f32 v13  }
0x119: {  	v0 =	vadd.f32 v1, v0;
	v1 =	vld [tilespmem:$0x1FD50]  }
0x11a: {  	v13 =	vmul.f32 v13, v3;
	v16 =	vmul.f32 v9, v3;
	v3 =	vld [tilespmem:$0x1FD00];
	_ =	sdelay $0x3  }
0x11b: {  	v19 =	vadd.s32 v30, v54  }
0x11c: {  	v6 =	vadd.f32 v11, v6;
	v11 =	vadd.s32 v17, v19;
	v17 =	vmul.f32 v1, v3;
	v1 =	vld [tilespmem:$0x1FC60];
	_ =	sdelay $0x4  }
0x11d: {  	v19 =	vmul.f32 v1, v3;
	v1 =	vld [tilespmem:$0x1FFE0];
	_ =	sdelay $0x2  }
0x11e: {  	v15 =	vld [tilespmem:s18+$0xC0]  }
0x11f: {  	v3 =	vld [tilespmem:$0x1FFF0]  }
0x120: {  	v11 =	vadd.s32 v1, v11;
	v1 =	vld [tilespmem:$0x1FEF0];
	_ =	sdelay $0x4  }
0x121: {  	[tilespmem:$0x1FA30] =	vst v15;
	v15 =	vadd.s32 v3, v1;
	v1 =	vld [tilespmem:$0x1FFC0];
	_ =	sdelay $0x4  }
0x122: {  	v11 =	vadd.s32 v1, v11;
	v1 =	vld [tilespmem:$0x1FEC0]  }
0x123: {  	[tilespmem:$0x1F9A0] =	vst v2;
	v2 =	vld [tilespmem:s18+$0xFFFFFFF0];
	_ =	sdelay $0x3  }
0x124: {  	v15 =	vadd.s32 v1, v15;
	v1 =	vld [tilespmem:$0x1FE80]  }
0x125: {  	[tilespmem:$0x1F9B0] =	vst v2;
	v2 =	vld [tilespmem:s19+$0xFFFFFFF0];
	_ =	sdelay $0x3  }
0x126: {  	v15 =	vadd.s32 v1, v15;
	v1 =	vld [tilespmem:$0x1FF80]  }
0x127: {  	[tilespmem:$0x1F9C0] =	vst v2;
	v2 =	vld [tilespmem:s18+$0xFFFFFF70];
	_ =	sdelay $0x3  }
0x128: {  	v11 =	vadd.s32 v1, v11;
	v1 =	vld [tilespmem:$0x1FE20]  }
0x129: {  	[tilespmem:$0x1F9D0] =	vst v2;
	v2 =	vld [tilespmem:s19+$0xFFFFFF70];
	_ =	sdelay $0x3  }
0x12a: {  	v15 =	vadd.s32 v1, v15;
	v1 =	vld [tilespmem:$0x1FD20]  }
0x12b: {  	[tilespmem:$0x1F9E0] =	vst v2;
	v2 =	vld [tilespmem:s18+$0xE0];
	_ =	sdelay $0x3  }
0x12c: {  	v15 =	vadd.s32 v1, v15;
	v1 =	vld [tilespmem:$0x1FF50]  }
0x12d: {  	[tilespmem:$0x1F9F0] =	vst v2;
	v2 =	vld [tilespmem:s19+$0xE0];
	_ =	sdelay $0x3  }
0x12e: {  	v11 =	vadd.s32 v1, v11;
	v1 =	vld [tilespmem:$0x1F9A0]  }
0x12f: {  	[tilespmem:$0x1FA00] =	vst v2;
	v2 =	vld [tilespmem:$0x1FF00];
	v6 =	vadd.f32 v13, v6;
	_ =	sdelay $0x1  }
0x130: {  	v0 =	vadd.f32 v16, v0;
	v16 =	vmul.f32 v59, v8;
	v6 =	vadd.f32 v17, v6;
	_ =	sdelay $0x1  }
0x131: {  	v6 =	vadd.f32 v16, v6;
	v16 =	vmul.f32 v1, v25;
	v1 =	vld [tilespmem:$0x1FC40]  }
0x132: {  	v63 =	vand.u32 $0x1, v2  }
0x133: {  	v2 =	vcvt.s32.f32 v63;
	_ =	sdelay $0x1  }
0x134: {  	v0 =	vadd.f32 v19, v0;
	v19 =	vmul.f32 v2, v5;
	v5 =	vld [tilespmem:$0x1F9C0]  }
0x135: {  	v15 =	vadd.s32 v1, v15;
	v1 =	vld [tilespmem:$0x1F9B0];
	_ =	sdelay $0x4  }
0x136: {  	v1 =	vsub.f32 v1, v5;
	_ =	sdelay $0x1  }
0x137: {  	[tilespmem:$0x1FAC0] =	vst v1;
	v1 =	vld [tilespmem:$0x1FBE0];
	_ =	sdelay $0x4  }
0x138: {  	v15 =	vadd.s32 v1, v15;
	v1 =	vld [tilespmem:$0x1FF10];
	_ =	sdelay $0x4  }
0x139: {  	v1 =	vadd.s32 v1, v11  }
0x13a: {  	[tilespmem:$0x1FEE0] =	vst v1;
	v1 =	vld [tilespmem:$0x1FBB0]  }
0x13b: {  	v7 =	vld.idx.msk [tilespmem:v12+s23+$0xFFFFFFD0 ss:$0x1], $0xffff;
	_ =	sdelay $0x2  }
0x13c: {  	v0 =	vadd.f32 v14, v0;
	v6 =	vadd.f32 v19, v6  }
0x13d: {  	v1 =	vadd.s32 v1, v15  }
0x13e: {  	v22 =	vld [tilespmem:$0x1FC20];
	v8 =	vmov v7;
	v7 =	vadd.f32 v62, v0;
	[tilespmem:$0x1FFF0] =	vst v1;
	v1 =	vadd.f32 v16, v6;
	_ =	sdelay $0x1  }
0x13f: {  	[tilespmem:$0x1FB70] =	vst v1;
	v1 =	vadd.f32 v40, v7  }
0x140: {  	v5 =	vld [tilespmem:$0x1F9E0]  }
0x141: {  	[tilespmem:$0x1FB80] =	vst v1;
	v1 =	vld [tilespmem:$0x1F9D0];
	_ =	sdelay $0x1  }
0x142: {  	v39 =	vld [tilespmem:s19+$0xFFFFFFE0]  }
0x143: {  	v45 =	vld [tilespmem:s18+$0xFFFFFFE0]  }
0x144: {  	v46 =	vld.idx.msk [tilespmem:v22+s23+$0x0 ss:$0x1], $0xffff  }
0x145: {  	v35 =	vld.idx.msk [tilespmem:v12+s23+$0xFFFFFFC0 ss:$0x1], $0xffff;
	v5 =	vsub.f32 v1, v5  }
0x146: {  	v6 =	vld [tilespmem:$0x1FA00]  }
0x147: {  	[tilespmem:$0x1FAD0] =	vst v5;
	v5 =	vld [tilespmem:$0x1F9F0]  }
0x148: {  	v10 =	vld [tilespmem:s18+$0x50];
	_ =	sdelay $0x1  }
0x149: {  	v43 =	vld [tilespmem:s18+$0xA0];
	v0 =	vmov v50  }
0x14a: {  	v47 =	vld [tilespmem:s19+$0x60];
	v2 =	vmovc v35;
	v30 =	vshrl.u32 v0, $0x8;
	v35 =	vshrl.u32 v0, $0x10;
	v40 =	vand.u32 $0x1, v0  }
0x14b: {  	v27 =	vld [tilespmem:s18+$0xFFFFFFD0];
	[tilespmem:$0x1FBB0] =	vst v0;
	v59 =	vsub.f32 v5, v6;
	v6 =	vandn.u32 v46, v0;
	v0 =	vsub.f32 v45, v39  }
0x14c: {  	[tilespmem:$0x1FA20] =	vst v10;
	v10 =	vld [tilespmem:s19+$0xFFFFFFD0]  }
0x14d: {  	[tilespmem:$0x1FAE0] =	vst v0;
	v0 =	vld [tilespmem:$0x1FA10]  }
0x14e: {  	v42 =	vld [tilespmem:s19+$0x50]  }
0x14f: {  	v61 =	vld [tilespmem:s18+$0xFFFFFFB0]  }
0x150: {  	v60 =	vld.idx.msk [tilespmem:v12+s23+$0xFFFFFFE0 ss:$0x1], $0xffff  }
0x151: {  	v4 =	vld.idx.msk [tilespmem:v12+s23+$0xFFFFFFF0 ss:$0x1], $0xffff  }
0x152: {  	v41 =	vld [tilespmem:s19+$0xA0];
	v62 =	vsub.f32 v0, v47;
	v0 =	vsub.f32 v27, v10  }
0x153: {  	v32 =	vld.idx.msk [tilespmem:v22+s23+$0xFFFFFFF0 ss:$0x1], $0xffff  }
0x154: {  	[tilespmem:$0x1FAF0] =	vst v0;
	v0 =	vld [tilespmem:$0x1FA20]  }
0x155: {  	v20 =	vld.idx.msk [tilespmem:v22+s23+$0xFFFFFFE0 ss:$0x1], $0xffff  }
0x156: {  	v49 =	vld [tilespmem:s19+$0xFFFFFF50];
	v1 =	vmov v4  }
0x157: {  	v24 =	vld [tilespmem:s18+$0xFFFFFF50];
	v16 =	vshrl.u32 v1, $0x8;
	v39 =	vshrl.u32 v1, $0x10  }
0x158: {  	[tilespmem:$0x1FBE0] =	vst v1;
	v5 =	vandn.u32 v32, v1;
	v32 =	vand.u32 $0x1, v1;
	v47 =	vshrl.u32 v1, $0x18;
	v1 =	vld [tilespmem:$0x1FA40]  }
0x159: {  	v4 =	vmov v60;
	v60 =	vsub.f32 v0, v42;
	v0 =	vld [tilespmem:$0x1FA30]  }
0x15a: {  	v29 =	vld [tilespmem:s18+$0xFFFFFFA0]  }
0x15b: {  	v55 =	vld [tilespmem:s19+$0x20]  }
0x15c: {  	v34 =	vld [tilespmem:s19+$0xB0];
	v49 =	vsub.f32 v24, v49  }
0x15d: {  	v44 =	vld [tilespmem:s19+$0xFFFFFFC0];
	v15 =	vshrl.u32 v4, $0x18;
	v24 =	vshrl.u32 v4, $0x10;
	v42 =	vshrl.u32 v4, $0x8  }
0x15e: {  	[tilespmem:$0x1FC40] =	vst v4;
	v46 =	vsub.f32 v0, v1;
	v1 =	vandn.u32 v20, v4;
	v20 =	vand.u32 $0x1, v4;
	v4 =	vld [tilespmem:$0x1FA50]  }
0x15f: {  	v48 =	vld [tilespmem:s19+$0xFFFFFF40]  }
0x160: {  	v52 =	vld.idx.msk [tilespmem:v22+s23+$0xFFFFFFD0 ss:$0x1], $0xffff  }
0x161: {  	v63 =	vld [tilespmem:s19+$0xFFFFFFB0]  }
0x162: {  	v28 =	vld [tilespmem:s18+$0xFFFFFF40]  }
0x163: {  	v31 =	vld [tilespmem:s18+$0x90];
	v4 =	vsub.f32 v4, v44  }
0x164: {  	v10 =	vld [tilespmem:$0x1FA70]  }
0x165: {  	[tilespmem:$0x1FB00] =	vst v4;
	v4 =	vld [tilespmem:$0x1FA60]  }
0x166: {  	v21 =	vld [tilespmem:s19+$0x90]  }
0x167: {  	v37 =	vld [tilespmem:s18+$0x20]  }
0x168: {  	v9 =	vld [tilespmem:s19+$0xFFFFFFA0]  }
0x169: {  	v13 =	vld [tilespmem:s18+$0x10]  }
0x16a: {  	v17 =	vld.idx.msk [tilespmem:v22+s23+$0xFFFFFFB0 ss:$0x1], $0xffff;
	v44 =	vsub.f32 v4, v10;
	v4 =	vsub.f32 v28, v48  }
0x16b: {  	v3 =	vld.idx.msk [tilespmem:v12+s23+$0xFFFFFFB0 ss:$0x1], $0xffff  }
0x16c: {  	[tilespmem:$0x1FB10] =	vst v4;
	v4 =	vld [tilespmem:$0x1FA80]  }
0x16d: {  	v19 =	vld [tilespmem:s18+$0xFFFFFF90]  }
0x16e: {  	v41 =	vsub.f32 v43, v41;
	v50 =	vld [tilespmem:s19+$0xFFFFFF90]  }
0x16f: {  	v21 =	vsub.f32 v31, v21;
	v7 =	vld.idx.msk [tilespmem:v22+s23+$0xFFFFFFA0 ss:$0x1], $0xffff  }
0x170: {  	[tilespmem:$0x1FB50] =	vst v41;
	v55 =	vsub.f32 v37, v55;
	v9 =	vsub.f32 v29, v9;
	v14 =	vshrl.u32 v8, $0x18;
	v0 =	vld.idx.msk [tilespmem:v12+s23+$0xFFFFFFA0 ss:$0x1], $0xffff  }
0x171: {  	[tilespmem:$0x1FBF0] =	vst v21;
	v41 =	vshrl.u32 v3, $0x18;
	v37 =	vshrl.u32 v3, $0x10;
	v11 =	vld [tilespmem:s19+$0x10];
	v4 =	vsub.f32 v4, v34  }
0x172: {  	v17 =	vandn.u32 v17, v3;
	v29 =	vand.u32 $0x1, v3;
	[tilespmem:$0x1FE80] =	vst v3;
	v25 =	vshrl.u32 v8, $0x8  }
0x173: {  	v48 =	vshrl.u32 v8, $0x10;
	[tilespmem:$0x1FB20] =	vst v4;
	v4 =	vandn.u32 v52, v8;
	v52 =	vand.u32 $0x1, v8  }
0x174: {  	v53 =	vld [tilespmem:s18+$0xFFFFFF60];
	[tilespmem:$0x1FD20] =	vst v8;
	v8 =	vsub.f32 v61, v63;
	v63 =	vshrl.u32 v3, $0x8;
	v3 =	vsub.f32 v19, v50  }
0x175: {  	v57 =	vld [tilespmem:s19+$0xFFFFFF60];
	v21 =	vandn.u32 v7, v0;
	[tilespmem:$0x1FEC0] =	vst v0;
	v7 =	vand.u32 $0x1, v0;
	v19 =	vshrl.u32 v0, $0x18  }
0x176: {  	[tilespmem:$0x1FC00] =	vst v3;
	v3 =	vsub.f32 v13, v11;
	v13 =	vshrl.u32 v0, $0x8;
	v11 =	vshrl.u32 v0, $0x10;
	v0 =	vld [tilespmem:$0x1FA90]  }
0x177: {  	v36 =	vld [tilespmem:s18+$0xD0]  }
0x178: {  	v56 =	vld [tilespmem:s19+$0xD0];
	_ =	sdelay $0x2  }
0x179: {  	v0 =	vand.u32 $0x1, v0  }
0x17a: {  	v57 =	vsub.f32 v53, v57;
	v53 =	vld [tilespmem:s19+$0xFFFFFF10];
	v0 =	vcvt.s32.f32 v0  }
0x17b: {  	v56 =	vsub.f32 v36, v56;
	v36 =	vld [tilespmem:s18+$0x80]  }
0x17c: {  	v45 =	vld [tilespmem:s18+$0xFFFFFF10];
	[tilespmem:$0x1FCD0] =	vst v0;
	v0 =	vshrl.u32 v4, $0x8  }
0x17d: {  	[tilespmem:$0x1FFD0] =	vst v0;
	v0 =	vld [tilespmem:$0x1FAC0]  }
0x17e: {  	v27 =	vld [tilespmem:s19+$0x80];
	_ =	sdelay $0x3  }
0x17f: {  	v0 =	vmul.f32 v0, v0  }
0x180: {  	v54 =	vsub.f32 v45, v53;
	v45 =	vsub.f32 v36, v27;
	v27 =	vand.u32 $0x1, v35  }
0x181: {  	[tilespmem:$0x1FCE0] =	vst v0;
	v0 =	vcvt.s32.f32 v27  }
0x182: {  	v10 =	vld [tilespmem:s18+$0x0]  }
0x183: {  	[tilespmem:$0x1FCF0] =	vst v0;
	v0 =	vld [tilespmem:$0x1FAD0]  }
0x184: {  	v28 =	vld [tilespmem:s19+$0x0];
	_ =	sdelay $0x3  }
0x185: {  	v0 =	vmul.f32 v0, v0  }
0x186: {  	v50 =	vsub.f32 v10, v28;
	v28 =	vand.u32 $0x1, v30  }
0x187: {  	[tilespmem:$0x1FD00] =	vst v0;
	v0 =	vcvt.s32.f32 v28  }
0x188: {  	v34 =	vld [tilespmem:s18+$0xFFFFFF80]  }
0x189: {  	v61 =	vld [tilespmem:s19+$0xFFFFFF80];
	[tilespmem:$0x1FD10] =	vst v0;
	v0 =	vmul.f32 v59, v59  }
0x18a: {  	v35 =	vand.u32 $0x1, v6  }
0x18b: {  	[tilespmem:$0x1FD40] =	vst v0;
	v0 =	vcvt.s32.f32 v35;
	_ =	sdelay $0x1  }
0x18c: {  	[tilespmem:$0x1FD50] =	vst v0;
	v0 =	vmul.f32 v62, v62  }
0x18d: {  	v31 =	vsub.f32 v34, v61;
	v34 =	vand.u32 $0x1, v47  }
0x18e: {  	[tilespmem:$0x1FD60] =	vst v0;
	v0 =	vcvt.s32.f32 v34;
	_ =	sdelay $0x1  }
0x18f: {  	[tilespmem:$0x1FD70] =	vst v0;
	v0 =	vld [tilespmem:$0x1FAE0];
	_ =	sdelay $0x4  }
0x190: {  	[tilespmem:$0x1FB60] =	vst v9;
	v10 =	vshrl.u32 v6, $0x10;
	v0 =	vmul.f32 v0, v0  }
0x191: {  	[tilespmem:$0x1FF00] =	vst v10;
	v10 =	vcvt.s32.f32 v40;
	v40 =	vand.u32 $0x1, v39  }
0x192: {  	[tilespmem:$0x1FD90] =	vst v0;
	v0 =	vcvt.s32.f32 v40  }
0x193: {  	[tilespmem:$0x1FE20] =	vst v2  }
0x194: {  	[tilespmem:$0x1FDA0] =	vst v0;
	v0 =	vmul.f32 v57, v57  }
0x195: {  	[tilespmem:$0x1FF10] =	vst v6;
	v36 =	vand.u32 $0x1, v16  }
0x196: {  	[tilespmem:$0x1FDB0] =	vst v0;
	v0 =	vcvt.s32.f32 v36  }
0x197: {  	v38 =	vld [tilespmem:s18+$0xFFFFFF30];
	[tilespmem:$0x1FF50] =	vst v5  }
0x198: {  	v33 =	vld [tilespmem:s19+$0xFFFFFF30];
	[tilespmem:$0x1FDC0] =	vst v0;
	v0 =	vmul.f32 v56, v56  }
0x199: {  	v51 =	vld [tilespmem:s18+$0x30];
	v16 =	vand.u32 $0x1, v5;
	[tilespmem:$0x1FF80] =	vst v1  }
0x19a: {  	v58 =	vld [tilespmem:s19+$0x30];
	[tilespmem:$0x1FDD0] =	vst v0;
	v0 =	vcvt.s32.f32 v16  }
0x19b: {  	v18 =	vld.idx.msk [tilespmem:v22+s23+$0xFFFFFFC0 ss:$0x1], $0xffff;
	[tilespmem:$0x1FB30] =	vst v8  }
0x19c: {  	v26 =	vld [tilespmem:s18+$0xFFFFFF20];
	[tilespmem:$0x1FDE0] =	vst v0;
	v0 =	vmul.f32 v60, v60  }
0x19d: {  	v23 =	vld [tilespmem:s19+$0xFFFFFF20];
	v8 =	vsub.f32 v38, v33;
	[tilespmem:$0x1FC60] =	vst v10  }
0x19e: {  	[tilespmem:$0x1FDF0] =	vst v0;
	v0 =	vld [tilespmem:$0x1FAF0]  }
0x19f: {  	v51 =	vsub.f32 v51, v58;
	v58 =	vshrl.u32 v2, $0x18;
	[tilespmem:$0x1FB40] =	vst v8  }
0x1a0: {  	v43 =	vandn.u32 v18, v2;
	v18 =	vand.u32 $0x1, v2;
	v10 =	vshrl.u32 v6, $0x8;
	[tilespmem:$0x1FC10] =	vst v3  }
0x1a1: {  	v38 =	vshrl.u32 v2, $0x8;
	v8 =	vshrl.u32 v2, $0x10;
	[tilespmem:$0x1FF20] =	vst v10;
	v10 =	vshrl.u32 v5, $0x18  }
0x1a2: {  	v2 =	vld.idx.msk [tilespmem:v12+s23+$0xFFFFFF90 ss:$0x1], $0xffff;
	v12 =	vsub.f32 v26, v23;
	v26 =	vshrl.u32 v6, $0x18;
	v6 =	vshrl.u32 v5, $0x10;
	[tilespmem:$0x1FF30] =	vst v10  }
0x1a3: {  	v9 =	vld [tilespmem:s19+$0xFFFFFF00];
	v30 =	vshrl.u32 v5, $0x8;
	v5 =	vshrl.u32 v1, $0x18;
	[tilespmem:$0x1FF40] =	vst v6;
	v0 =	vmul.f32 v0, v0  }
0x1a4: {  	v24 =	vand.u32 $0x1, v24;
	v33 =	vld [tilespmem:s18+$0xFFFFFF00];
	v6 =	vcvt.s32.f32 v32;
	[tilespmem:$0x1FF60] =	vst v5  }
0x1a5: {  	[tilespmem:$0x1FE00] =	vst v0;
	v0 =	vcvt.s32.f32 v24  }
0x1a6: {  	v23 =	vld.idx.msk [tilespmem:v22+s23+$0xFFFFFF90 ss:$0x1], $0xffff;
	v5 =	vcvt.s32.f32 v20;
	v20 =	vand.u32 $0x1, v42;
	[tilespmem:$0x1FC70] =	vst v6  }
0x1a7: {  	[tilespmem:$0x1FE10] =	vst v0;
	v0 =	vcvt.s32.f32 v20  }
0x1a8: {  	v42 =	vand.u32 $0x1, v1;
	[tilespmem:$0x1FC80] =	vst v5;
	v6 =	vand.u32 $0x1, v14  }
0x1a9: {  	v53 =	vsub.f32 v33, v9;
	v5 =	vshrl.u32 v1, $0x10;
	[tilespmem:$0x1FE30] =	vst v0;
	v0 =	vcvt.s32.f32 v6  }
0x1aa: {  	v1 =	vshrl.u32 v1, $0x8;
	[tilespmem:$0x1FEF0] =	vst v2;
	v61 =	vshrl.u32 v2, $0x18;
	v9 =	vshrl.u32 v2, $0x8  }
0x1ab: {  	v3 =	vshrl.u32 v2, $0x10;
	v23 =	vandn.u32 v23, v2;
	v2 =	vand.u32 $0x1, v2;
	[tilespmem:$0x1FE40] =	vst v0;
	v0 =	vld [tilespmem:$0x1FB00]  }
0x1ac: {  	[tilespmem:$0x1FF90] =	vst v1;
	v1 =	vcvt.s32.f32 v52;
	v39 =	vcvt.s32.f32 v2;
	v2 =	vshrl.u32 v4, $0x10  }
0x1ad: {  	[tilespmem:$0x1FFB0] =	vst v2;
	v2 =	vld [tilespmem:$0x1FAA0]  }
0x1ae: {  	[tilespmem:$0x1FC90] =	vst v1;
	v1 =	vshrl.u32 v4, $0x18  }
0x1af: {  	v10 =	vcvt.s32.f32 v18;
	[tilespmem:$0x1FFA0] =	vst v1;
	v1 =	vand.u32 $0x1, v48  }
0x1b0: {  	v18 =	vmul.f32 v0, v0;
	v0 =	vcvt.s32.f32 v1;
	v1 =	vld [tilespmem:$0x1FB10];
	_ =	sdelay $0x1  }
0x1b1: {  	v2 =	vmul.f32 v2, v2;
	_ =	sdelay $0x1  }
0x1b2: {  	[tilespmem:$0x1FCB0] =	vst v2;
	v2 =	vand.u32 $0x1, v25  }
0x1b3: {  	v28 =	vmul.f32 v1, v1;
	v1 =	vcvt.s32.f32 v2;
	v2 =	vld [tilespmem:$0x1FB30];
	_ =	sdelay $0x3  }
0x1b4: {  	[tilespmem:$0x1FF70] =	vst v5;
	v5 =	vld [tilespmem:$0x1FAB0]  }
0x1b5: {  	v62 =	vmul.f32 v44, v44;
	v44 =	vmul.f32 v2, v2;
	v2 =	vld [tilespmem:$0x1FB40];
	_ =	sdelay $0x1  }
0x1b6: {  	v29 =	vcvt.s32.f32 v29;
	v22 =	vand.u32 $0x1, v15  }
0x1b7: {  	v15 =	vshrl.u32 v43, $0x18;
	v47 =	vcvt.s32.f32 v7;
	v8 =	vand.u32 $0x1, v8  }
0x1b8: {  	v32 =	vshrl.u32 v43, $0x8;
	v22 =	vcvt.s32.f32 v22;
	v14 =	vmul.f32 v49, v49  }
0x1b9: {  	v7 =	vand.u32 $0x1, v37;
	v5 =	vmul.f32 v5, v5;
	v49 =	vmul.f32 v2, v2;
	v2 =	vld [tilespmem:$0x1FB50]  }
0x1ba: {  	[tilespmem:$0x1FFC0] =	vst v4;
	v52 =	vand.u32 $0x1, v58;
	v58 =	vmul.f32 v46, v46;
	v46 =	vcvt.s32.f32 v42  }
0x1bb: {  	v37 =	vcvt.s32.f32 v52;
	[tilespmem:$0x1FCC0] =	vst v5;
	v5 =	vand.u32 $0x1, v4;
	v4 =	vand.u32 $0x1, v13  }
0x1bc: {  	v27 =	vshrl.u32 v43, $0x10;
	v25 =	vand.u32 $0x1, v38;
	v38 =	vmul.f32 v51, v51;
	[tilespmem:$0x1FE70] =	vst v1;
	v1 =	vld [tilespmem:$0x1FB20]  }
0x1bd: {  	v48 =	vcvt.s32.f32 v25;
	v35 =	vmovc v21;
	v21 =	vand.u32 $0x1, v41;
	v41 =	vshrl.u32 v17, $0x10  }
0x1be: {  	p1 =	sne.s32 s22, $0x1E00;
	v57 =	vshrl.u32 v17, $0x18;
	v36 =	vcvt.s32.f32 v7;
	v34 =	vmul.f32 v2, v2;
	v2 =	vld [tilespmem:$0x1FB60]  }
.Ltmp0:
0x1bf: {  	v56 =	vmul.f32 v55, v55;
	v55 =	vcvt.s32.f32 v21;
	v16 =	vand.u32 $0x1, v43;
	(pc) =	sbr.rel @p1 .LBB2_3-.Ltmp0, $4  }
0x1c0: {  	[tilespmem:$0x1FFE0] =	vst v43;
	v43 =	vshrl.u32 v35, $0x10;
	v52 =	vcvt.s32.f32 v16;
	v24 =	vcvt.s32.f32 v8  }
0x1c1: {  	v60 =	vshrl.u32 v17, $0x8;
	v33 =	vmul.f32 v1, v1;
	v1 =	vcvt.s32.f32 v5  }
0x1c2: {  	v6 =	vand.u32 $0x1, v17;
	[tilespmem:$0x1FE60] =	vst v0;
	v0 =	vand.u32 $0x1, v63;
	v63 =	vshrl.u32 v35, $0x18  }
0x1c3: {  	s22 =	sadd.s32 $0x200, s22;
	v5 =	vand.u32 $0x1, v11;
	[tilespmem:$0x1FE90] =	vst v1;
	v1 =	vand.u32 $0x1, v19;
	v19 =	vmovc v12;
	v59 =	vmul.f32 v2, v2  }
0x1c4: {  	v2 =	vand.u32 $0x1, v23;
	v7 =	vmul.f32 v53, v53  }
0x1c5: {  	v8 =	vshrl.u32 v23, $0x8;
	v12 =	vmul.f32 v31, v31;
	v40 =	vmul.f32 v50, v50  }
0x1c6: {  	v9 =	vand.u32 $0x1, v9;
	v25 =	vld [tilespmem:$0x1FB70];
	v53 =	vmul.f32 v45, v45;
	v21 =	vmul.f32 v54, v54  }
0x1c7: {  	v31 =	vld [tilespmem:$0x1FB80];
	v3 =	vand.u32 $0x1, v3;
	v4 =	vcvt.s32.f32 v4;
	v5 =	vcvt.s32.f32 v5  }
0x1c8: {  	v2 =	vcvt.s32.f32 v2;
	v8 =	vand.u32 $0x1, v8;
	v9 =	vcvt.s32.f32 v9  }
0x1c9: {  	v50 =	vshrl.u32 v23, $0x18;
	v3 =	vcvt.s32.f32 v3;
	v8 =	vcvt.s32.f32 v8  }
0x1ca: {  	v51 =	vand.u32 $0x1, v61;
	v2 =	vmul.f32 v2, v7;
	v7 =	vmul.f32 v39, v7  }
0x1cb: {  	v9 =	vmul.f32 v9, v12;
	v39 =	vshrl.u32 v23, $0x10;
	v8 =	vmul.f32 v8, v12  }
0x1cc: {  	v12 =	vand.u32 $0x1, v39;
	v2 =	vadd.f32 v2, v25;
	v7 =	vadd.f32 v7, v31  }
0x1cd: {  	v20 =	vand.u32 $0x1, v35;
	v1 =	vcvt.s32.f32 v1;
	v12 =	vcvt.s32.f32 v12  }
0x1ce: {  	v11 =	vld [tilespmem:$0x1FC00];
	v3 =	vmul.f32 v3, v40;
	v2 =	vadd.f32 v8, v2;
	v7 =	vadd.f32 v9, v7  }
0x1cf: {  	v42 =	vmul.f32 v12, v40;
	v9 =	vand.u32 $0x1, v50;
	v12 =	vcvt.s32.f32 v51  }
0x1d0: {  	v6 =	vcvt.s32.f32 v6;
	v25 =	vshrl.u32 v35, $0x8;
	v9 =	vcvt.s32.f32 v9  }
0x1d1: {  	v40 =	vld [tilespmem:$0x1FC10];
	v2 =	vadd.f32 v42, v2;
	v3 =	vadd.f32 v3, v7;
	v7 =	vmul.f32 v12, v53  }
0x1d2: {  	v12 =	vand.u32 $0x1, v25;
	v61 =	vmul.f32 v9, v53;
	v9 =	vcvt.s32.f32 v20  }
0x1d3: {  	v13 =	vmul.f32 v11, v11;
	v42 =	vand.u32 $0x1, v43;
	v43 =	vld [tilespmem:$0x1FBF0];
	v31 =	vcvt.s32.f32 v12  }
0x1d4: {  	v39 =	vmul.f32 v47, v21;
	v2 =	vadd.f32 v61, v2;
	v9 =	vmul.f32 v9, v21  }
0x1d5: {  	v47 =	vand.u32 $0x1, v63;
	v3 =	vadd.f32 v7, v3;
	v7 =	vmul.f32 v31, v13  }
0x1d6: {  	v8 =	vmul.f32 v40, v40;
	v2 =	vadd.f32 v9, v2;
	v9 =	vcvt.s32.f32 v42  }
0x1d7: {  	v4 =	vmul.f32 v4, v13;
	v50 =	vcvt.s32.f32 v47;
	v3 =	vadd.f32 v39, v3  }
0x1d8: {  	v45 =	vmul.f32 v43, v43;
	v2 =	vadd.f32 v7, v2;
	v7 =	vmul.f32 v9, v8  }
0x1d9: {  	v5 =	vmul.f32 v5, v8;
	v3 =	vadd.f32 v4, v3;
	v4 =	vmul.f32 v19, v19  }
0x1da: {  	v1 =	vmul.f32 v1, v45;
	v2 =	vadd.f32 v7, v2;
	v7 =	vmul.f32 v50, v45  }
0x1db: {  	v3 =	vadd.f32 v5, v3;
	v5 =	vand.u32 $0x1, v60;
	v51 =	vmul.f32 v29, v4  }
0x1dc: {  	v4 =	vmul.f32 v6, v4;
	v5 =	vcvt.s32.f32 v5;
	v2 =	vadd.f32 v7, v2  }
0x1dd: {  	v0 =	vcvt.s32.f32 v0;
	v1 =	vadd.f32 v1, v3;
	v3 =	vand.u32 $0x1, v41  }
0x1de: {  	v3 =	vcvt.s32.f32 v3;
	v2 =	vadd.f32 v4, v2;
	v4 =	vmul.f32 v5, v59  }
0x1df: {  	v0 =	vmul.f32 v0, v59;
	v1 =	vadd.f32 v51, v1;
	v5 =	vand.u32 $0x1, v57  }
0x1e0: {  	v3 =	vmul.f32 v3, v56;
	v2 =	vadd.f32 v4, v2;
	v4 =	vcvt.s32.f32 v5  }
0x1e1: {  	v0 =	vadd.f32 v0, v1;
	v5 =	vmul.f32 v36, v56  }
0x1e2: {  	v1 =	vadd.f32 v3, v2;
	v2 =	vmul.f32 v4, v34  }
0x1e3: {  	v3 =	vmul.f32 v55, v34;
	v0 =	vadd.f32 v5, v0;
	v4 =	vand.u32 $0x1, v32  }
0x1e4: {  	v16 =	vmovc v10;
	v1 =	vadd.f32 v2, v1;
	v2 =	vcvt.s32.f32 v4;
	v4 =	vmul.f32 v52, v49  }
0x1e5: {  	v5 =	vmul.f32 v16, v49;
	v0 =	vadd.f32 v3, v0  }
0x1e6: {  	v1 =	vadd.f32 v4, v1;
	v2 =	vmul.f32 v2, v44  }
0x1e7: {  	v3 =	vand.u32 $0x1, v27;
	v4 =	vmul.f32 v48, v44;
	v0 =	vadd.f32 v5, v0  }
0x1e8: {  	v3 =	vcvt.s32.f32 v3;
	v5 =	vand.u32 $0x1, v15;
	v1 =	vadd.f32 v2, v1  }
0x1e9: {  	v2 =	vcvt.s32.f32 v5;
	v5 =	vmul.f32 v24, v38;
	v0 =	vadd.f32 v4, v0;
	v4 =	vld [tilespmem:$0x1FFD0];
	_ =	sdelay $0x1  }
0x1ea: {  	v3 =	vmul.f32 v3, v38;
	v0 =	vadd.f32 v5, v0;
	v5 =	vld [tilespmem:$0x1FC90];
	_ =	sdelay $0x1  }
0x1eb: {  	v1 =	vadd.f32 v3, v1;
	v2 =	vmul.f32 v2, v33  }
0x1ec: {  	v3 =	vmul.f32 v37, v33;
	v4 =	vand.u32 $0x1, v4  }
0x1ed: {  	v1 =	vadd.f32 v2, v1;
	v2 =	vcvt.s32.f32 v4;
	v4 =	vld [tilespmem:$0x1FE90]  }
0x1ee: {  	v0 =	vadd.f32 v3, v0;
	v5 =	vmul.f32 v5, v28  }
0x1ef: {  	v3 =	vld [tilespmem:$0x1FFB0]  }
0x1f0: {  	v0 =	vadd.f32 v5, v0;
	v5 =	vld [tilespmem:$0x1FFA0];
	_ =	sdelay $0x1  }
0x1f1: {  	v4 =	vmul.f32 v4, v28;
	_ =	sdelay $0x1  }
0x1f2: {  	v2 =	vmul.f32 v2, v18;
	v1 =	vadd.f32 v4, v1;
	v4 =	vld [tilespmem:$0x1FE70]  }
0x1f3: {  	v3 =	vand.u32 $0x1, v3;
	v5 =	vand.u32 $0x1, v5  }
0x1f4: {  	v3 =	vcvt.s32.f32 v3;
	v1 =	vadd.f32 v2, v1;
	v2 =	vcvt.s32.f32 v5;
	v5 =	vld [tilespmem:$0x1FE60];
	_ =	sdelay $0x1  }
0x1f5: {  	v3 =	vmul.f32 v3, v62  }
0x1f6: {  	v4 =	vmul.f32 v4, v18  }
0x1f7: {  	v1 =	vadd.f32 v3, v1;
	v3 =	vld [tilespmem:$0x1FE40]  }
0x1f8: {  	v5 =	vmul.f32 v5, v62;
	v0 =	vadd.f32 v4, v0;
	v4 =	vld [tilespmem:$0x1FF90];
	_ =	sdelay $0x1  }
0x1f9: {  	v0 =	vadd.f32 v5, v0;
	v5 =	vld [tilespmem:$0x1FC80];
	_ =	sdelay $0x1  }
0x1fa: {  	v2 =	vmul.f32 v2, v58  }
0x1fb: {  	v3 =	vmul.f32 v3, v58;
	v4 =	vand.u32 $0x1, v4  }
0x1fc: {  	v1 =	vadd.f32 v2, v1;
	v2 =	vcvt.s32.f32 v4;
	v4 =	vmul.f32 v46, v14  }
0x1fd: {  	v0 =	vadd.f32 v3, v0;
	v5 =	vmul.f32 v5, v14  }
0x1fe: {  	v1 =	vadd.f32 v4, v1;
	v4 =	vld [tilespmem:$0x1FE00]  }
0x1ff: {  	v0 =	vadd.f32 v5, v0;
	v5 =	vld [tilespmem:$0x1FF60];
	_ =	sdelay $0x2  }
0x200: {  	v3 =	vld [tilespmem:$0x1FF70]  }
0x201: {  	v6 =	vld [tilespmem:$0x1FE30];
	v2 =	vmul.f32 v2, v4  }
0x202: {  	v5 =	vand.u32 $0x1, v5  }
0x203: {  	v1 =	vadd.f32 v2, v1;
	v2 =	vcvt.s32.f32 v5;
	v5 =	vld [tilespmem:$0x1FDF0];
	_ =	sdelay $0x1  }
0x204: {  	v3 =	vand.u32 $0x1, v3  }
0x205: {  	v3 =	vcvt.s32.f32 v3;
	v4 =	vmul.f32 v6, v4;
	v6 =	vld [tilespmem:$0x1FE10];
	_ =	sdelay $0x1  }
0x206: {  	v3 =	vmul.f32 v3, v5;
	_ =	sdelay $0x1  }
0x207: {  	v1 =	vadd.f32 v3, v1;
	v3 =	vld [tilespmem:$0x1FDD0]  }
0x208: {  	v0 =	vadd.f32 v4, v0;
	v4 =	vld [tilespmem:$0x1FDE0];
	v5 =	vmul.f32 v6, v5  }
0x209: {  	v6 =	vld [tilespmem:$0x1FDB0]  }
0x20a: {  	v0 =	vadd.f32 v5, v0;
	v5 =	vld [tilespmem:$0x1FC70];
	_ =	sdelay $0x1  }
0x20b: {  	v2 =	vmul.f32 v2, v3  }
0x20c: {  	v3 =	vmul.f32 v22, v3  }
0x20d: {  	v4 =	vmul.f32 v4, v6;
	v1 =	vadd.f32 v2, v1  }
0x20e: {  	v5 =	vmul.f32 v5, v6;
	v0 =	vadd.f32 v3, v0;
	v3 =	vld [tilespmem:$0x1FDC0]  }
0x20f: {  	v1 =	vadd.f32 v4, v1;
	v4 =	vld [tilespmem:$0x1FD90]  }
0x210: {  	v0 =	vadd.f32 v5, v0;
	v5 =	vld [tilespmem:$0x1FF30]  }
0x211: {  	v2 =	vand.u32 $0x1, v30  }
0x212: {  	v2 =	vcvt.s32.f32 v2;
	_ =	sdelay $0x1  }
0x213: {  	v3 =	vmul.f32 v3, v4;
	v2 =	vmul.f32 v2, v4;
	v4 =	vld [tilespmem:$0x1FF40]  }
0x214: {  	v5 =	vand.u32 $0x1, v5  }
0x215: {  	v1 =	vadd.f32 v2, v1;
	v2 =	vcvt.s32.f32 v5;
	v5 =	vld [tilespmem:$0x1FD60]  }
0x216: {  	v0 =	vadd.f32 v3, v0;
	v3 =	vld [tilespmem:$0x1FDA0];
	_ =	sdelay $0x1  }
0x217: {  	v4 =	vand.u32 $0x1, v4  }
0x218: {  	v7 =	vld [tilespmem:$0x1FD70];
	v4 =	vcvt.s32.f32 v4  }
0x219: {  	v6 =	vld [tilespmem:$0x1FD40]  }
0x21a: {  	v3 =	vmul.f32 v3, v5;
	v4 =	vmul.f32 v4, v5;
	v5 =	vld [tilespmem:$0x1FEE0];
	_ =	sdelay $0x4  }
0x21b: {  	v2 =	vmul.f32 v2, v6;
	v6 =	vmul.f32 v7, v6;
	v7 =	vld [tilespmem:$0x1FD00];
	v5 =	vadd.s32 v5, v23  }
0x21c: {  	v1 =	vadd.f32 v4, v1;
	v4 =	vld [tilespmem:$0x1FD50];
	v5 =	vadd.s32 v35, v5  }
0x21d: {  	v0 =	vadd.f32 v3, v0;
	v3 =	vadd.s32 v17, v5;
	v5 =	vld [tilespmem:$0x1FC60];
	_ =	sdelay $0x4  }
0x21e: {  	v4 =	vmul.f32 v4, v7;
	v5 =	vmul.f32 v5, v7;
	v7 =	vld [tilespmem:$0x1FFE0];
	_ =	sdelay $0x3  }
0x21f: {  	v0 =	vadd.f32 v6, v0;
	v6 =	vld [tilespmem:$0x1FEF0]  }
0x220: {  	v3 =	vadd.s32 v7, v3;
	v7 =	vld [tilespmem:$0x1FFF0];
	_ =	sdelay $0x4  }
0x221: {  	v1 =	vadd.f32 v2, v1;
	v6 =	vadd.s32 v7, v6;
	v7 =	vld [tilespmem:$0x1FFC0]  }
0x222: {  	v55 =	vld [tilespmem:$0x1FEC0]  }
0x223: {  	v1 =	vadd.f32 v4, v1;
	v4 =	vld [tilespmem:$0x1FE80]  }
0x224: {  	v0 =	vadd.f32 v5, v0;
	v5 =	vld [tilespmem:$0x1FF80];
	_ =	sdelay $0x1  }
0x225: {  	v3 =	vadd.s32 v7, v3;
	v7 =	vld [tilespmem:$0x1FF00]  }
0x226: {  	v6 =	vadd.s32 v55, v6  }
0x227: {  	v4 =	vadd.s32 v4, v6;
	v6 =	vld [tilespmem:$0x1FCC0]  }
0x228: {  	v3 =	vadd.s32 v5, v3;
	v5 =	vld [tilespmem:$0x1FCF0];
	_ =	sdelay $0x1  }
0x229: {  	v7 =	vand.u32 $0x1, v7  }
0x22a: {  	v7 =	vcvt.s32.f32 v7;
	_ =	sdelay $0x1  }
0x22b: {  	v5 =	vmul.f32 v5, v6;
	v6 =	vmul.f32 v7, v6;
	v7 =	vld [tilespmem:$0x1FE20];
	_ =	sdelay $0x4  }
0x22c: {  	v4 =	vadd.s32 v7, v4;
	v7 =	vld [tilespmem:$0x1FD20]  }
0x22d: {  	v2 =	vld [tilespmem:$0x1FF20];
	_ =	sdelay $0x2  }
0x22e: {  	v53 =	vld [tilespmem:$0x1FCE0]  }
0x22f: {  	v4 =	vadd.s32 v7, v4;
	v7 =	vld [tilespmem:$0x1FF50]  }
0x230: {  	v2 =	vand.u32 $0x1, v2  }
0x231: {  	v54 =	vld [tilespmem:$0x1FD10];
	v2 =	vcvt.s32.f32 v2;
	_ =	sdelay $0x1  }
0x232: {  	v56 =	vld [tilespmem:$0x1FCB0];
	v2 =	vmul.f32 v2, v53  }
0x233: {  	p1 =	sgt.u32 s3, $0xD;
	v3 =	vadd.s32 v7, v3;
	v7 =	vld [tilespmem:$0x1FC40]  }
0x234: {  	s18 =	sadd.s32 @!p1 s3, s15;
	v58 =	vld [tilespmem:$0x1FF10];
	v1 =	vadd.f32 v2, v1  }
0x235: {  	s19 =	sshll.u32 @!p1 s18, $0xA;
	v8 =	vmul.f32 v54, v53;
	v57 =	vld [tilespmem:$0x1FBE0];
	v2 =	vand.u32 $0x1, v26  }
0x236: {  	s19 =	sand.u32 @!p1 $0x1FFFFC00, s19;
	v2 =	vcvt.s32.f32 v2;
	v1 =	vadd.f32 v6, v1;
	v6 =	vld [tilespmem:$0x1FBB0]  }
0x237: {  	s23 =	simm.s32 @!p1 $0x0;
	s18 =	sshll.u32 @!p1 s18, $0x8;
	s22 =	sadd.s32 @!p1 s1, s19;
	v0 =	vadd.f32 v8, v0  }
0x238: {  	[tilespmem:s21], [sflag:$0x1] =	stream.linear.gather @!p1 [hbm4b:s22+s23], $0x2000, $0x38;
	v2 =	vmul.f32 v2, v56;
	v4 =	vadd.s32 v7, v4;
	v7 =	vld [tilespmem:$0x1FCD0]  }
0x239: {  	s18 =	sand.u32 @!p1 $0x1FFFFF00, s18;
	s19 =	sadd.s32 @!p1 s2, s19;
	s21 =	sor.u32 @!p1 $0x4000, s21;
	v0 =	vadd.f32 v5, v0;
	v3 =	vadd.s32 v58, v3  }
0x23a: {  	[tilespmem:s21], [sflag:$0x2] =	stream.linear.gather @!p1 [hbm4b:s19+s23], $0x2000, $0x38;
	v5 =	vadd.f32 v2, v1;
	v8 =	vand.u32 $0xFF, v3;
	v4 =	vadd.s32 v57, v4;
	[tilespmem:$0xA200] =	vst v63  }
0x23b: {  	s19 =	sor.u32 @!p1 $0x8000, s20;
	s21 =	sadd.s32 @!p1 s5, s18;
	v59 =	vshrl.u32 v3, $0x18;
	v4 =	vadd.s32 v6, v4;
	v6 =	vshrl.u32 v3, $0x8  }
0x23c: {  	[tilespmem:s19], [sflag:$0x3] =	stream.linear.gather @!p1 [hbm4b:s21+s23], $0x800, $0x38;
	v8 =	vadd.s32 v8, v59;
	v3 =	vshrl.u32 v3, $0x10;
	v6 =	vand.u32 $0xFF, v6;
	[tilespmem:$0xA200] =	vst v63  }
0x23d: {  	s3 =	sadd.s32 $0x1, s3;
	s18 =	sadd.s32 @!p1 s6, s18;
	s19 =	sor.u32 @!p1 $0x9000, s20;
	v60 =	vand.u32 $0xFF, v4;
	v61 =	vshrl.u32 v4, $0x18;
	v7 =	vmul.f32 v7, v56  }
0x23e: {  	[tilespmem:s19], [sflag:$0x4] =	stream.linear.gather @!p1 [hbm4b:s18+s23], $0x800, $0x38;
	v1 =	vld [tilespmem:$0x1FB90];
	v63 =	vshrl.u32 v4, $0x8;
	v4 =	vshrl.u32 v4, $0x10;
	v3 =	vand.u32 $0xFF, v3  }
0x23f: {  	p1 =	sne.s32 s3, $0x10;
	v62 =	vadd.s32 v60, v61;
	v9 =	vand.u32 $0xFF, v63;
	v2 =	vadd.f32 v7, v0;
	v0 =	vld [tilespmem:$0x1FBA0]  }
.Ltmp1:
0x240: {  	v6 =	vadd.s32 v6, v8;
	v4 =	vand.u32 $0xFF, v4;
	v8 =	vadd.s32 v9, v62;
	(pc) =	sbr.rel @p1 .LBB2_2-.Ltmp1, $3  }
0x241: {  	v3 =	vadd.s32 v3, v6;
	v4 =	vadd.s32 v4, v8  }
0x242: {  	v3 =	vcvt.s32.f32 v3;
	v4 =	vcvt.s32.f32 v4;
	_ =	sdelay $0x1  }
0x243: {  	p0 =	por !p0, !p0;
	v1 =	vadd.f32 v3, v1;
	v0 =	vadd.f32 v4, v0  }
0x244: {  	[tilespmem:$0xA000] =	vst v5  }
0x245: {  	[tilespmem:$0xA100] =	vst v2;
	s0 =	sadd.s32 $0x1, s0  }
0x246: {  	[tilespmem:$0xA080] =	vst v1;
	p0 =	sne.s32 s0, s17  }
.Ltmp2:
0x247: {  	[tilespmem:$0xA180] =	vst v0;
	(pc) =	sbr.rel @p0 .LBB2_1-.Ltmp2, $4  }
0x248: {  	[hbm4b:s16+s4] =	stream.linear.scatter [tilespmem:s30], [sflag:$0x5], $0x200, $0x38;
	[tilespmem:$0xA200] =	vst v63  }
0x249: {  	_ =	swait.ge [sflag:s31], $0x200  }
0x24a: {  	[sflag:s31] =	ssyncset.done $0x0  }
0x24b: {  	[sflag:s31] =	ssyncadd.s32 $0xFFFFFE00  }
0x24c: {  	_ =	sfence.sel $0x180000  }
0x24d: {  	[bflag:$0x0] =	sbarrier.arrive $0xFFFF  }
0x24e: {  	_ =	strace $0x90000047  }
0x24f: {  	s0 =	stileid.u32;
	[bflag:$0x2] =	sbarrier.arrive $0xFFFF  }
0x250: {  	p0 =	sne.s32 s0, $0x0;
	s0 =	rddreg [dreg:$0x3]  }
0x251: {  	s0 =	sadd.s32 @!p0 $0x100000, s0  }
0x252: {  	[sflag:s0] =	ssyncadd.tile.s32 @!p0 $0x1;
	_ =	shalt  }
.Lfunc_end2:
_tile_overlayer_lowered:
.L_overlay_start_2:
0x253: {  	(tag) =	ssettag $0x2  }
0x254: {  	s0 =	rddreg [dreg:$0x0];
	s2 =	stileid.u32  }
0x255: {  	s1 =	rddreg [dreg:$0x1];
	p0 =	sne.s32 s2, $0x0  }
0x256: {  	s3 =	rddreg [dreg:$0x2];
	[bflag:$0x3] =	sbarrier.arrive $0xFFFF;
	s2 =	simm.s32 @!p0 $0x1C05  }
0x257: {  	[timem:s3], [sflag:s2] =	dma.local @!p0 [hbm:s0], s1  }
0x258: {  	s0 =	simm.s32 @!p0 $0x5  }
0x259: {  	_ =	swait.ge @!p0 [sflag:s0], s1  }
0x25a: {  	s1 =	ssub.s32 @!p0 $0x0, s1;
	[sflag:s0] =	ssyncset.done @!p0 $0x0  }
0x25b: {  	[sflag:s0] =	ssyncadd.s32 @!p0 s1  }
0x25c: {  	[bflag:$0x3] =	sbarrier.arrive $0xFFFF  }
0x25d: {  	_ =	shalt  }

</sc_bundles>
